<compile_context>
chip_gen: v7x
topology: tpu7x:2x2x1
jax: 0.10.2.dev20260603
libtpu: 0.0.44.dev20260713+nightly
codegen_flags: <defaults>
</compile_context>

<pallas_src>
import functools

import jax
import jax.numpy as jnp
import numpy as np
from jax import lax
from jax.experimental import pallas as pl
from jax.experimental.pallas import tpu as pltpu
from jax.experimental.pallas import tpu_sc as plsc

K = 5
NPF = 4

NSF = 2048
NTF = 4096
NSV = 5000
NTV = 8192
NPTS = NSF * NPF
SV_PAD = 5120

NW = 32
SB_CH = NSF // NW
TB_CH = NTF // NW
PT_CH = NPTS // NW
L = 16

TILE = 256
GRID = NPTS // TILE
FWD_STEPS = NSF // TILE


def _weights_impl():
    rk = jax.random.key(42)
    r1 = jnp.sqrt(jax.random.uniform(jax.random.fold_in(rk, 0),
                                     (NSF, NPF), dtype=jnp.float32))
    r2 = jax.random.uniform(jax.random.fold_in(rk, 1), (NSF, NPF),
                            dtype=jnp.float32)
    return ((1.0 - r1).reshape(-1), (r1 * (1.0 - r2)).reshape(-1),
            (r1 * r2).reshape(-1))


_wcache = []


def _get_weights():
    if not _wcache:
        try:
            with jax.default_device(jax.local_devices(backend="cpu")[0]):
                vals = jax.jit(_weights_impl)()
            _wcache.append(tuple(np.asarray(v) for v in vals))
        except Exception:
            _wcache.append(None)
    cached = _wcache[0]
    if cached is None:
        return _weights_impl()
    return tuple(jnp.asarray(v) for v in cached)


def _sc_gather_body(svx, svy, svz, tvx, tvy, tvz,
                    sf1, sf2, sf3, tf1, tf2, tf3,
                    w1, w2, w3, fp,
                    sbx_o, sby_o, sbz_o, tbx_o, tby_o, tbz_o,
                    px_o, py_o, pz_o, pfp_o,
                    svx_v, svy_v, svz_v, tvx_v, tvy_v, tvz_v,
                    sf1_v, sf2_v, sf3_v, tf1_v, tf2_v, tf3_v,
                    w1_v, w2_v, w3_v, fp_v,
                    sb_bx, sb_by, sb_bz, tb_bx, tb_by, tb_bz,
                    p_bx, p_by, p_bz, p_bf):
    wid = lax.axis_index("s") * 2 + lax.axis_index("c")
    pltpu.sync_copy(svx, svx_v)
    pltpu.sync_copy(svy, svy_v)
    pltpu.sync_copy(svz, svz_v)
    pltpu.sync_copy(tvx, tvx_v)
    pltpu.sync_copy(tvy, tvy_v)
    pltpu.sync_copy(tvz, tvz_v)
    pltpu.sync_copy(sf1.at[pl.ds(wid * SB_CH, SB_CH)], sf1_v)
    pltpu.sync_copy(sf2.at[pl.ds(wid * SB_CH, SB_CH)], sf2_v)
    pltpu.sync_copy(sf3.at[pl.ds(wid * SB_CH, SB_CH)], sf3_v)
    pltpu.sync_copy(tf1.at[pl.ds(wid * TB_CH, TB_CH)], tf1_v)
    pltpu.sync_copy(tf2.at[pl.ds(wid * TB_CH, TB_CH)], tf2_v)
    pltpu.sync_copy(tf3.at[pl.ds(wid * TB_CH, TB_CH)], tf3_v)
    pltpu.sync_copy(w1.at[pl.ds(wid * PT_CH, PT_CH)], w1_v)
    pltpu.sync_copy(w2.at[pl.ds(wid * PT_CH, PT_CH)], w2_v)
    pltpu.sync_copy(w3.at[pl.ds(wid * PT_CH, PT_CH)], w3_v)
    pltpu.sync_copy(fp.at[pl.ds(wid * SB_CH, SB_CH)], fp_v)

    third = jnp.float32(1.0 / 3.0)

    def bary_group(f1_v, f2_v, f3_v, vx, vy, vz, bx, by, bz, base):
        i1 = f1_v[pl.ds(base, L)]
        i2 = f2_v[pl.ds(base, L)]
        i3 = f3_v[pl.ds(base, L)]
        gx = (plsc.load_gather(vx, [i1]) + plsc.load_gather(vx, [i2])
              + plsc.load_gather(vx, [i3])) * third
        gy = (plsc.load_gather(vy, [i1]) + plsc.load_gather(vy, [i2])
              + plsc.load_gather(vy, [i3])) * third
        gz = (plsc.load_gather(vz, [i1]) + plsc.load_gather(vz, [i2])
              + plsc.load_gather(vz, [i3])) * third
        bx[pl.ds(base, L)] = gx
        by[pl.ds(base, L)] = gy
        bz[pl.ds(base, L)] = gz

    for g in range(SB_CH // L):
        bary_group(sf1_v, sf2_v, sf3_v, svx_v, svy_v, svz_v,
                   sb_bx, sb_by, sb_bz, g * L)
    for g in range(TB_CH // L):
        bary_group(tf1_v, tf2_v, tf3_v, tvx_v, tvy_v, tvz_v,
                   tb_bx, tb_by, tb_bz, g * L)

    iota = lax.iota(jnp.int32, L)
    for g in range(PT_CH // L):
        base = g * L
        lidx = lax.shift_right_logical(iota + base, 2)
        i1 = plsc.load_gather(sf1_v, [lidx])
        i2 = plsc.load_gather(sf2_v, [lidx])
        i3 = plsc.load_gather(sf3_v, [lidx])
        u1 = w1_v[pl.ds(base, L)]
        u2 = w2_v[pl.ds(base, L)]
        u3 = w3_v[pl.ds(base, L)]
        p_bx[pl.ds(base, L)] = (u1 * plsc.load_gather(svx_v, [i1])
                                + u2 * plsc.load_gather(svx_v, [i2])
                                + u3 * plsc.load_gather(svx_v, [i3]))
        p_by[pl.ds(base, L)] = (u1 * plsc.load_gather(svy_v, [i1])
                                + u2 * plsc.load_gather(svy_v, [i2])
                                + u3 * plsc.load_gather(svy_v, [i3]))
        p_bz[pl.ds(base, L)] = (u1 * plsc.load_gather(svz_v, [i1])
                                + u2 * plsc.load_gather(svz_v, [i2])
                                + u3 * plsc.load_gather(svz_v, [i3]))
        p_bf[pl.ds(base, L)] = plsc.load_gather(fp_v, [lidx])

    pltpu.sync_copy(sb_bx, sbx_o.at[pl.ds(wid * SB_CH, SB_CH)])
    pltpu.sync_copy(sb_by, sby_o.at[pl.ds(wid * SB_CH, SB_CH)])
    pltpu.sync_copy(sb_bz, sbz_o.at[pl.ds(wid * SB_CH, SB_CH)])
    pltpu.sync_copy(tb_bx, tbx_o.at[pl.ds(wid * TB_CH, TB_CH)])
    pltpu.sync_copy(tb_by, tby_o.at[pl.ds(wid * TB_CH, TB_CH)])
    pltpu.sync_copy(tb_bz, tbz_o.at[pl.ds(wid * TB_CH, TB_CH)])
    pltpu.sync_copy(p_bx, px_o.at[pl.ds(wid * PT_CH, PT_CH)])
    pltpu.sync_copy(p_by, py_o.at[pl.ds(wid * PT_CH, PT_CH)])
    pltpu.sync_copy(p_bz, pz_o.at[pl.ds(wid * PT_CH, PT_CH)])
    pltpu.sync_copy(p_bf, pfp_o.at[pl.ds(wid * PT_CH, PT_CH)])


_f32 = jnp.float32
_i32 = jnp.int32


def _make_sc_gather():
    return functools.partial(
        pl.kernel,
        mesh=plsc.VectorSubcoreMesh(core_axis_name="c", subcore_axis_name="s"),
        compiler_params=pltpu.CompilerParams(use_tc_tiling_on_sc=False,
                                             needs_layout_passes=False),
        out_type=[
        jax.ShapeDtypeStruct((NSF,), _f32),
        jax.ShapeDtypeStruct((NSF,), _f32),
        jax.ShapeDtypeStruct((NSF,), _f32),
        jax.ShapeDtypeStruct((NTF,), _f32),
        jax.ShapeDtypeStruct((NTF,), _f32),
        jax.ShapeDtypeStruct((NTF,), _f32),
        jax.ShapeDtypeStruct((NPTS,), _f32),
        jax.ShapeDtypeStruct((NPTS,), _f32),
        jax.ShapeDtypeStruct((NPTS,), _f32),
        jax.ShapeDtypeStruct((NPTS,), _f32),
    ],
    scratch_types=[
        pltpu.VMEM((SV_PAD,), _f32), pltpu.VMEM((SV_PAD,), _f32),
        pltpu.VMEM((SV_PAD,), _f32),
        pltpu.VMEM((NTV,), _f32), pltpu.VMEM((NTV,), _f32),
        pltpu.VMEM((NTV,), _f32),
        pltpu.VMEM((SB_CH,), _i32), pltpu.VMEM((SB_CH,), _i32),
        pltpu.VMEM((SB_CH,), _i32),
        pltpu.VMEM((TB_CH,), _i32), pltpu.VMEM((TB_CH,), _i32),
        pltpu.VMEM((TB_CH,), _i32),
        pltpu.VMEM((PT_CH,), _f32), pltpu.VMEM((PT_CH,), _f32),
        pltpu.VMEM((PT_CH,), _f32),
        pltpu.VMEM((SB_CH,), _f32),
        pltpu.VMEM((SB_CH,), _f32), pltpu.VMEM((SB_CH,), _f32),
        pltpu.VMEM((SB_CH,), _f32),
        pltpu.VMEM((TB_CH,), _f32), pltpu.VMEM((TB_CH,), _f32),
        pltpu.VMEM((TB_CH,), _f32),
        pltpu.VMEM((PT_CH,), _f32), pltpu.VMEM((PT_CH,), _f32),
        pltpu.VMEM((PT_CH,), _f32), pltpu.VMEM((PT_CH,), _f32),
        ],
    )(_sc_gather_body)


def _tc_loss_body(px_ref, py_ref, pz_ref, pfp_ref,
                  sxr_ref, syr_ref, szr_ref, fpc_ref,
                  tbx_ref, tby_ref, tbz_ref,
                  sbx_ref, sby_ref, sbz_ref, fpr_ref, out_ref):
    i = pl.program_id(0)

    @pl.when(i == 0)
    def _init():
        out_ref[...] = jnp.zeros((1, 1), jnp.float32)

    bf16 = jnp.bfloat16
    tbx16 = tbx_ref[...].reshape(1, NTF).astype(bf16)
    tby16 = tby_ref[...].reshape(1, NTF).astype(bf16)
    tbz16 = tbz_ref[...].reshape(1, NTF).astype(bf16)
    sbx = sbx_ref[...].reshape(1, NSF)
    sby = sby_ref[...].reshape(1, NSF)
    sbz = sbz_ref[...].reshape(1, NSF)
    sn = sbx * sbx + sby * sby + sbz * sbz

    pxc = px_ref[...].reshape(TILE, 1)
    pyc = py_ref[...].reshape(TILE, 1)
    pzc = pz_ref[...].reshape(TILE, 1)
    pn = pxc * pxc + pyc * pyc + pzc * pzc
    nx, ny, nz = -2.0 * pxc, -2.0 * pyc, -2.0 * pzc

    px16 = pxc.astype(bf16)
    py16 = pyc.astype(bf16)
    pz16 = pzc.astype(bf16)
    nsplit = 2
    half = NTF // nsplit
    mt = None
    for h in range(nsplit):
        s0, s1 = h * half, (h + 1) * half
        dxh = px16 - tbx16[:, s0:s1]
        dyh = py16 - tby16[:, s0:s1]
        dzh = pz16 - tbz16[:, s0:s1]
        dth = dxh * dxh + (dyh * dyh + dzh * dzh)
        mh = jnp.min(dth, axis=1, keepdims=True)
        mt = mh if mt is None else jnp.minimum(mt, mh)
    min_tgt = jnp.maximum(mt.astype(jnp.float32), 0.0)

    ds = nx * sbx + (ny * sby + (nz * sbz + (pn + sn)))

    big = jnp.float32(3.0e38)
    m = jnp.min(ds, axis=1, keepdims=True)
    thresholds = [m]
    for t in range(K):
        m = jnp.min(jnp.where(ds > m, ds, big), axis=1, keepdims=True)
        thresholds.append(m)
    m5, m6 = thresholds[K - 1], thresholds[K]

    cols = lax.broadcasted_iota(jnp.int32, (TILE, NSF), 1)
    rows = lax.broadcasted_iota(jnp.int32, (TILE, 1), 0) + i * TILE
    selfidx = lax.shift_right_logical(rows, 2)
    fpb = fpr_ref[...].reshape(1, NSF)

    pd = fpb * jnp.maximum(ds, 0.0)
    sel6 = ds <= m6
    selfhot = cols == selfidx
    prodsum6 = jnp.sum(jnp.where(sel6, pd, 0.0), axis=1, keepdims=True)
    prodsum5 = jnp.sum(jnp.where(ds <= m5, pd, 0.0), axis=1, keepdims=True)
    self_prod = jnp.sum(jnp.where(selfhot, pd, 0.0), axis=1, keepdims=True)
    d_self = jnp.sum(jnp.where(selfhot, ds, 0.0), axis=1, keepdims=True)
    self_found = d_self <= m6
    mean_term = jnp.where(self_found, prodsum6 - self_prod,
                          prodsum5) * jnp.float32(1.0 / K)

    pf = pfp_ref[...].reshape(TILE, 1)
    rev = pf * min_tgt + (1.0 - pf) * mean_term
    out_ref[...] += jnp.sum(rev, axis=0, keepdims=True)

    @pl.when(i < FWD_STEPS)
    def _fwd():
        sx16 = sxr_ref[...].reshape(TILE, 1).astype(bf16)
        sy16 = syr_ref[...].reshape(TILE, 1).astype(bf16)
        sz16 = szr_ref[...].reshape(TILE, 1).astype(bf16)
        mf = None
        for h in range(nsplit):
            s0, s1 = h * half, (h + 1) * half
            fxh = sx16 - tbx16[:, s0:s1]
            fyh = sy16 - tby16[:, s0:s1]
            fzh = sz16 - tbz16[:, s0:s1]
            dfh = fxh * fxh + (fyh * fyh + fzh * fzh)
            mh = jnp.min(dfh, axis=1, keepdims=True)
            mf = mh if mf is None else jnp.minimum(mf, mh)
        mff = jnp.maximum(mf.astype(jnp.float32), 0.0)
        fpcv = fpc_ref[...].reshape(TILE, 1)
        out_ref[...] += jnp.sum(fpcv * mff, axis=0, keepdims=True)


def _tc_loss(px, py, pz, pfp, sbx, sby, sbz, tbx, tby, tbz, fp):
    row = pl.BlockSpec((TILE,), lambda i: (i,))
    fwd_row = pl.BlockSpec((TILE,), lambda i: (jnp.minimum(i, FWD_STEPS - 1),))
    full_t = pl.BlockSpec((NTF,), lambda i: (0,))
    full_s = pl.BlockSpec((NSF,), lambda i: (0,))
    return pl.pallas_call(
        _tc_loss_body,
        grid=(GRID,),
        in_specs=[row, row, row, row,
                  fwd_row, fwd_row, fwd_row, fwd_row,
                  full_t, full_t, full_t,
                  full_s, full_s, full_s, full_s],
        out_specs=pl.BlockSpec((1, 1), lambda i: (0, 0)),
        out_shape=jax.ShapeDtypeStruct((1, 1), jnp.float32),
        compiler_params=pltpu.CompilerParams(
            dimension_semantics=("arbitrary",)),
    )(px, py, pz, pfp, sbx, sby, sbz, fp, tbx, tby, tbz,
      sbx, sby, sbz, fp)


def kernel(source_vertices, source_faces, target_vertices, target_faces,
           face_probs):
    sv = source_vertices[0]
    tv = target_vertices[0]
    svx = jnp.pad(sv[:, 0], (0, SV_PAD - NSV))
    svy = jnp.pad(sv[:, 1], (0, SV_PAD - NSV))
    svz = jnp.pad(sv[:, 2], (0, SV_PAD - NSV))
    tvx, tvy, tvz = tv[:, 0], tv[:, 1], tv[:, 2]
    sf1 = source_faces[:, 0].astype(jnp.int32)
    sf2 = source_faces[:, 1].astype(jnp.int32)
    sf3 = source_faces[:, 2].astype(jnp.int32)
    tf1 = target_faces[0].astype(jnp.int32)
    tf2 = target_faces[1].astype(jnp.int32)
    tf3 = target_faces[2].astype(jnp.int32)
    fp = face_probs.astype(jnp.float32)
    w1, w2, w3 = _get_weights()

    (sbx, sby, sbz, tbx, tby, tbz, px, py, pz, pfp) = _make_sc_gather()(
        svx, svy, svz, tvx, tvy, tvz, sf1, sf2, sf3, tf1, tf2, tf3,
        w1, w2, w3, fp)

    out = _tc_loss(px, py, pz, pfp, sbx, sby, sbz, tbx, tby, tbz, fp)
    return out[0, 0]

# --- scband reference (transcript-rebuilt; emitter-appended) ---
"""Pipeline reference for scband-probabilistic-surface-distance-16166256902864 (READ-ONLY COPY).

The authoritative reference and input builder live on the scoring server;
editing this copy changes nothing except your own understanding.
"""

import jax, jax.numpy as jnp
import numpy as np

NUM_POINTS_PER_FACE = 4
K = 5


def _sqdist(x, y):
    xx = jnp.sum(x * x, axis=1)[:, None]
    yy = jnp.sum(y * y, axis=1)[None, :]
    d = xx + yy - 2.0 * (x @ y.T)
    return jnp.maximum(d, 0.0)


def setup_inputs(seed: int = 0) -> dict:
    key = jax.random.key(seed)
    ks = jax.random.split(key, 5)
    source_vertices = jax.random.normal(ks[0], (1, 5000, 3), dtype=jnp.float32)
    source_faces = jax.random.randint(ks[1], (2048, 3), 0, 5000)
    target_vertices = jax.random.normal(ks[2], (1, 8192, 3), dtype=jnp.float32)
    target_faces = jax.random.randint(ks[3], (3, 4096), 0, 8192)
    face_probs = jax.random.uniform(ks[4], (2048,), dtype=jnp.float32)
    return {"source_vertices": source_vertices, "source_faces": source_faces,
            "target_vertices": target_vertices, "target_faces": target_faces,
            "face_probs": face_probs}


def reference(source_vertices, source_faces, target_vertices, target_faces, face_probs):
    k = K
    npf = NUM_POINTS_PER_FACE
    sv = source_vertices[0]
    tv = target_vertices[0]
    tf = target_faces.T
    src_bary = sv[source_faces].mean(axis=1)
    tgt_bary = tv[tf].mean(axis=1)
    # forward loss: prob-weighted min squared distance to target barycenters
    D_fwd = _sqdist(src_bary, tgt_bary)
    min_d = jnp.min(D_fwd, axis=1)
    forward_loss = jnp.sum(face_probs * min_d)
    # sample points on source triangles (barycentric sampling)
    F = source_faces.shape[0]
    rk = jax.random.key(42)
    r1 = jnp.sqrt(jax.random.uniform(jax.random.fold_in(rk, 0), (F, npf), dtype=jnp.float32))
    r2 = jax.random.uniform(jax.random.fold_in(rk, 1), (F, npf), dtype=jnp.float32)
    w1 = 1.0 - r1
    w2 = r1 * (1.0 - r2)
    w3 = r1 * r2
    v1 = sv[source_faces[:, 0]]
    v2 = sv[source_faces[:, 1]]
    v3 = sv[source_faces[:, 2]]
    points = (w1[..., None] * v1[:, None, :] + w2[..., None] * v2[:, None, :]
              + w3[..., None] * v3[:, None, :]).reshape(-1, 3)
    point_faces = jnp.repeat(jnp.arange(F), npf)
    py = face_probs[point_faces]
    # k+1 nearest source-triangle barycenters per sampled point
    D_src = _sqdist(points, src_bary)
    neg_d, tri_idx = jax.lax.top_k(-D_src, k + 1)
    tri_d = -neg_d
    mask = tri_idx != point_faces[:, None]
    has_self = jnp.any(~mask, axis=1)
    prod = face_probs[tri_idx] * tri_d
    sum_masked = jnp.sum(prod * mask, axis=1)
    sum_first = jnp.sum(prod[:, :k], axis=1)
    mean_term = jnp.where(has_self, sum_masked, sum_first) / float(k)
    min_tgt = jnp.min(_sqdist(points, tgt_bary), axis=1)
    reverse_loss = jnp.sum(py * min_tgt + (1.0 - py) * mean_term)
    return forward_loss + reverse_loss

if __name__ == "__main__":
    import jax
    _d = setup_inputs()
    print(jax.jit(kernel)(*tuple(_d.values())))

</pallas_src>

<mosaic_0001>
#map = affine_map<(d0, d1) -> (0)>
module attributes {stable_mosaic.version = 14 : i64} {
  func.func @_sc_gather_body(%arg0: i32, %arg1: i32, %arg2: memref<5120xf32, #tpu.memory_space<hbm>>, %arg3: memref<5120xf32, #tpu.memory_space<hbm>>, %arg4: memref<5120xf32, #tpu.memory_space<hbm>>, %arg5: memref<8192xf32, #tpu.memory_space<hbm>>, %arg6: memref<8192xf32, #tpu.memory_space<hbm>>, %arg7: memref<8192xf32, #tpu.memory_space<hbm>>, %arg8: memref<2048xi32, #tpu.memory_space<hbm>>, %arg9: memref<2048xi32, #tpu.memory_space<hbm>>, %arg10: memref<2048xi32, #tpu.memory_space<hbm>>, %arg11: memref<4096xi32, #tpu.memory_space<hbm>>, %arg12: memref<4096xi32, #tpu.memory_space<hbm>>, %arg13: memref<4096xi32, #tpu.memory_space<hbm>>, %arg14: memref<8192xf32, #tpu.memory_space<hbm>>, %arg15: memref<8192xf32, #tpu.memory_space<hbm>>, %arg16: memref<8192xf32, #tpu.memory_space<hbm>>, %arg17: memref<2048xf32, #tpu.memory_space<hbm>>, %arg18: memref<2048xf32, #tpu.memory_space<hbm>>, %arg19: memref<2048xf32, #tpu.memory_space<hbm>>, %arg20: memref<2048xf32, #tpu.memory_space<hbm>>, %arg21: memref<4096xf32, #tpu.memory_space<hbm>>, %arg22: memref<4096xf32, #tpu.memory_space<hbm>>, %arg23: memref<4096xf32, #tpu.memory_space<hbm>>, %arg24: memref<8192xf32, #tpu.memory_space<hbm>>, %arg25: memref<8192xf32, #tpu.memory_space<hbm>>, %arg26: memref<8192xf32, #tpu.memory_space<hbm>>, %arg27: memref<8192xf32, #tpu.memory_space<hbm>>, %arg28: memref<5120xf32, #tpu.memory_space<vmem>>, %arg29: memref<5120xf32, #tpu.memory_space<vmem>>, %arg30: memref<5120xf32, #tpu.memory_space<vmem>>, %arg31: memref<8192xf32, #tpu.memory_space<vmem>>, %arg32: memref<8192xf32, #tpu.memory_space<vmem>>, %arg33: memref<8192xf32, #tpu.memory_space<vmem>>, %arg34: memref<64xi32, #tpu.memory_space<vmem>>, %arg35: memref<64xi32, #tpu.memory_space<vmem>>, %arg36: memref<64xi32, #tpu.memory_space<vmem>>, %arg37: memref<128xi32, #tpu.memory_space<vmem>>, %arg38: memref<128xi32, #tpu.memory_space<vmem>>, %arg39: memref<128xi32, #tpu.memory_space<vmem>>, %arg40: memref<256xf32, #tpu.memory_space<vmem>>, %arg41: memref<256xf32, #tpu.memory_space<vmem>>, %arg42: memref<256xf32, #tpu.memory_space<vmem>>, %arg43: memref<64xf32, #tpu.memory_space<vmem>>, %arg44: memref<64xf32, #tpu.memory_space<vmem>>, %arg45: memref<64xf32, #tpu.memory_space<vmem>>, %arg46: memref<64xf32, #tpu.memory_space<vmem>>, %arg47: memref<128xf32, #tpu.memory_space<vmem>>, %arg48: memref<128xf32, #tpu.memory_space<vmem>>, %arg49: memref<128xf32, #tpu.memory_space<vmem>>, %arg50: memref<256xf32, #tpu.memory_space<vmem>>, %arg51: memref<256xf32, #tpu.memory_space<vmem>>, %arg52: memref<256xf32, #tpu.memory_space<vmem>>, %arg53: memref<256xf32, #tpu.memory_space<vmem>>) attributes {dimension_semantics = [#tpu.dimension_semantics<core_parallel>, #tpu.dimension_semantics<subcore_parallel>], iteration_bounds = array<i64: 2, 16>, scalar_prefetch = 0 : i64, scratch_operands = 26 : i64, tpu.core_type = #tpu.core_type<sc_vector_subcore>, window_params = [{transform_indices = #map}, {transform_indices = #map}, {transform_indices = #map}, {transform_indices = #map}, {transform_indices = #map}, {transform_indices = #map}, {transform_indices = #map}, {transform_indices = #map}, {transform_indices = #map}, {transform_indices = #map}, {transform_indices = #map}, {transform_indices = #map}, {transform_indices = #map}, {transform_indices = #map}, {transform_indices = #map}, {transform_indices = #map}, {transform_indices = #map}, {transform_indices = #map}, {transform_indices = #map}, {transform_indices = #map}, {transform_indices = #map}, {transform_indices = #map}, {transform_indices = #map}, {transform_indices = #map}, {transform_indices = #map}, {transform_indices = #map}]} {
    %mul3A = arith.constant 2 : i32
    %mul3A_0 = arith.muli %arg1, %mul3A : i32
    %add3A = arith.addi %mul3A_0, %arg0 : i32
    "tpu.region"() ({
      %run_scoped3A = tpu.sem_alloc : memref<!tpu.dma_semaphore, #tpu.memory_space<semaphore_mem>>
      tpu.enqueue_dma source(%arg2 : memref<5120xf32, #tpu.memory_space<hbm>>) target(%arg28 : memref<5120xf32, #tpu.memory_space<vmem>>) target_semaphore(%run_scoped3A : memref<!tpu.dma_semaphore, #tpu.memory_space<semaphore_mem>>)
      tpu.wait_dma2 semaphore(%run_scoped3A : memref<!tpu.dma_semaphore, #tpu.memory_space<semaphore_mem>>) src(%arg2 : memref<5120xf32, #tpu.memory_space<hbm>>) dst(%arg28 : memref<5120xf32, #tpu.memory_space<vmem>>)
      tpu.yield
    }) : () -> ()
    "tpu.region"() ({
      %run_scoped3A = tpu.sem_alloc : memref<!tpu.dma_semaphore, #tpu.memory_space<semaphore_mem>>
      tpu.enqueue_dma source(%arg3 : memref<5120xf32, #tpu.memory_space<hbm>>) target(%arg29 : memref<5120xf32, #tpu.memory_space<vmem>>) target_semaphore(%run_scoped3A : memref<!tpu.dma_semaphore, #tpu.memory_space<semaphore_mem>>)
      tpu.wait_dma2 semaphore(%run_scoped3A : memref<!tpu.dma_semaphore, #tpu.memory_space<semaphore_mem>>) src(%arg3 : memref<5120xf32, #tpu.memory_space<hbm>>) dst(%arg29 : memref<5120xf32, #tpu.memory_space<vmem>>)
      tpu.yield
    }) : () -> ()
    "tpu.region"() ({
      %run_scoped3A = tpu.sem_alloc : memref<!tpu.dma_semaphore, #tpu.memory_space<semaphore_mem>>
      tpu.enqueue_dma source(%arg4 : memref<5120xf32, #tpu.memory_space<hbm>>) target(%arg30 : memref<5120xf32, #tpu.memory_space<vmem>>) target_semaphore(%run_scoped3A : memref<!tpu.dma_semaphore, #tpu.memory_space<semaphore_mem>>)
      tpu.wait_dma2 semaphore(%run_scoped3A : memref<!tpu.dma_semaphore, #tpu.memory_space<semaphore_mem>>) src(%arg4 : memref<5120xf32, #tpu.memory_space<hbm>>) dst(%arg30 : memref<5120xf32, #tpu.memory_space<vmem>>)
      tpu.yield
    }) : () -> ()
    "tpu.region"() ({
      %run_scoped3A = tpu.sem_alloc : memref<!tpu.dma_semaphore, #tpu.memory_space<semaphore_mem>>
      tpu.enqueue_dma source(%arg5 : memref<8192xf32, #tpu.memory_space<hbm>>) target(%arg31 : memref<8192xf32, #tpu.memory_space<vmem>>) target_semaphore(%run_scoped3A : memref<!tpu.dma_semaphore, #tpu.memory_space<semaphore_mem>>)
      tpu.wait_dma2 semaphore(%run_scoped3A : memref<!tpu.dma_semaphore, #tpu.memory_space<semaphore_mem>>) src(%arg5 : memref<8192xf32, #tpu.memory_space<hbm>>) dst(%arg31 : memref<8192xf32, #tpu.memory_space<vmem>>)
      tpu.yield
    }) : () -> ()
    "tpu.region"() ({
      %run_scoped3A = tpu.sem_alloc : memref<!tpu.dma_semaphore, #tpu.memory_space<semaphore_mem>>
      tpu.enqueue_dma source(%arg6 : memref<8192xf32, #tpu.memory_space<hbm>>) target(%arg32 : memref<8192xf32, #tpu.memory_space<vmem>>) target_semaphore(%run_scoped3A : memref<!tpu.dma_semaphore, #tpu.memory_space<semaphore_mem>>)
      tpu.wait_dma2 semaphore(%run_scoped3A : memref<!tpu.dma_semaphore, #tpu.memory_space<semaphore_mem>>) src(%arg6 : memref<8192xf32, #tpu.memory_space<hbm>>) dst(%arg32 : memref<8192xf32, #tpu.memory_space<vmem>>)
      tpu.yield
    }) : () -> ()
    "tpu.region"() ({
      %run_scoped3A = tpu.sem_alloc : memref<!tpu.dma_semaphore, #tpu.memory_space<semaphore_mem>>
      tpu.enqueue_dma source(%arg7 : memref<8192xf32, #tpu.memory_space<hbm>>) target(%arg33 : memref<8192xf32, #tpu.memory_space<vmem>>) target_semaphore(%run_scoped3A : memref<!tpu.dma_semaphore, #tpu.memory_space<semaphore_mem>>)
      tpu.wait_dma2 semaphore(%run_scoped3A : memref<!tpu.dma_semaphore, #tpu.memory_space<semaphore_mem>>) src(%arg7 : memref<8192xf32, #tpu.memory_space<hbm>>) dst(%arg33 : memref<8192xf32, #tpu.memory_space<vmem>>)
      tpu.yield
    }) : () -> ()
    %mul3A_1 = arith.constant 64 : i32
    %mul3A_2 = arith.muli %add3A, %mul3A_1 : i32
    "tpu.region"() ({
      %run_scoped3A = tpu.sem_alloc : memref<!tpu.dma_semaphore, #tpu.memory_space<semaphore_mem>>
      %dma_start3A = tpu.memref_slice %arg8[%mul3A_2] : memref<2048xi32, #tpu.memory_space<hbm>> -> memref<64xi32, #tpu.memory_space<hbm>>
      %dma_start3A_1237 = tpu.memref_slice %arg8[%mul3A_2] : memref<2048xi32, #tpu.memory_space<hbm>> -> memref<64xi32, #tpu.memory_space<hbm>>
      tpu.enqueue_dma source(%dma_start3A_1237 : memref<64xi32, #tpu.memory_space<hbm>>) target(%arg34 : memref<64xi32, #tpu.memory_space<vmem>>) target_semaphore(%run_scoped3A : memref<!tpu.dma_semaphore, #tpu.memory_space<semaphore_mem>>)
      %dma_wait3A = tpu.memref_slice %arg8[%mul3A_2] : memref<2048xi32, #tpu.memory_space<hbm>> -> memref<64xi32, #tpu.memory_space<hbm>>
      %dma_wait3A_1238 = tpu.memref_slice %arg8[%mul3A_2] : memref<2048xi32, #tpu.memory_space<hbm>> -> memref<64xi32, #tpu.memory_space<hbm>>
      tpu.wait_dma2 semaphore(%run_scoped3A : memref<!tpu.dma_semaphore, #tpu.memory_space<semaphore_mem>>) src(%dma_wait3A_1238 : memref<64xi32, #tpu.memory_space<hbm>>) dst(%arg34 : memref<64xi32, #tpu.memory_space<vmem>>)
      tpu.yield
    }) : () -> ()
    %mul3A_3 = arith.constant 64 : i32
    %mul3A_4 = arith.muli %add3A, %mul3A_3 : i32
    "tpu.region"() ({
      %run_scoped3A = tpu.sem_alloc : memref<!tpu.dma_semaphore, #tpu.memory_space<semaphore_mem>>
      %dma_start3A = tpu.memref_slice %arg9[%mul3A_4] : memref<2048xi32, #tpu.memory_space<hbm>> -> memref<64xi32, #tpu.memory_space<hbm>>
      %dma_start3A_1237 = tpu.memref_slice %arg9[%mul3A_4] : memref<2048xi32, #tpu.memory_space<hbm>> -> memref<64xi32, #tpu.memory_space<hbm>>
      tpu.enqueue_dma source(%dma_start3A_1237 : memref<64xi32, #tpu.memory_space<hbm>>) target(%arg35 : memref<64xi32, #tpu.memory_space<vmem>>) target_semaphore(%run_scoped3A : memref<!tpu.dma_semaphore, #tpu.memory_space<semaphore_mem>>)
      %dma_wait3A = tpu.memref_slice %arg9[%mul3A_4] : memref<2048xi32, #tpu.memory_space<hbm>> -> memref<64xi32, #tpu.memory_space<hbm>>
      %dma_wait3A_1238 = tpu.memref_slice %arg9[%mul3A_4] : memref<2048xi32, #tpu.memory_space<hbm>> -> memref<64xi32, #tpu.memory_space<hbm>>
      tpu.wait_dma2 semaphore(%run_scoped3A : memref<!tpu.dma_semaphore, #tpu.memory_space<semaphore_mem>>) src(%dma_wait3A_1238 : memref<64xi32, #tpu.memory_space<hbm>>) dst(%arg35 : memref<64xi32, #tpu.memory_space<vmem>>)
      tpu.yield
    }) : () -> ()
    %mul3A_5 = arith.constant 64 : i32
    %mul3A_6 = arith.muli %add3A, %mul3A_5 : i32
    "tpu.region"() ({
      %run_scoped3A = tpu.sem_alloc : memref<!tpu.dma_semaphore, #tpu.memory_space<semaphore_mem>>
      %dma_start3A = tpu.memref_slice %arg10[%mul3A_6] : memref<2048xi32, #tpu.memory_space<hbm>> -> memref<64xi32, #tpu.memory_space<hbm>>
      %dma_start3A_1237 = tpu.memref_slice %arg10[%mul3A_6] : memref<2048xi32, #tpu.memory_space<hbm>> -> memref<64xi32, #tpu.memory_space<hbm>>
      tpu.enqueue_dma source(%dma_start3A_1237 : memref<64xi32, #tpu.memory_space<hbm>>) target(%arg36 : memref<64xi32, #tpu.memory_space<vmem>>) target_semaphore(%run_scoped3A : memref<!tpu.dma_semaphore, #tpu.memory_space<semaphore_mem>>)
      %dma_wait3A = tpu.memref_slice %arg10[%mul3A_6] : memref<2048xi32, #tpu.memory_space<hbm>> -> memref<64xi32, #tpu.memory_space<hbm>>
      %dma_wait3A_1238 = tpu.memref_slice %arg10[%mul3A_6] : memref<2048xi32, #tpu.memory_space<hbm>> -> memref<64xi32, #tpu.memory_space<hbm>>
      tpu.wait_dma2 semaphore(%run_scoped3A : memref<!tpu.dma_semaphore, #tpu.memory_space<semaphore_mem>>) src(%dma_wait3A_1238 : memref<64xi32, #tpu.memory_space<hbm>>) dst(%arg36 : memref<64xi32, #tpu.memory_space<vmem>>)
      tpu.yield
    }) : () -> ()
    %mul3A_7 = arith.constant 128 : i32
    %mul3A_8 = arith.muli %add3A, %mul3A_7 : i32
    "tpu.region"() ({
      %run_scoped3A = tpu.sem_alloc : memref<!tpu.dma_semaphore, #tpu.memory_space<semaphore_mem>>
      %dma_start3A = tpu.memref_slice %arg11[%mul3A_8] : memref<4096xi32, #tpu.memory_space<hbm>> -> memref<128xi32, #tpu.memory_space<hbm>>
      %dma_start3A_1237 = tpu.memref_slice %arg11[%mul3A_8] : memref<4096xi32, #tpu.memory_space<hbm>> -> memref<128xi32, #tpu.memory_space<hbm>>
      tpu.enqueue_dma source(%dma_start3A_1237 : memref<128xi32, #tpu.memory_space<hbm>>) target(%arg37 : memref<128xi32, #tpu.memory_space<vmem>>) target_semaphore(%run_scoped3A : memref<!tpu.dma_semaphore, #tpu.memory_space<semaphore_mem>>)
      %dma_wait3A = tpu.memref_slice %arg11[%mul3A_8] : memref<4096xi32, #tpu.memory_space<hbm>> -> memref<128xi32, #tpu.memory_space<hbm>>
      %dma_wait3A_1238 = tpu.memref_slice %arg11[%mul3A_8] : memref<4096xi32, #tpu.memory_space<hbm>> -> memref<128xi32, #tpu.memory_space<hbm>>
      tpu.wait_dma2 semaphore(%run_scoped3A : memref<!tpu.dma_semaphore, #tpu.memory_space<semaphore_mem>>) src(%dma_wait3A_1238 : memref<128xi32, #tpu.memory_space<hbm>>) dst(%arg37 : memref<128xi32, #tpu.memory_space<vmem>>)
      tpu.yield
    }) : () -> ()
    %mul3A_9 = arith.constant 128 : i32
    %mul3A_10 = arith.muli %add3A, %mul3A_9 : i32
    "tpu.region"() ({
      %run_scoped3A = tpu.sem_alloc : memref<!tpu.dma_semaphore, #tpu.memory_space<semaphore_mem>>
      %dma_start3A = tpu.memref_slice %arg12[%mul3A_10] : memref<4096xi32, #tpu.memory_space<hbm>> -> memref<128xi32, #tpu.memory_space<hbm>>
      %dma_start3A_1237 = tpu.memref_slice %arg12[%mul3A_10] : memref<4096xi32, #tpu.memory_space<hbm>> -> memref<128xi32, #tpu.memory_space<hbm>>
      tpu.enqueue_dma source(%dma_start3A_1237 : memref<128xi32, #tpu.memory_space<hbm>>) target(%arg38 : memref<128xi32, #tpu.memory_space<vmem>>) target_semaphore(%run_scoped3A : memref<!tpu.dma_semaphore, #tpu.memory_space<semaphore_mem>>)
      %dma_wait3A = tpu.memref_slice %arg12[%mul3A_10] : memref<4096xi32, #tpu.memory_space<hbm>> -> memref<128xi32, #tpu.memory_space<hbm>>
      %dma_wait3A_1238 = tpu.memref_slice %arg12[%mul3A_10] : memref<4096xi32, #tpu.memory_space<hbm>> -> memref<128xi32, #tpu.memory_space<hbm>>
      tpu.wait_dma2 semaphore(%run_scoped3A : memref<!tpu.dma_semaphore, #tpu.memory_space<semaphore_mem>>) src(%dma_wait3A_1238 : memref<128xi32, #tpu.memory_space<hbm>>) dst(%arg38 : memref<128xi32, #tpu.memory_space<vmem>>)
      tpu.yield
    }) : () -> ()
    %mul3A_11 = arith.constant 128 : i32
    %mul3A_12 = arith.muli %add3A, %mul3A_11 : i32
    "tpu.region"() ({
      %run_scoped3A = tpu.sem_alloc : memref<!tpu.dma_semaphore, #tpu.memory_space<semaphore_mem>>
      %dma_start3A = tpu.memref_slice %arg13[%mul3A_12] : memref<4096xi32, #tpu.memory_space<hbm>> -> memref<128xi32, #tpu.memory_space<hbm>>
      %dma_start3A_1237 = tpu.memref_slice %arg13[%mul3A_12] : memref<4096xi32, #tpu.memory_space<hbm>> -> memref<128xi32, #tpu.memory_space<hbm>>
      tpu.enqueue_dma source(%dma_start3A_1237 : memref<128xi32, #tpu.memory_space<hbm>>) target(%arg39 : memref<128xi32, #tpu.memory_space<vmem>>) target_semaphore(%run_scoped3A : memref<!tpu.dma_semaphore, #tpu.memory_space<semaphore_mem>>)
      %dma_wait3A = tpu.memref_slice %arg13[%mul3A_12] : memref<4096xi32, #tpu.memory_space<hbm>> -> memref<128xi32, #tpu.memory_space<hbm>>
      %dma_wait3A_1238 = tpu.memref_slice %arg13[%mul3A_12] : memref<4096xi32, #tpu.memory_space<hbm>> -> memref<128xi32, #tpu.memory_space<hbm>>
      tpu.wait_dma2 semaphore(%run_scoped3A : memref<!tpu.dma_semaphore, #tpu.memory_space<semaphore_mem>>) src(%dma_wait3A_1238 : memref<128xi32, #tpu.memory_space<hbm>>) dst(%arg39 : memref<128xi32, #tpu.memory_space<vmem>>)
      tpu.yield
    }) : () -> ()
    %mul3A_13 = arith.constant 256 : i32
    %mul3A_14 = arith.muli %add3A, %mul3A_13 : i32
    "tpu.region"() ({
      %run_scoped3A = tpu.sem_alloc : memref<!tpu.dma_semaphore, #tpu.memory_space<semaphore_mem>>
      %dma_start3A = tpu.memref_slice %arg14[%mul3A_14] : memref<8192xf32, #tpu.memory_space<hbm>> -> memref<256xf32, #tpu.memory_space<hbm>>
      %dma_start3A_1237 = tpu.memref_slice %arg14[%mul3A_14] : memref<8192xf32, #tpu.memory_space<hbm>> -> memref<256xf32, #tpu.memory_space<hbm>>
      tpu.enqueue_dma source(%dma_start3A_1237 : memref<256xf32, #tpu.memory_space<hbm>>) target(%arg40 : memref<256xf32, #tpu.memory_space<vmem>>) target_semaphore(%run_scoped3A : memref<!tpu.dma_semaphore, #tpu.memory_space<semaphore_mem>>)
      %dma_wait3A = tpu.memref_slice %arg14[%mul3A_14] : memref<8192xf32, #tpu.memory_space<hbm>> -> memref<256xf32, #tpu.memory_space<hbm>>
      %dma_wait3A_1238 = tpu.memref_slice %arg14[%mul3A_14] : memref<8192xf32, #tpu.memory_space<hbm>> -> memref<256xf32, #tpu.memory_space<hbm>>
      tpu.wait_dma2 semaphore(%run_scoped3A : memref<!tpu.dma_semaphore, #tpu.memory_space<semaphore_mem>>) src(%dma_wait3A_1238 : memref<256xf32, #tpu.memory_space<hbm>>) dst(%arg40 : memref<256xf32, #tpu.memory_space<vmem>>)
      tpu.yield
    }) : () -> ()
    %mul3A_15 = arith.constant 256 : i32
    %mul3A_16 = arith.muli %add3A, %mul3A_15 : i32
    "tpu.region"() ({
      %run_scoped3A = tpu.sem_alloc : memref<!tpu.dma_semaphore, #tpu.memory_space<semaphore_mem>>
      %dma_start3A = tpu.memref_slice %arg15[%mul3A_16] : memref<8192xf32, #tpu.memory_space<hbm>> -> memref<256xf32, #tpu.memory_space<hbm>>
      %dma_start3A_1237 = tpu.memref_slice %arg15[%mul3A_16] : memref<8192xf32, #tpu.memory_space<hbm>> -> memref<256xf32, #tpu.memory_space<hbm>>
      tpu.enqueue_dma source(%dma_start3A_1237 : memref<256xf32, #tpu.memory_space<hbm>>) target(%arg41 : memref<256xf32, #tpu.memory_space<vmem>>) target_semaphore(%run_scoped3A : memref<!tpu.dma_semaphore, #tpu.memory_space<semaphore_mem>>)
      %dma_wait3A = tpu.memref_slice %arg15[%mul3A_16] : memref<8192xf32, #tpu.memory_space<hbm>> -> memref<256xf32, #tpu.memory_space<hbm>>
      %dma_wait3A_1238 = tpu.memref_slice %arg15[%mul3A_16] : memref<8192xf32, #tpu.memory_space<hbm>> -> memref<256xf32, #tpu.memory_space<hbm>>
      tpu.wait_dma2 semaphore(%run_scoped3A : memref<!tpu.dma_semaphore, #tpu.memory_space<semaphore_mem>>) src(%dma_wait3A_1238 : memref<256xf32, #tpu.memory_space<hbm>>) dst(%arg41 : memref<256xf32, #tpu.memory_space<vmem>>)
      tpu.yield
    }) : () -> ()
    %mul3A_17 = arith.constant 256 : i32
    %mul3A_18 = arith.muli %add3A, %mul3A_17 : i32
    "tpu.region"() ({
      %run_scoped3A = tpu.sem_alloc : memref<!tpu.dma_semaphore, #tpu.memory_space<semaphore_mem>>
      %dma_start3A = tpu.memref_slice %arg16[%mul3A_18] : memref<8192xf32, #tpu.memory_space<hbm>> -> memref<256xf32, #tpu.memory_space<hbm>>
      %dma_start3A_1237 = tpu.memref_slice %arg16[%mul3A_18] : memref<8192xf32, #tpu.memory_space<hbm>> -> memref<256xf32, #tpu.memory_space<hbm>>
      tpu.enqueue_dma source(%dma_start3A_1237 : memref<256xf32, #tpu.memory_space<hbm>>) target(%arg42 : memref<256xf32, #tpu.memory_space<vmem>>) target_semaphore(%run_scoped3A : memref<!tpu.dma_semaphore, #tpu.memory_space<semaphore_mem>>)
      %dma_wait3A = tpu.memref_slice %arg16[%mul3A_18] : memref<8192xf32, #tpu.memory_space<hbm>> -> memref<256xf32, #tpu.memory_space<hbm>>
      %dma_wait3A_1238 = tpu.memref_slice %arg16[%mul3A_18] : memref<8192xf32, #tpu.memory_space<hbm>> -> memref<256xf32, #tpu.memory_space<hbm>>
      tpu.wait_dma2 semaphore(%run_scoped3A : memref<!tpu.dma_semaphore, #tpu.memory_space<semaphore_mem>>) src(%dma_wait3A_1238 : memref<256xf32, #tpu.memory_space<hbm>>) dst(%arg42 : memref<256xf32, #tpu.memory_space<vmem>>)
      tpu.yield
    }) : () -> ()
    %mul3A_19 = arith.constant 64 : i32
    %mul3A_20 = arith.muli %add3A, %mul3A_19 : i32
    "tpu.region"() ({
      %run_scoped3A = tpu.sem_alloc : memref<!tpu.dma_semaphore, #tpu.memory_space<semaphore_mem>>
      %dma_start3A = tpu.memref_slice %arg17[%mul3A_20] : memref<2048xf32, #tpu.memory_space<hbm>> -> memref<64xf32, #tpu.memory_space<hbm>>
      %dma_start3A_1237 = tpu.memref_slice %arg17[%mul3A_20] : memref<2048xf32, #tpu.memory_space<hbm>> -> memref<64xf32, #tpu.memory_space<hbm>>
      tpu.enqueue_dma source(%dma_start3A_1237 : memref<64xf32, #tpu.memory_space<hbm>>) target(%arg43 : memref<64xf32, #tpu.memory_space<vmem>>) target_semaphore(%run_scoped3A : memref<!tpu.dma_semaphore, #tpu.memory_space<semaphore_mem>>)
      %dma_wait3A = tpu.memref_slice %arg17[%mul3A_20] : memref<2048xf32, #tpu.memory_space<hbm>> -> memref<64xf32, #tpu.memory_space<hbm>>
      %dma_wait3A_1238 = tpu.memref_slice %arg17[%mul3A_20] : memref<2048xf32, #tpu.memory_space<hbm>> -> memref<64xf32, #tpu.memory_space<hbm>>
      tpu.wait_dma2 semaphore(%run_scoped3A : memref<!tpu.dma_semaphore, #tpu.memory_space<semaphore_mem>>) src(%dma_wait3A_1238 : memref<64xf32, #tpu.memory_space<hbm>>) dst(%arg43 : memref<64xf32, #tpu.memory_space<vmem>>)
      tpu.yield
    }) : () -> ()
    %get3A = arith.constant 0 : index
    %get3A_21 = tpu.vector_load %arg34[%get3A] {strides = array<i32>} : memref<64xi32, #tpu.memory_space<vmem>>, vector<16xi32>,
    %get3A_22 = arith.constant 0 : index
    %get3A_23 = tpu.vector_load %arg35[%get3A_22] {strides = array<i32>} : memref<64xi32, #tpu.memory_space<vmem>>, vector<16xi32>,
    %get3A_24 = arith.constant 0 : index
    %get3A_25 = tpu.vector_load %arg36[%get3A_24] {strides = array<i32>} : memref<64xi32, #tpu.memory_space<vmem>>, vector<16xi32>,
    %gather3A = tpu.vector_load_idx %arg28[%get3A_21] : memref<5120xf32, #tpu.memory_space<vmem>>[vector<16xi32>], vector<16xf32>,
    %gather3A_26 = tpu.vector_load_idx %arg28[%get3A_23] : memref<5120xf32, #tpu.memory_space<vmem>>[vector<16xi32>], vector<16xf32>,
    %add3A_27 = arith.addf %gather3A, %gather3A_26 : vector<16xf32>
    %gather3A_28 = tpu.vector_load_idx %arg28[%get3A_25] : memref<5120xf32, #tpu.memory_space<vmem>>[vector<16xi32>], vector<16xf32>,
    %add3A_29 = arith.addf %add3A_27, %gather3A_28 : vector<16xf32>
    %mul3A_30 = arith.constant 0.333333343 : f32
    %mul3A_31 = vector.broadcast %mul3A_30 : f32 to vector<16xf32>
    %mul3A_32 = arith.mulf %add3A_29, %mul3A_31 : vector<16xf32>
    %gather3A_33 = tpu.vector_load_idx %arg29[%get3A_21] : memref<5120xf32, #tpu.memory_space<vmem>>[vector<16xi32>], vector<16xf32>,
    %gather3A_34 = tpu.vector_load_idx %arg29[%get3A_23] : memref<5120xf32, #tpu.memory_space<vmem>>[vector<16xi32>], vector<16xf32>,
    %add3A_35 = arith.addf %gather3A_33, %gather3A_34 : vector<16xf32>
    %gather3A_36 = tpu.vector_load_idx %arg29[%get3A_25] : memref<5120xf32, #tpu.memory_space<vmem>>[vector<16xi32>], vector<16xf32>,
    %add3A_37 = arith.addf %add3A_35, %gather3A_36 : vector<16xf32>
    %mul3A_38 = arith.constant 0.333333343 : f32
    %mul3A_39 = vector.broadcast %mul3A_38 : f32 to vector<16xf32>
    %mul3A_40 = arith.mulf %add3A_37, %mul3A_39 : vector<16xf32>
    %gather3A_41 = tpu.vector_load_idx %arg30[%get3A_21] : memref<5120xf32, #tpu.memory_space<vmem>>[vector<16xi32>], vector<16xf32>,
    %gather3A_42 = tpu.vector_load_idx %arg30[%get3A_23] : memref<5120xf32, #tpu.memory_space<vmem>>[vector<16xi32>], vector<16xf32>,
    %add3A_43 = arith.addf %gather3A_41, %gather3A_42 : vector<16xf32>
    %gather3A_44 = tpu.vector_load_idx %arg30[%get3A_25] : memref<5120xf32, #tpu.memory_space<vmem>>[vector<16xi32>], vector<16xf32>,
    %add3A_45 = arith.addf %add3A_43, %gather3A_44 : vector<16xf32>
    %mul3A_46 = arith.constant 0.333333343 : f32
    %mul3A_47 = vector.broadcast %mul3A_46 : f32 to vector<16xf32>
    %mul3A_48 = arith.mulf %add3A_45, %mul3A_47 : vector<16xf32>
    %swap3A = arith.constant 0 : index
    %swap3A_49 = tpu.vector_load %arg44[%swap3A] {strides = array<i32>} : memref<64xf32, #tpu.memory_space<vmem>>, vector<16xf32>,
    tpu.vector_store %arg44[%swap3A], %mul3A_32 {strides = array<i32>} : memref<64xf32, #tpu.memory_space<vmem>>, vector<16xf32>,
    %swap3A_50 = arith.constant 0 : index
    %swap3A_51 = tpu.vector_load %arg45[%swap3A_50] {strides = array<i32>} : memref<64xf32, #tpu.memory_space<vmem>>, vector<16xf32>,
    tpu.vector_store %arg45[%swap3A_50], %mul3A_40 {strides = array<i32>} : memref<64xf32, #tpu.memory_space<vmem>>, vector<16xf32>,
    %swap3A_52 = arith.constant 0 : index
    %swap3A_53 = tpu.vector_load %arg46[%swap3A_52] {strides = array<i32>} : memref<64xf32, #tpu.memory_space<vmem>>, vector<16xf32>,
    tpu.vector_store %arg46[%swap3A_52], %mul3A_48 {strides = array<i32>} : memref<64xf32, #tpu.memory_space<vmem>>, vector<16xf32>,
    %get3A_54 = arith.constant 16 : index
    %get3A_55 = tpu.vector_load %arg34[%get3A_54] {strides = array<i32>} : memref<64xi32, #tpu.memory_space<vmem>>, vector<16xi32>,
    %get3A_56 = arith.constant 16 : index
    %get3A_57 = tpu.vector_load %arg35[%get3A_56] {strides = array<i32>} : memref<64xi32, #tpu.memory_space<vmem>>, vector<16xi32>,
    %get3A_58 = arith.constant 16 : index
    %get3A_59 = tpu.vector_load %arg36[%get3A_58] {strides = array<i32>} : memref<64xi32, #tpu.memory_space<vmem>>, vector<16xi32>,
    %gather3A_60 = tpu.vector_load_idx %arg28[%get3A_55] : memref<5120xf32, #tpu.memory_space<vmem>>[vector<16xi32>], vector<16xf32>,
    %gather3A_61 = tpu.vector_load_idx %arg28[%get3A_57] : memref<5120xf32, #tpu.memory_space<vmem>>[vector<16xi32>], vector<16xf32>,
    %add3A_62 = arith.addf %gather3A_60, %gather3A_61 : vector<16xf32>
    %gather3A_63 = tpu.vector_load_idx %arg28[%get3A_59] : memref<5120xf32, #tpu.memory_space<vmem>>[vector<16xi32>], vector<16xf32>,
    %add3A_64 = arith.addf %add3A_62, %gather3A_63 : vector<16xf32>
    %mul3A_65 = arith.constant 0.333333343 : f32
    %mul3A_66 = vector.broadcast %mul3A_65 : f32 to vector<16xf32>
    %mul3A_67 = arith.mulf %add3A_64, %mul3A_66 : vector<16xf32>
    %gather3A_68 = tpu.vector_load_idx %arg29[%get3A_55] : memref<5120xf32, #tpu.memory_space<vmem>>[vector<16xi32>], vector<16xf32>,
    %gather3A_69 = tpu.vector_load_idx %arg29[%get3A_57] : memref<5120xf32, #tpu.memory_space<vmem>>[vector<16xi32>], vector<16xf32>,
    %add3A_70 = arith.addf %gather3A_68, %gather3A_69 : vector<16xf32>
    %gather3A_71 = tpu.vector_load_idx %arg29[%get3A_59] : memref<5120xf32, #tpu.memory_space<vmem>>[vector<16xi32>], vector<16xf32>,
    %add3A_72 = arith.addf %add3A_70, %gather3A_71 : vector<16xf32>
    %mul3A_73 = arith.constant 0.333333343 : f32
    %mul3A_74 = vector.broadcast %mul3A_73 : f32 to vector<16xf32>
    %mul3A_75 = arith.mulf %add3A_72, %mul3A_74 : vector<16xf32>
    %gather3A_76 = tpu.vector_load_idx %arg30[%get3A_55] : memref<5120xf32, #tpu.memory_space<vmem>>[vector<16xi32>], vector<16xf32>,
    %gather3A_77 = tpu.vector_load_idx %arg30[%get3A_57] : memref<5120xf32, #tpu.memory_space<vmem>>[vector<16xi32>], vector<16xf32>,
    %add3A_78 = arith.addf %gather3A_76, %gather3A_77 : vector<16xf32>
    %gather3A_79 = tpu.vector_load_idx %arg30[%get3A_59] : memref<5120xf32, #tpu.memory_space<vmem>>[vector<16xi32>], vector<16xf32>,
    %add3A_80 = arith.addf %add3A_78, %gather3A_79 : vector<16xf32>
    %mul3A_81 = arith.constant 0.333333343 : f32
    %mul3A_82 = vector.broadcast %mul3A_81 : f32 to vector<16xf32>
    %mul3A_83 = arith.mulf %add3A_80, %mul3A_82 : vector<16xf32>
    %swap3A_84 = arith.constant 16 : index
    %swap3A_85 = tpu.vector_load %arg44[%swap3A_84] {strides = array<i32>} : memref<64xf32, #tpu.memory_space<vmem>>, vector<16xf32>,
    tpu.vector_store %arg44[%swap3A_84], %mul3A_67 {strides = array<i32>} : memref<64xf32, #tpu.memory_space<vmem>>, vector<16xf32>,
    %swap3A_86 = arith.constant 16 : index
    %swap3A_87 = tpu.vector_load %arg45[%swap3A_86] {strides = array<i32>} : memref<64xf32, #tpu.memory_space<vmem>>, vector<16xf32>,
    tpu.vector_store %arg45[%swap3A_86], %mul3A_75 {strides = array<i32>} : memref<64xf32, #tpu.memory_space<vmem>>, vector<16xf32>,
    %swap3A_88 = arith.constant 16 : index
    %swap3A_89 = tpu.vector_load %arg46[%swap3A_88] {strides = array<i32>} : memref<64xf32, #tpu.memory_space<vmem>>, vector<16xf32>,
    tpu.vector_store %arg46[%swap3A_88], %mul3A_83 {strides = array<i32>} : memref<64xf32, #tpu.memory_space<vmem>>, vector<16xf32>,
    %get3A_90 = arith.constant 32 : index
    %get3A_91 = tpu.vector_load %arg34[%get3A_90] {strides = array<i32>} : memref<64xi32, #tpu.memory_space<vmem>>, vector<16xi32>,
    %get3A_92 = arith.constant 32 : index
    %get3A_93 = tpu.vector_load %arg35[%get3A_92] {strides = array<i32>} : memref<64xi32, #tpu.memory_space<vmem>>, vector<16xi32>,
    %get3A_94 = arith.constant 32 : index
    %get3A_95 = tpu.vector_load %arg36[%get3A_94] {strides = array<i32>} : memref<64xi32, #tpu.memory_space<vmem>>, vector<16xi32>,
    %gather3A_96 = tpu.vector_load_idx %arg28[%get3A_91] : memref<5120xf32, #tpu.memory_space<vmem>>[vector<16xi32>], vector<16xf32>,
    %gather3A_97 = tpu.vector_load_idx %arg28[%get3A_93] : memref<5120xf32, #tpu.memory_space<vmem>>[vector<16xi32>], vector<16xf32>,
    %add3A_98 = arith.addf %gather3A_96, %gather3A_97 : vector<16xf32>
    %gather3A_99 = tpu.vector_load_idx %arg28[%get3A_95] : memref<5120xf32, #tpu.memory_space<vmem>>[vector<16xi32>], vector<16xf32>,
    %add3A_100 = arith.addf %add3A_98, %gather3A_99 : vector<16xf32>
    %mul3A_101 = arith.constant 0.333333343 : f32
    %mul3A_102 = vector.broadcast %mul3A_101 : f32 to vector<16xf32>
    %mul3A_103 = arith.mulf %add3A_100, %mul3A_102 : vector<16xf32>
    %gather3A_104 = tpu.vector_load_idx %arg29[%get3A_91] : memref<5120xf32, #tpu.memory_space<vmem>>[vector<16xi32>], vector<16xf32>,
    %gather3A_105 = tpu.vector_load_idx %arg29[%get3A_93] : memref<5120xf32, #tpu.memory_space<vmem>>[vector<16xi32>], vector<16xf32>,
    %add3A_106 = arith.addf %gather3A_104, %gather3A_105 : vector<16xf32>
    %gather3A_107 = tpu.vector_load_idx %arg29[%get3A_95] : memref<5120xf32, #tpu.memory_space<vmem>>[vector<16xi32>], vector<16xf32>,
    %add3A_108 = arith.addf %add3A_106, %gather3A_107 : vector<16xf32>
    %mul3A_109 = arith.constant 0.333333343 : f32
    %mul3A_110 = vector.broadcast %mul3A_109 : f32 to vector<16xf32>
    %mul3A_111 = arith.mulf %add3A_108, %mul3A_110 : vector<16xf32>
    %gather3A_112 = tpu.vector_load_idx %arg30[%get3A_91] : memref<5120xf32, #tpu.memory_space<vmem>>[vector<16xi32>], vector<16xf32>,
    %gather3A_113 = tpu.vector_load_idx %arg30[%get3A_93] : memref<5120xf32, #tpu.memory_space<vmem>>[vector<16xi32>], vector<16xf32>,
    %add3A_114 = arith.addf %gather3A_112, %gather3A_113 : vector<16xf32>
    %gather3A_115 = tpu.vector_load_idx %arg30[%get3A_95] : memref<5120xf32, #tpu.memory_space<vmem>>[vector<16xi32>], vector<16xf32>,
    %add3A_116 = arith.addf %add3A_114, %gather3A_115 : vector<16xf32>
    %mul3A_117 = arith.constant 0.333333343 : f32
    %mul3A_118 = vector.broadcast %mul3A_117 : f32 to vector<16xf32>
    %mul3A_119 = arith.mulf %add3A_116, %mul3A_118 : vector<16xf32>
    %swap3A_120 = arith.constant 32 : index
    %swap3A_121 = tpu.vector_load %arg44[%swap3A_120] {strides = array<i32>} : memref<64xf32, #tpu.memory_space<vmem>>, vector<16xf32>,
    tpu.vector_store %arg44[%swap3A_120], %mul3A_103 {strides = array<i32>} : memref<64xf32, #tpu.memory_space<vmem>>, vector<16xf32>,
    %swap3A_122 = arith.constant 32 : index
    %swap3A_123 = tpu.vector_load %arg45[%swap3A_122] {strides = array<i32>} : memref<64xf32, #tpu.memory_space<vmem>>, vector<16xf32>,
    tpu.vector_store %arg45[%swap3A_122], %mul3A_111 {strides = array<i32>} : memref<64xf32, #tpu.memory_space<vmem>>, vector<16xf32>,
    %swap3A_124 = arith.constant 32 : index
    %swap3A_125 = tpu.vector_load %arg46[%swap3A_124] {strides = array<i32>} : memref<64xf32, #tpu.memory_space<vmem>>, vector<16xf32>,
    tpu.vector_store %arg46[%swap3A_124], %mul3A_119 {strides = array<i32>} : memref<64xf32, #tpu.memory_space<vmem>>, vector<16xf32>,
    %get3A_126 = arith.constant 48 : index
    %get3A_127 = tpu.vector_load %arg34[%get3A_126] {strides = array<i32>} : memref<64xi32, #tpu.memory_space<vmem>>, vector<16xi32>,
    %get3A_128 = arith.constant 48 : index
    %get3A_129 = tpu.vector_load %arg35[%get3A_128] {strides = array<i32>} : memref<64xi32, #tpu.memory_space<vmem>>, vector<16xi32>,
    %get3A_130 = arith.constant 48 : index
    %get3A_131 = tpu.vector_load %arg36[%get3A_130] {strides = array<i32>} : memref<64xi32, #tpu.memory_space<vmem>>, vector<16xi32>,
    %gather3A_132 = tpu.vector_load_idx %arg28[%get3A_127] : memref<5120xf32, #tpu.memory_space<vmem>>[vector<16xi32>], vector<16xf32>,
    %gather3A_133 = tpu.vector_load_idx %arg28[%get3A_129] : memref<5120xf32, #tpu.memory_space<vmem>>[vector<16xi32>], vector<16xf32>,
    %add3A_134 = arith.addf %gather3A_132, %gather3A_133 : vector<16xf32>
    %gather3A_135 = tpu.vector_load_idx %arg28[%get3A_131] : memref<5120xf32, #tpu.memory_space<vmem>>[vector<16xi32>], vector<16xf32>,
    %add3A_136 = arith.addf %add3A_134, %gather3A_135 : vector<16xf32>
    %mul3A_137 = arith.constant 0.333333343 : f32
    %mul3A_138 = vector.broadcast %mul3A_137 : f32 to vector<16xf32>
    %mul3A_139 = arith.mulf %add3A_136, %mul3A_138 : vector<16xf32>
    %gather3A_140 = tpu.vector_load_idx %arg29[%get3A_127] : memref<5120xf32, #tpu.memory_space<vmem>>[vector<16xi32>], vector<16xf32>,
    %gather3A_141 = tpu.vector_load_idx %arg29[%get3A_129] : memref<5120xf32, #tpu.memory_space<vmem>>[vector<16xi32>], vector<16xf32>,
    %add3A_142 = arith.addf %gather3A_140, %gather3A_141 : vector<16xf32>
    %gather3A_143 = tpu.vector_load_idx %arg29[%get3A_131] : memref<5120xf32, #tpu.memory_space<vmem>>[vector<16xi32>], vector<16xf32>,
    %add3A_144 = arith.addf %add3A_142, %gather3A_143 : vector<16xf32>
    %mul3A_145 = arith.constant 0.333333343 : f32
    %mul3A_146 = vector.broadcast %mul3A_145 : f32 to vector<16xf32>
    %mul3A_147 = arith.mulf %add3A_144, %mul3A_146 : vector<16xf32>
    %gather3A_148 = tpu.vector_load_idx %arg30[%get3A_127] : memref<5120xf32, #tpu.memory_space<vmem>>[vector<16xi32>], vector<16xf32>,
    %gather3A_149 = tpu.vector_load_idx %arg30[%get3A_129] : memref<5120xf32, #tpu.memory_space<vmem>>[vector<16xi32>], vector<16xf32>,
    %add3A_150 = arith.addf %gather3A_148, %gather3A_149 : vector<16xf32>
    %gather3A_151 = tpu.vector_load_idx %arg30[%get3A_131] : memref<5120xf32, #tpu.memory_space<vmem>>[vector<16xi32>], vector<16xf32>,
    %add3A_152 = arith.addf %add3A_150, %gather3A_151 : vector<16xf32>
    %mul3A_153 = arith.constant 0.333333343 : f32
    %mul3A_154 = vector.broadcast %mul3A_153 : f32 to vector<16xf32>
    %mul3A_155 = arith.mulf %add3A_152, %mul3A_154 : vector<16xf32>
    %swap3A_156 = arith.constant 48 : index
    %swap3A_157 = tpu.vector_load %arg44[%swap3A_156] {strides = array<i32>} : memref<64xf32, #tpu.memory_space<vmem>>, vector<16xf32>,
    tpu.vector_store %arg44[%swap3A_156], %mul3A_139 {strides = array<i32>} : memref<64xf32, #tpu.memory_space<vmem>>, vector<16xf32>,
    %swap3A_158 = arith.constant 48 : index
    %swap3A_159 = tpu.vector_load %arg45[%swap3A_158] {strides = array<i32>} : memref<64xf32, #tpu.memory_space<vmem>>, vector<16xf32>,
    tpu.vector_store %arg45[%swap3A_158], %mul3A_147 {strides = array<i32>} : memref<64xf32, #tpu.memory_space<vmem>>, vector<16xf32>,
    %swap3A_160 = arith.constant 48 : index
    %swap3A_161 = tpu.vector_load %arg46[%swap3A_160] {strides = array<i32>} : memref<64xf32, #tpu.memory_space<vmem>>, vector<16xf32>,
    tpu.vector_store %arg46[%swap3A_160], %mul3A_155 {strides = array<i32>} : memref<64xf32, #tpu.memory_space<vmem>>, vector<16xf32>,
    %get3A_162 = arith.constant 0 : index
    %get3A_163 = tpu.vector_load %arg37[%get3A_162] {strides = array<i32>} : memref<128xi32, #tpu.memory_space<vmem>>, vector<16xi32>,
    %get3A_164 = arith.constant 0 : index
    %get3A_165 = tpu.vector_load %arg38[%get3A_164] {strides = array<i32>} : memref<128xi32, #tpu.memory_space<vmem>>, vector<16xi32>,
    %get3A_166 = arith.constant 0 : index
    %get3A_167 = tpu.vector_load %arg39[%get3A_166] {strides = array<i32>} : memref<128xi32, #tpu.memory_space<vmem>>, vector<16xi32>,
    %gather3A_168 = tpu.vector_load_idx %arg31[%get3A_163] : memref<8192xf32, #tpu.memory_space<vmem>>[vector<16xi32>], vector<16xf32>,
    %gather3A_169 = tpu.vector_load_idx %arg31[%get3A_165] : memref<8192xf32, #tpu.memory_space<vmem>>[vector<16xi32>], vector<16xf32>,
    %add3A_170 = arith.addf %gather3A_168, %gather3A_169 : vector<16xf32>
    %gather3A_171 = tpu.vector_load_idx %arg31[%get3A_167] : memref<8192xf32, #tpu.memory_space<vmem>>[vector<16xi32>], vector<16xf32>,
    %add3A_172 = arith.addf %add3A_170, %gather3A_171 : vector<16xf32>
    %mul3A_173 = arith.constant 0.333333343 : f32
    %mul3A_174 = vector.broadcast %mul3A_173 : f32 to vector<16xf32>
    %mul3A_175 = arith.mulf %add3A_172, %mul3A_174 : vector<16xf32>
    %gather3A_176 = tpu.vector_load_idx %arg32[%get3A_163] : memref<8192xf32, #tpu.memory_space<vmem>>[vector<16xi32>], vector<16xf32>,
    %gather3A_177 = tpu.vector_load_idx %arg32[%get3A_165] : memref<8192xf32, #tpu.memory_space<vmem>>[vector<16xi32>], vector<16xf32>,
    %add3A_178 = arith.addf %gather3A_176, %gather3A_177 : vector<16xf32>
    %gather3A_179 = tpu.vector_load_idx %arg32[%get3A_167] : memref<8192xf32, #tpu.memory_space<vmem>>[vector<16xi32>], vector<16xf32>,
    %add3A_180 = arith.addf %add3A_178, %gather3A_179 : vector<16xf32>
    %mul3A_181 = arith.constant 0.333333343 : f32
    %mul3A_182 = vector.broadcast %mul3A_181 : f32 to vector<16xf32>
    %mul3A_183 = arith.mulf %add3A_180, %mul3A_182 : vector<16xf32>
    %gather3A_184 = tpu.vector_load_idx %arg33[%get3A_163] : memref<8192xf32, #tpu.memory_space<vmem>>[vector<16xi32>], vector<16xf32>,
    %gather3A_185 = tpu.vector_load_idx %arg33[%get3A_165] : memref<8192xf32, #tpu.memory_space<vmem>>[vector<16xi32>], vector<16xf32>,
    %add3A_186 = arith.addf %gather3A_184, %gather3A_185 : vector<16xf32>
    %gather3A_187 = tpu.vector_load_idx %arg33[%get3A_167] : memref<8192xf32, #tpu.memory_space<vmem>>[vector<16xi32>], vector<16xf32>,
    %add3A_188 = arith.addf %add3A_186, %gather3A_187 : vector<16xf32>
    %mul3A_189 = arith.constant 0.333333343 : f32
    %mul3A_190 = vector.broadcast %mul3A_189 : f32 to vector<16xf32>
    %mul3A_191 = arith.mulf %add3A_188, %mul3A_190 : vector<16xf32>
    %swap3A_192 = arith.constant 0 : index
    %swap3A_193 = tpu.vector_load %arg47[%swap3A_192] {strides = array<i32>} : memref<128xf32, #tpu.memory_space<vmem>>, vector<16xf32>,
    tpu.vector_store %arg47[%swap3A_192], %mul3A_175 {strides = array<i32>} : memref<128xf32, #tpu.memory_space<vmem>>, vector<16xf32>,
    %swap3A_194 = arith.constant 0 : index
    %swap3A_195 = tpu.vector_load %arg48[%swap3A_194] {strides = array<i32>} : memref<128xf32, #tpu.memory_space<vmem>>, vector<16xf32>,
    tpu.vector_store %arg48[%swap3A_194], %mul3A_183 {strides = array<i32>} : memref<128xf32, #tpu.memory_space<vmem>>, vector<16xf32>,
    %swap3A_196 = arith.constant 0 : index
    %swap3A_197 = tpu.vector_load %arg49[%swap3A_196] {strides = array<i32>} : memref<128xf32, #tpu.memory_space<vmem>>, vector<16xf32>,
    tpu.vector_store %arg49[%swap3A_196], %mul3A_191 {strides = array<i32>} : memref<128xf32, #tpu.memory_space<vmem>>, vector<16xf32>,
    %get3A_198 = arith.constant 16 : index
    %get3A_199 = tpu.vector_load %arg37[%get3A_198] {strides = array<i32>} : memref<128xi32, #tpu.memory_space<vmem>>, vector<16xi32>,
    %get3A_200 = arith.constant 16 : index
    %get3A_201 = tpu.vector_load %arg38[%get3A_200] {strides = array<i32>} : memref<128xi32, #tpu.memory_space<vmem>>, vector<16xi32>,
    %get3A_202 = arith.constant 16 : index
    %get3A_203 = tpu.vector_load %arg39[%get3A_202] {strides = array<i32>} : memref<128xi32, #tpu.memory_space<vmem>>, vector<16xi32>,
    %gather3A_204 = tpu.vector_load_idx %arg31[%get3A_199] : memref<8192xf32, #tpu.memory_space<vmem>>[vector<16xi32>], vector<16xf32>,
    %gather3A_205 = tpu.vector_load_idx %arg31[%get3A_201] : memref<8192xf32, #tpu.memory_space<vmem>>[vector<16xi32>], vector<16xf32>,
    %add3A_206 = arith.addf %gather3A_204, %gather3A_205 : vector<16xf32>
    %gather3A_207 = tpu.vector_load_idx %arg31[%get3A_203] : memref<8192xf32, #tpu.memory_space<vmem>>[vector<16xi32>], vector<16xf32>,
    %add3A_208 = arith.addf %add3A_206, %gather3A_207 : vector<16xf32>
    %mul3A_209 = arith.constant 0.333333343 : f32
    %mul3A_210 = vector.broadcast %mul3A_209 : f32 to vector<16xf32>
    %mul3A_211 = arith.mulf %add3A_208, %mul3A_210 : vector<16xf32>
    %gather3A_212 = tpu.vector_load_idx %arg32[%get3A_199] : memref<8192xf32, #tpu.memory_space<vmem>>[vector<16xi32>], vector<16xf32>,
    %gather3A_213 = tpu.vector_load_idx %arg32[%get3A_201] : memref<8192xf32, #tpu.memory_space<vmem>>[vector<16xi32>], vector<16xf32>,
    %add3A_214 = arith.addf %gather3A_212, %gather3A_213 : vector<16xf32>
    %gather3A_215 = tpu.vector_load_idx %arg32[%get3A_203] : memref<8192xf32, #tpu.memory_space<vmem>>[vector<16xi32>], vector<16xf32>,
    %add3A_216 = arith.addf %add3A_214, %gather3A_215 : vector<16xf32>
    %mul3A_217 = arith.constant 0.333333343 : f32
    %mul3A_218 = vector.broadcast %mul3A_217 : f32 to vector<16xf32>
    %mul3A_219 = arith.mulf %add3A_216, %mul3A_218 : vector<16xf32>
    %gather3A_220 = tpu.vector_load_idx %arg33[%get3A_199] : memref<8192xf32, #tpu.memory_space<vmem>>[vector<16xi32>], vector<16xf32>,
    %gather3A_221 = tpu.vector_load_idx %arg33[%get3A_201] : memref<8192xf32, #tpu.memory_space<vmem>>[vector<16xi32>], vector<16xf32>,
    %add3A_222 = arith.addf %gather3A_220, %gather3A_221 : vector<16xf32>
    %gather3A_223 = tpu.vector_load_idx %arg33[%get3A_203] : memref<8192xf32, #tpu.memory_space<vmem>>[vector<16xi32>], vector<16xf32>,
    %add3A_224 = arith.addf %add3A_222, %gather3A_223 : vector<16xf32>
    %mul3A_225 = arith.constant 0.333333343 : f32
    %mul3A_226 = vector.broadcast %mul3A_225 : f32 to vector<16xf32>
    %mul3A_227 = arith.mulf %add3A_224, %mul3A_226 : vector<16xf32>
    %swap3A_228 = arith.constant 16 : index
    %swap3A_229 = tpu.vector_load %arg47[%swap3A_228] {strides = array<i32>} : memref<128xf32, #tpu.memory_space<vmem>>, vector<16xf32>,
    tpu.vector_store %arg47[%swap3A_228], %mul3A_211 {strides = array<i32>} : memref<128xf32, #tpu.memory_space<vmem>>, vector<16xf32>,
    %swap3A_230 = arith.constant 16 : index
    %swap3A_231 = tpu.vector_load %arg48[%swap3A_230] {strides = array<i32>} : memref<128xf32, #tpu.memory_space<vmem>>, vector<16xf32>,
    tpu.vector_store %arg48[%swap3A_230], %mul3A_219 {strides = array<i32>} : memref<128xf32, #tpu.memory_space<vmem>>, vector<16xf32>,
    %swap3A_232 = arith.constant 16 : index
    %swap3A_233 = tpu.vector_load %arg49[%swap3A_232] {strides = array<i32>} : memref<128xf32, #tpu.memory_space<vmem>>, vector<16xf32>,
    tpu.vector_store %arg49[%swap3A_232], %mul3A_227 {strides = array<i32>} : memref<128xf32, #tpu.memory_space<vmem>>, vector<16xf32>,
    %get3A_234 = arith.constant 32 : index
    %get3A_235 = tpu.vector_load %arg37[%get3A_234] {strides = array<i32>} : memref<128xi32, #tpu.memory_space<vmem>>, vector<16xi32>,
    %get3A_236 = arith.constant 32 : index
    %get3A_237 = tpu.vector_load %arg38[%get3A_236] {strides = array<i32>} : memref<128xi32, #tpu.memory_space<vmem>>, vector<16xi32>,
    %get3A_238 = arith.constant 32 : index
    %get3A_239 = tpu.vector_load %arg39[%get3A_238] {strides = array<i32>} : memref<128xi32, #tpu.memory_space<vmem>>, vector<16xi32>,
    %gather3A_240 = tpu.vector_load_idx %arg31[%get3A_235] : memref<8192xf32, #tpu.memory_space<vmem>>[vector<16xi32>], vector<16xf32>,
    %gather3A_241 = tpu.vector_load_idx %arg31[%get3A_237] : memref<8192xf32, #tpu.memory_space<vmem>>[vector<16xi32>], vector<16xf32>,
    %add3A_242 = arith.addf %gather3A_240, %gather3A_241 : vector<16xf32>
    %gather3A_243 = tpu.vector_load_idx %arg31[%get3A_239] : memref<8192xf32, #tpu.memory_space<vmem>>[vector<16xi32>], vector<16xf32>,
    %add3A_244 = arith.addf %add3A_242, %gather3A_243 : vector<16xf32>
    %mul3A_245 = arith.constant 0.333333343 : f32
    %mul3A_246 = vector.broadcast %mul3A_245 : f32 to vector<16xf32>
    %mul3A_247 = arith.mulf %add3A_244, %mul3A_246 : vector<16xf32>
    %gather3A_248 = tpu.vector_load_idx %arg32[%get3A_235] : memref<8192xf32, #tpu.memory_space<vmem>>[vector<16xi32>], vector<16xf32>,
    %gather3A_249 = tpu.vector_load_idx %arg32[%get3A_237] : memref<8192xf32, #tpu.memory_space<vmem>>[vector<16xi32>], vector<16xf32>,
    %add3A_250 = arith.addf %gather3A_248, %gather3A_249 : vector<16xf32>
    %gather3A_251 = tpu.vector_load_idx %arg32[%get3A_239] : memref<8192xf32, #tpu.memory_space<vmem>>[vector<16xi32>], vector<16xf32>,
    %add3A_252 = arith.addf %add3A_250, %gather3A_251 : vector<16xf32>
    %mul3A_253 = arith.constant 0.333333343 : f32
    %mul3A_254 = vector.broadcast %mul3A_253 : f32 to vector<16xf32>
    %mul3A_255 = arith.mulf %add3A_252, %mul3A_254 : vector<16xf32>
    %gather3A_256 = tpu.vector_load_idx %arg33[%get3A_235] : memref<8192xf32, #tpu.memory_space<vmem>>[vector<16xi32>], vector<16xf32>,
    %gather3A_257 = tpu.vector_load_idx %arg33[%get3A_237] : memref<8192xf32, #tpu.memory_space<vmem>>[vector<16xi32>], vector<16xf32>,
    %add3A_258 = arith.addf %gather3A_256, %gather3A_257 : vector<16xf32>
    %gather3A_259 = tpu.vector_load_idx %arg33[%get3A_239] : memref<8192xf32, #tpu.memory_space<vmem>>[vector<16xi32>], vector<16xf32>,
    %add3A_260 = arith.addf %add3A_258, %gather3A_259 : vector<16xf32>
    %mul3A_261 = arith.constant 0.333333343 : f32
    %mul3A_262 = vector.broadcast %mul3A_261 : f32 to vector<16xf32>
    %mul3A_263 = arith.mulf %add3A_260, %mul3A_262 : vector<16xf32>
    %swap3A_264 = arith.constant 32 : index
    %swap3A_265 = tpu.vector_load %arg47[%swap3A_264] {strides = array<i32>} : memref<128xf32, #tpu.memory_space<vmem>>, vector<16xf32>,
    tpu.vector_store %arg47[%swap3A_264], %mul3A_247 {strides = array<i32>} : memref<128xf32, #tpu.memory_space<vmem>>, vector<16xf32>,
    %swap3A_266 = arith.constant 32 : index
    %swap3A_267 = tpu.vector_load %arg48[%swap3A_266] {strides = array<i32>} : memref<128xf32, #tpu.memory_space<vmem>>, vector<16xf32>,
    tpu.vector_store %arg48[%swap3A_266], %mul3A_255 {strides = array<i32>} : memref<128xf32, #tpu.memory_space<vmem>>, vector<16xf32>,
    %swap3A_268 = arith.constant 32 : index
    %swap3A_269 = tpu.vector_load %arg49[%swap3A_268] {strides = array<i32>} : memref<128xf32, #tpu.memory_space<vmem>>, vector<16xf32>,
    tpu.vector_store %arg49[%swap3A_268], %mul3A_263 {strides = array<i32>} : memref<128xf32, #tpu.memory_space<vmem>>, vector<16xf32>,
    %get3A_270 = arith.constant 48 : index
    %get3A_271 = tpu.vector_load %arg37[%get3A_270] {strides = array<i32>} : memref<128xi32, #tpu.memory_space<vmem>>, vector<16xi32>,
    %get3A_272 = arith.constant 48 : index
    %get3A_273 = tpu.vector_load %arg38[%get3A_272] {strides = array<i32>} : memref<128xi32, #tpu.memory_space<vmem>>, vector<16xi32>,
    %get3A_274 = arith.constant 48 : index
    %get3A_275 = tpu.vector_load %arg39[%get3A_274] {strides = array<i32>} : memref<128xi32, #tpu.memory_space<vmem>>, vector<16xi32>,
    %gather3A_276 = tpu.vector_load_idx %arg31[%get3A_271] : memref<8192xf32, #tpu.memory_space<vmem>>[vector<16xi32>], vector<16xf32>,
    %gather3A_277 = tpu.vector_load_idx %arg31[%get3A_273] : memref<8192xf32, #tpu.memory_space<vmem>>[vector<16xi32>], vector<16xf32>,
    %add3A_278 = arith.addf %gather3A_276, %gather3A_277 : vector<16xf32>
    %gather3A_279 = tpu.vector_load_idx %arg31[%get3A_275] : memref<8192xf32, #tpu.memory_space<vmem>>[vector<16xi32>], vector<16xf32>,
    %add3A_280 = arith.addf %add3A_278, %gather3A_279 : vector<16xf32>
    %mul3A_281 = arith.constant 0.333333343 : f32
    %mul3A_282 = vector.broadcast %mul3A_281 : f32 to vector<16xf32>
    %mul3A_283 = arith.mulf %add3A_280, %mul3A_282 : vector<16xf32>
    %gather3A_284 = tpu.vector_load_idx %arg32[%get3A_271] : memref<8192xf32, #tpu.memory_space<vmem>>[vector<16xi32>], vector<16xf32>,
    %gather3A_285 = tpu.vector_load_idx %arg32[%get3A_273] : memref<8192xf32, #tpu.memory_space<vmem>>[vector<16xi32>], vector<16xf32>,
    %add3A_286 = arith.addf %gather3A_284, %gather3A_285 : vector<16xf32>
    %gather3A_287 = tpu.vector_load_idx %arg32[%get3A_275] : memref<8192xf32, #tpu.memory_space<vmem>>[vector<16xi32>], vector<16xf32>,
    %add3A_288 = arith.addf %add3A_286, %gather3A_287 : vector<16xf32>
    %mul3A_289 = arith.constant 0.333333343 : f32
    %mul3A_290 = vector.broadcast %mul3A_289 : f32 to vector<16xf32>
    %mul3A_291 = arith.mulf %add3A_288, %mul3A_290 : vector<16xf32>
    %gather3A_292 = tpu.vector_load_idx %arg33[%get3A_271] : memref<8192xf32, #tpu.memory_space<vmem>>[vector<16xi32>], vector<16xf32>,
    %gather3A_293 = tpu.vector_load_idx %arg33[%get3A_273] : memref<8192xf32, #tpu.memory_space<vmem>>[vector<16xi32>], vector<16xf32>,
    %add3A_294 = arith.addf %gather3A_292, %gather3A_293 : vector<16xf32>
    %gather3A_295 = tpu.vector_load_idx %arg33[%get3A_275] : memref<8192xf32, #tpu.memory_space<vmem>>[vector<16xi32>], vector<16xf32>,
    %add3A_296 = arith.addf %add3A_294, %gather3A_295 : vector<16xf32>
    %mul3A_297 = arith.constant 0.333333343 : f32
    %mul3A_298 = vector.broadcast %mul3A_297 : f32 to vector<16xf32>
    %mul3A_299 = arith.mulf %add3A_296, %mul3A_298 : vector<16xf32>
    %swap3A_300 = arith.constant 48 : index
    %swap3A_301 = tpu.vector_load %arg47[%swap3A_300] {strides = array<i32>} : memref<128xf32, #tpu.memory_space<vmem>>, vector<16xf32>,
    tpu.vector_store %arg47[%swap3A_300], %mul3A_283 {strides = array<i32>} : memref<128xf32, #tpu.memory_space<vmem>>, vector<16xf32>,
    %swap3A_302 = arith.constant 48 : index
    %swap3A_303 = tpu.vector_load %arg48[%swap3A_302] {strides = array<i32>} : memref<128xf32, #tpu.memory_space<vmem>>, vector<16xf32>,
    tpu.vector_store %arg48[%swap3A_302], %mul3A_291 {strides = array<i32>} : memref<128xf32, #tpu.memory_space<vmem>>, vector<16xf32>,
    %swap3A_304 = arith.constant 48 : index
    %swap3A_305 = tpu.vector_load %arg49[%swap3A_304] {strides = array<i32>} : memref<128xf32, #tpu.memory_space<vmem>>, vector<16xf32>,
    tpu.vector_store %arg49[%swap3A_304], %mul3A_299 {strides = array<i32>} : memref<128xf32, #tpu.memory_space<vmem>>, vector<16xf32>,
    %get3A_306 = arith.constant 64 : index
    %get3A_307 = tpu.vector_load %arg37[%get3A_306] {strides = array<i32>} : memref<128xi32, #tpu.memory_space<vmem>>, vector<16xi32>,
    %get3A_308 = arith.constant 64 : index
    %get3A_309 = tpu.vector_load %arg38[%get3A_308] {strides = array<i32>} : memref<128xi32, #tpu.memory_space<vmem>>, vector<16xi32>,
    %get3A_310 = arith.constant 64 : index
    %get3A_311 = tpu.vector_load %arg39[%get3A_310] {strides = array<i32>} : memref<128xi32, #tpu.memory_space<vmem>>, vector<16xi32>,
    %gather3A_312 = tpu.vector_load_idx %arg31[%get3A_307] : memref<8192xf32, #tpu.memory_space<vmem>>[vector<16xi32>], vector<16xf32>,
    %gather3A_313 = tpu.vector_load_idx %arg31[%get3A_309] : memref<8192xf32, #tpu.memory_space<vmem>>[vector<16xi32>], vector<16xf32>,
    %add3A_314 = arith.addf %gather3A_312, %gather3A_313 : vector<16xf32>
    %gather3A_315 = tpu.vector_load_idx %arg31[%get3A_311] : memref<8192xf32, #tpu.memory_space<vmem>>[vector<16xi32>], vector<16xf32>,
    %add3A_316 = arith.addf %add3A_314, %gather3A_315 : vector<16xf32>
    %mul3A_317 = arith.constant 0.333333343 : f32
    %mul3A_318 = vector.broadcast %mul3A_317 : f32 to vector<16xf32>
    %mul3A_319 = arith.mulf %add3A_316, %mul3A_318 : vector<16xf32>
    %gather3A_320 = tpu.vector_load_idx %arg32[%get3A_307] : memref<8192xf32, #tpu.memory_space<vmem>>[vector<16xi32>], vector<16xf32>,
    %gather3A_321 = tpu.vector_load_idx %arg32[%get3A_309] : memref<8192xf32, #tpu.memory_space<vmem>>[vector<16xi32>], vector<16xf32>,
    %add3A_322 = arith.addf %gather3A_320, %gather3A_321 : vector<16xf32>
    %gather3A_323 = tpu.vector_load_idx %arg32[%get3A_311] : memref<8192xf32, #tpu.memory_space<vmem>>[vector<16xi32>], vector<16xf32>,
    %add3A_324 = arith.addf %add3A_322, %gather3A_323 : vector<16xf32>
    %mul3A_325 = arith.constant 0.333333343 : f32
    %mul3A_326 = vector.broadcast %mul3A_325 : f32 to vector<16xf32>
    %mul3A_327 = arith.mulf %add3A_324, %mul3A_326 : vector<16xf32>
    %gather3A_328 = tpu.vector_load_idx %arg33[%get3A_307] : memref<8192xf32, #tpu.memory_space<vmem>>[vector<16xi32>], vector<16xf32>,
    %gather3A_329 = tpu.vector_load_idx %arg33[%get3A_309] : memref<8192xf32, #tpu.memory_space<vmem>>[vector<16xi32>], vector<16xf32>,
    %add3A_330 = arith.addf %gather3A_328, %gather3A_329 : vector<16xf32>
    %gather3A_331 = tpu.vector_load_idx %arg33[%get3A_311] : memref<8192xf32, #tpu.memory_space<vmem>>[vector<16xi32>], vector<16xf32>,
    %add3A_332 = arith.addf %add3A_330, %gather3A_331 : vector<16xf32>
    %mul3A_333 = arith.constant 0.333333343 : f32
    %mul3A_334 = vector.broadcast %mul3A_333 : f32 to vector<16xf32>
    %mul3A_335 = arith.mulf %add3A_332, %mul3A_334 : vector<16xf32>
    %swap3A_336 = arith.constant 64 : index
    %swap3A_337 = tpu.vector_load %arg47[%swap3A_336] {strides = array<i32>} : memref<128xf32, #tpu.memory_space<vmem>>, vector<16xf32>,
    tpu.vector_store %arg47[%swap3A_336], %mul3A_319 {strides = array<i32>} : memref<128xf32, #tpu.memory_space<vmem>>, vector<16xf32>,
    %swap3A_338 = arith.constant 64 : index
    %swap3A_339 = tpu.vector_load %arg48[%swap3A_338] {strides = array<i32>} : memref<128xf32, #tpu.memory_space<vmem>>, vector<16xf32>,
    tpu.vector_store %arg48[%swap3A_338], %mul3A_327 {strides = array<i32>} : memref<128xf32, #tpu.memory_space<vmem>>, vector<16xf32>,
    %swap3A_340 = arith.constant 64 : index
    %swap3A_341 = tpu.vector_load %arg49[%swap3A_340] {strides = array<i32>} : memref<128xf32, #tpu.memory_space<vmem>>, vector<16xf32>,
    tpu.vector_store %arg49[%swap3A_340], %mul3A_335 {strides = array<i32>} : memref<128xf32, #tpu.memory_space<vmem>>, vector<16xf32>,
    %get3A_342 = arith.constant 80 : index
    %get3A_343 = tpu.vector_load %arg37[%get3A_342] {strides = array<i32>} : memref<128xi32, #tpu.memory_space<vmem>>, vector<16xi32>,
    %get3A_344 = arith.constant 80 : index
    %get3A_345 = tpu.vector_load %arg38[%get3A_344] {strides = array<i32>} : memref<128xi32, #tpu.memory_space<vmem>>, vector<16xi32>,
    %get3A_346 = arith.constant 80 : index
    %get3A_347 = tpu.vector_load %arg39[%get3A_346] {strides = array<i32>} : memref<128xi32, #tpu.memory_space<vmem>>, vector<16xi32>,
    %gather3A_348 = tpu.vector_load_idx %arg31[%get3A_343] : memref<8192xf32, #tpu.memory_space<vmem>>[vector<16xi32>], vector<16xf32>,
    %gather3A_349 = tpu.vector_load_idx %arg31[%get3A_345] : memref<8192xf32, #tpu.memory_space<vmem>>[vector<16xi32>], vector<16xf32>,
    %add3A_350 = arith.addf %gather3A_348, %gather3A_349 : vector<16xf32>
    %gather3A_351 = tpu.vector_load_idx %arg31[%get3A_347] : memref<8192xf32, #tpu.memory_space<vmem>>[vector<16xi32>], vector<16xf32>,
    %add3A_352 = arith.addf %add3A_350, %gather3A_351 : vector<16xf32>
    %mul3A_353 = arith.constant 0.333333343 : f32
    %mul3A_354 = vector.broadcast %mul3A_353 : f32 to vector<16xf32>
    %mul3A_355 = arith.mulf %add3A_352, %mul3A_354 : vector<16xf32>
    %gather3A_356 = tpu.vector_load_idx %arg32[%get3A_343] : memref<8192xf32, #tpu.memory_space<vmem>>[vector<16xi32>], vector<16xf32>,
    %gather3A_357 = tpu.vector_load_idx %arg32[%get3A_345] : memref<8192xf32, #tpu.memory_space<vmem>>[vector<16xi32>], vector<16xf32>,
    %add3A_358 = arith.addf %gather3A_356, %gather3A_357 : vector<16xf32>
    %gather3A_359 = tpu.vector_load_idx %arg32[%get3A_347] : memref<8192xf32, #tpu.memory_space<vmem>>[vector<16xi32>], vector<16xf32>,
    %add3A_360 = arith.addf %add3A_358, %gather3A_359 : vector<16xf32>
    %mul3A_361 = arith.constant 0.333333343 : f32
    %mul3A_362 = vector.broadcast %mul3A_361 : f32 to vector<16xf32>
    %mul3A_363 = arith.mulf %add3A_360, %mul3A_362 : vector<16xf32>
    %gather3A_364 = tpu.vector_load_idx %arg33[%get3A_343] : memref<8192xf32, #tpu.memory_space<vmem>>[vector<16xi32>], vector<16xf32>,
    %gather3A_365 = tpu.vector_load_idx %arg33[%get3A_345] : memref<8192xf32, #tpu.memory_space<vmem>>[vector<16xi32>], vector<16xf32>,
    %add3A_366 = arith.addf %gather3A_364, %gather3A_365 : vector<16xf32>
    %gather3A_367 = tpu.vector_load_idx %arg33[%get3A_347] : memref<8192xf32, #tpu.memory_space<vmem>>[vector<16xi32>], vector<16xf32>,
    %add3A_368 = arith.addf %add3A_366, %gather3A_367 : vector<16xf32>
    %mul3A_369 = arith.constant 0.333333343 : f32
    %mul3A_370 = vector.broadcast %mul3A_369 : f32 to vector<16xf32>
    %mul3A_371 = arith.mulf %add3A_368, %mul3A_370 : vector<16xf32>
    %swap3A_372 = arith.constant 80 : index
    %swap3A_373 = tpu.vector_load %arg47[%swap3A_372] {strides = array<i32>} : memref<128xf32, #tpu.memory_space<vmem>>, vector<16xf32>,
    tpu.vector_store %arg47[%swap3A_372], %mul3A_355 {strides = array<i32>} : memref<128xf32, #tpu.memory_space<vmem>>, vector<16xf32>,
    %swap3A_374 = arith.constant 80 : index
    %swap3A_375 = tpu.vector_load %arg48[%swap3A_374] {strides = array<i32>} : memref<128xf32, #tpu.memory_space<vmem>>, vector<16xf32>,
    tpu.vector_store %arg48[%swap3A_374], %mul3A_363 {strides = array<i32>} : memref<128xf32, #tpu.memory_space<vmem>>, vector<16xf32>,
    %swap3A_376 = arith.constant 80 : index
    %swap3A_377 = tpu.vector_load %arg49[%swap3A_376] {strides = array<i32>} : memref<128xf32, #tpu.memory_space<vmem>>, vector<16xf32>,
    tpu.vector_store %arg49[%swap3A_376], %mul3A_371 {strides = array<i32>} : memref<128xf32, #tpu.memory_space<vmem>>, vector<16xf32>,
    %get3A_378 = arith.constant 96 : index
    %get3A_379 = tpu.vector_load %arg37[%get3A_378] {strides = array<i32>} : memref<128xi32, #tpu.memory_space<vmem>>, vector<16xi32>,
    %get3A_380 = arith.constant 96 : index
    %get3A_381 = tpu.vector_load %arg38[%get3A_380] {strides = array<i32>} : memref<128xi32, #tpu.memory_space<vmem>>, vector<16xi32>,
    %get3A_382 = arith.constant 96 : index
    %get3A_383 = tpu.vector_load %arg39[%get3A_382] {strides = array<i32>} : memref<128xi32, #tpu.memory_space<vmem>>, vector<16xi32>,
    %gather3A_384 = tpu.vector_load_idx %arg31[%get3A_379] : memref<8192xf32, #tpu.memory_space<vmem>>[vector<16xi32>], vector<16xf32>,
    %gather3A_385 = tpu.vector_load_idx %arg31[%get3A_381] : memref<8192xf32, #tpu.memory_space<vmem>>[vector<16xi32>], vector<16xf32>,
    %add3A_386 = arith.addf %gather3A_384, %gather3A_385 : vector<16xf32>
    %gather3A_387 = tpu.vector_load_idx %arg31[%get3A_383] : memref<8192xf32, #tpu.memory_space<vmem>>[vector<16xi32>], vector<16xf32>,
    %add3A_388 = arith.addf %add3A_386, %gather3A_387 : vector<16xf32>
    %mul3A_389 = arith.constant 0.333333343 : f32
    %mul3A_390 = vector.broadcast %mul3A_389 : f32 to vector<16xf32>
    %mul3A_391 = arith.mulf %add3A_388, %mul3A_390 : vector<16xf32>
    %gather3A_392 = tpu.vector_load_idx %arg32[%get3A_379] : memref<8192xf32, #tpu.memory_space<vmem>>[vector<16xi32>], vector<16xf32>,
    %gather3A_393 = tpu.vector_load_idx %arg32[%get3A_381] : memref<8192xf32, #tpu.memory_space<vmem>>[vector<16xi32>], vector<16xf32>,
    %add3A_394 = arith.addf %gather3A_392, %gather3A_393 : vector<16xf32>
    %gather3A_395 = tpu.vector_load_idx %arg32[%get3A_383] : memref<8192xf32, #tpu.memory_space<vmem>>[vector<16xi32>], vector<16xf32>,
    %add3A_396 = arith.addf %add3A_394, %gather3A_395 : vector<16xf32>
    %mul3A_397 = arith.constant 0.333333343 : f32
    %mul3A_398 = vector.broadcast %mul3A_397 : f32 to vector<16xf32>
    %mul3A_399 = arith.mulf %add3A_396, %mul3A_398 : vector<16xf32>
    %gather3A_400 = tpu.vector_load_idx %arg33[%get3A_379] : memref<8192xf32, #tpu.memory_space<vmem>>[vector<16xi32>], vector<16xf32>,
    %gather3A_401 = tpu.vector_load_idx %arg33[%get3A_381] : memref<8192xf32, #tpu.memory_space<vmem>>[vector<16xi32>], vector<16xf32>,
    %add3A_402 = arith.addf %gather3A_400, %gather3A_401 : vector<16xf32>
    %gather3A_403 = tpu.vector_load_idx %arg33[%get3A_383] : memref<8192xf32, #tpu.memory_space<vmem>>[vector<16xi32>], vector<16xf32>,
    %add3A_404 = arith.addf %add3A_402, %gather3A_403 : vector<16xf32>
    %mul3A_405 = arith.constant 0.333333343 : f32
    %mul3A_406 = vector.broadcast %mul3A_405 : f32 to vector<16xf32>
    %mul3A_407 = arith.mulf %add3A_404, %mul3A_406 : vector<16xf32>
    %swap3A_408 = arith.constant 96 : index
    %swap3A_409 = tpu.vector_load %arg47[%swap3A_408] {strides = array<i32>} : memref<128xf32, #tpu.memory_space<vmem>>, vector<16xf32>,
    tpu.vector_store %arg47[%swap3A_408], %mul3A_391 {strides = array<i32>} : memref<128xf32, #tpu.memory_space<vmem>>, vector<16xf32>,
    %swap3A_410 = arith.constant 96 : index
    %swap3A_411 = tpu.vector_load %arg48[%swap3A_410] {strides = array<i32>} : memref<128xf32, #tpu.memory_space<vmem>>, vector<16xf32>,
    tpu.vector_store %arg48[%swap3A_410], %mul3A_399 {strides = array<i32>} : memref<128xf32, #tpu.memory_space<vmem>>, vector<16xf32>,
    %swap3A_412 = arith.constant 96 : index
    %swap3A_413 = tpu.vector_load %arg49[%swap3A_412] {strides = array<i32>} : memref<128xf32, #tpu.memory_space<vmem>>, vector<16xf32>,
    tpu.vector_store %arg49[%swap3A_412], %mul3A_407 {strides = array<i32>} : memref<128xf32, #tpu.memory_space<vmem>>, vector<16xf32>,
    %get3A_414 = arith.constant 112 : index
    %get3A_415 = tpu.vector_load %arg37[%get3A_414] {strides = array<i32>} : memref<128xi32, #tpu.memory_space<vmem>>, vector<16xi32>,
    %get3A_416 = arith.constant 112 : index
    %get3A_417 = tpu.vector_load %arg38[%get3A_416] {strides = array<i32>} : memref<128xi32, #tpu.memory_space<vmem>>, vector<16xi32>,
    %get3A_418 = arith.constant 112 : index
    %get3A_419 = tpu.vector_load %arg39[%get3A_418] {strides = array<i32>} : memref<128xi32, #tpu.memory_space<vmem>>, vector<16xi32>,
    %gather3A_420 = tpu.vector_load_idx %arg31[%get3A_415] : memref<8192xf32, #tpu.memory_space<vmem>>[vector<16xi32>], vector<16xf32>,
    %gather3A_421 = tpu.vector_load_idx %arg31[%get3A_417] : memref<8192xf32, #tpu.memory_space<vmem>>[vector<16xi32>], vector<16xf32>,
    %add3A_422 = arith.addf %gather3A_420, %gather3A_421 : vector<16xf32>
    %gather3A_423 = tpu.vector_load_idx %arg31[%get3A_419] : memref<8192xf32, #tpu.memory_space<vmem>>[vector<16xi32>], vector<16xf32>,
    %add3A_424 = arith.addf %add3A_422, %gather3A_423 : vector<16xf32>
    %mul3A_425 = arith.constant 0.333333343 : f32
    %mul3A_426 = vector.broadcast %mul3A_425 : f32 to vector<16xf32>
    %mul3A_427 = arith.mulf %add3A_424, %mul3A_426 : vector<16xf32>
    %gather3A_428 = tpu.vector_load_idx %arg32[%get3A_415] : memref<8192xf32, #tpu.memory_space<vmem>>[vector<16xi32>], vector<16xf32>,
    %gather3A_429 = tpu.vector_load_idx %arg32[%get3A_417] : memref<8192xf32, #tpu.memory_space<vmem>>[vector<16xi32>], vector<16xf32>,
    %add3A_430 = arith.addf %gather3A_428, %gather3A_429 : vector<16xf32>
    %gather3A_431 = tpu.vector_load_idx %arg32[%get3A_419] : memref<8192xf32, #tpu.memory_space<vmem>>[vector<16xi32>], vector<16xf32>,
    %add3A_432 = arith.addf %add3A_430, %gather3A_431 : vector<16xf32>
    %mul3A_433 = arith.constant 0.333333343 : f32
    %mul3A_434 = vector.broadcast %mul3A_433 : f32 to vector<16xf32>
    %mul3A_435 = arith.mulf %add3A_432, %mul3A_434 : vector<16xf32>
    %gather3A_436 = tpu.vector_load_idx %arg33[%get3A_415] : memref<8192xf32, #tpu.memory_space<vmem>>[vector<16xi32>], vector<16xf32>,
    %gather3A_437 = tpu.vector_load_idx %arg33[%get3A_417] : memref<8192xf32, #tpu.memory_space<vmem>>[vector<16xi32>], vector<16xf32>,
    %add3A_438 = arith.addf %gather3A_436, %gather3A_437 : vector<16xf32>
    %gather3A_439 = tpu.vector_load_idx %arg33[%get3A_419] : memref<8192xf32, #tpu.memory_space<vmem>>[vector<16xi32>], vector<16xf32>,
    %add3A_440 = arith.addf %add3A_438, %gather3A_439 : vector<16xf32>
    %mul3A_441 = arith.constant 0.333333343 : f32
    %mul3A_442 = vector.broadcast %mul3A_441 : f32 to vector<16xf32>
    %mul3A_443 = arith.mulf %add3A_440, %mul3A_442 : vector<16xf32>
    %swap3A_444 = arith.constant 112 : index
    %swap3A_445 = tpu.vector_load %arg47[%swap3A_444] {strides = array<i32>} : memref<128xf32, #tpu.memory_space<vmem>>, vector<16xf32>,
    tpu.vector_store %arg47[%swap3A_444], %mul3A_427 {strides = array<i32>} : memref<128xf32, #tpu.memory_space<vmem>>, vector<16xf32>,
    %swap3A_446 = arith.constant 112 : index
    %swap3A_447 = tpu.vector_load %arg48[%swap3A_446] {strides = array<i32>} : memref<128xf32, #tpu.memory_space<vmem>>, vector<16xf32>,
    tpu.vector_store %arg48[%swap3A_446], %mul3A_435 {strides = array<i32>} : memref<128xf32, #tpu.memory_space<vmem>>, vector<16xf32>,
    %swap3A_448 = arith.constant 112 : index
    %swap3A_449 = tpu.vector_load %arg49[%swap3A_448] {strides = array<i32>} : memref<128xf32, #tpu.memory_space<vmem>>, vector<16xf32>,
    tpu.vector_store %arg49[%swap3A_448], %mul3A_443 {strides = array<i32>} : memref<128xf32, #tpu.memory_space<vmem>>, vector<16xf32>,
    %iota3A = tpu.iota {dimensions = array<i32: 0>} : vector<16xi32>
    %add3A_450 = arith.constant 0 : i32
    %add3A_451 = vector.broadcast %add3A_450 : i32 to vector<16xi32>
    %add3A_452 = arith.addi %iota3A, %add3A_451 : vector<16xi32>
    %shift_right_logical3A = arith.constant 2 : i32
    %shift_right_logical3A_453 = vector.broadcast %shift_right_logical3A : i32 to vector<16xi32>
    %shift_right_logical3A_454 = arith.shrui %add3A_452, %shift_right_logical3A_453 : vector<16xi32>
    %gather3A_455 = tpu.vector_load_idx %arg34[%shift_right_logical3A_454] : memref<64xi32, #tpu.memory_space<vmem>>[vector<16xi32>], vector<16xi32>,
    %gather3A_456 = tpu.vector_load_idx %arg35[%shift_right_logical3A_454] : memref<64xi32, #tpu.memory_space<vmem>>[vector<16xi32>], vector<16xi32>,
    %gather3A_457 = tpu.vector_load_idx %arg36[%shift_right_logical3A_454] : memref<64xi32, #tpu.memory_space<vmem>>[vector<16xi32>], vector<16xi32>,
    %get3A_458 = arith.constant 0 : index
    %get3A_459 = tpu.vector_load %arg40[%get3A_458] {strides = array<i32>} : memref<256xf32, #tpu.memory_space<vmem>>, vector<16xf32>,
    %get3A_460 = arith.constant 0 : index
    %get3A_461 = tpu.vector_load %arg41[%get3A_460] {strides = array<i32>} : memref<256xf32, #tpu.memory_space<vmem>>, vector<16xf32>,
    %get3A_462 = arith.constant 0 : index
    %get3A_463 = tpu.vector_load %arg42[%get3A_462] {strides = array<i32>} : memref<256xf32, #tpu.memory_space<vmem>>, vector<16xf32>,
    %gather3A_464 = tpu.vector_load_idx %arg28[%gather3A_455] : memref<5120xf32, #tpu.memory_space<vmem>>[vector<16xi32>], vector<16xf32>,
    %mul3A_465 = arith.mulf %get3A_459, %gather3A_464 : vector<16xf32>
    %gather3A_466 = tpu.vector_load_idx %arg28[%gather3A_456] : memref<5120xf32, #tpu.memory_space<vmem>>[vector<16xi32>], vector<16xf32>,
    %mul3A_467 = arith.mulf %get3A_461, %gather3A_466 : vector<16xf32>
    %add3A_468 = arith.addf %mul3A_465, %mul3A_467 : vector<16xf32>
    %gather3A_469 = tpu.vector_load_idx %arg28[%gather3A_457] : memref<5120xf32, #tpu.memory_space<vmem>>[vector<16xi32>], vector<16xf32>,
    %mul3A_470 = arith.mulf %get3A_463, %gather3A_469 : vector<16xf32>
    %add3A_471 = arith.addf %add3A_468, %mul3A_470 : vector<16xf32>
    %swap3A_472 = arith.constant 0 : index
    %swap3A_473 = tpu.vector_load %arg50[%swap3A_472] {strides = array<i32>} : memref<256xf32, #tpu.memory_space<vmem>>, vector<16xf32>,
    tpu.vector_store %arg50[%swap3A_472], %add3A_471 {strides = array<i32>} : memref<256xf32, #tpu.memory_space<vmem>>, vector<16xf32>,
    %gather3A_474 = tpu.vector_load_idx %arg29[%gather3A_455] : memref<5120xf32, #tpu.memory_space<vmem>>[vector<16xi32>], vector<16xf32>,
    %mul3A_475 = arith.mulf %get3A_459, %gather3A_474 : vector<16xf32>
    %gather3A_476 = tpu.vector_load_idx %arg29[%gather3A_456] : memref<5120xf32, #tpu.memory_space<vmem>>[vector<16xi32>], vector<16xf32>,
    %mul3A_477 = arith.mulf %get3A_461, %gather3A_476 : vector<16xf32>
    %add3A_478 = arith.addf %mul3A_475, %mul3A_477 : vector<16xf32>
    %gather3A_479 = tpu.vector_load_idx %arg29[%gather3A_457] : memref<5120xf32, #tpu.memory_space<vmem>>[vector<16xi32>], vector<16xf32>,
    %mul3A_480 = arith.mulf %get3A_463, %gather3A_479 : vector<16xf32>
    %add3A_481 = arith.addf %add3A_478, %mul3A_480 : vector<16xf32>
    %swap3A_482 = arith.constant 0 : index
    %swap3A_483 = tpu.vector_load %arg51[%swap3A_482] {strides = array<i32>} : memref<256xf32, #tpu.memory_space<vmem>>, vector<16xf32>,
    tpu.vector_store %arg51[%swap3A_482], %add3A_481 {strides = array<i32>} : memref<256xf32, #tpu.memory_space<vmem>>, vector<16xf32>,
    %gather3A_484 = tpu.vector_load_idx %arg30[%gather3A_455] : memref<5120xf32, #tpu.memory_space<vmem>>[vector<16xi32>], vector<16xf32>,
    %mul3A_485 = arith.mulf %get3A_459, %gather3A_484 : vector<16xf32>
    %gather3A_486 = tpu.vector_load_idx %arg30[%gather3A_456] : memref<5120xf32, #tpu.memory_space<vmem>>[vector<16xi32>], vector<16xf32>,
    %mul3A_487 = arith.mulf %get3A_461, %gather3A_486 : vector<16xf32>
    %add3A_488 = arith.addf %mul3A_485, %mul3A_487 : vector<16xf32>
    %gather3A_489 = tpu.vector_load_idx %arg30[%gather3A_457] : memref<5120xf32, #tpu.memory_space<vmem>>[vector<16xi32>], vector<16xf32>,
    %mul3A_490 = arith.mulf %get3A_463, %gather3A_489 : vector<16xf32>
    %add3A_491 = arith.addf %add3A_488, %mul3A_490 : vector<16xf32>
    %swap3A_492 = arith.constant 0 : index
    %swap3A_493 = tpu.vector_load %arg52[%swap3A_492] {strides = array<i32>} : memref<256xf32, #tpu.memory_space<vmem>>, vector<16xf32>,
    tpu.vector_store %arg52[%swap3A_492], %add3A_491 {strides = array<i32>} : memref<256xf32, #tpu.memory_space<vmem>>, vector<16xf32>,
    %gather3A_494 = tpu.vector_load_idx %arg43[%shift_right_logical3A_454] : memref<64xf32, #tpu.memory_space<vmem>>[vector<16xi32>], vector<16xf32>,
    %swap3A_495 = arith.constant 0 : index
    %swap3A_496 = tpu.vector_load %arg53[%swap3A_495] {strides = array<i32>} : memref<256xf32, #tpu.memory_space<vmem>>, vector<16xf32>,
    tpu.vector_store %arg53[%swap3A_495], %gather3A_494 {strides = array<i32>} : memref<256xf32, #tpu.memory_space<vmem>>, vector<16xf32>,
    %add3A_497 = arith.constant 16 : i32
    %add3A_498 = vector.broadcast %add3A_497 : i32 to vector<16xi32>
    %add3A_499 = arith.addi %iota3A, %add3A_498 : vector<16xi32>
    %shift_right_logical3A_500 = arith.constant 2 : i32
    %shift_right_logical3A_501 = vector.broadcast %shift_right_logical3A_500 : i32 to vector<16xi32>
    %shift_right_logical3A_502 = arith.shrui %add3A_499, %shift_right_logical3A_501 : vector<16xi32>
    %gather3A_503 = tpu.vector_load_idx %arg34[%shift_right_logical3A_502] : memref<64xi32, #tpu.memory_space<vmem>>[vector<16xi32>], vector<16xi32>,
    %gather3A_504 = tpu.vector_load_idx %arg35[%shift_right_logical3A_502] : memref<64xi32, #tpu.memory_space<vmem>>[vector<16xi32>], vector<16xi32>,
    %gather3A_505 = tpu.vector_load_idx %arg36[%shift_right_logical3A_502] : memref<64xi32, #tpu.memory_space<vmem>>[vector<16xi32>], vector<16xi32>,
    %get3A_506 = arith.constant 16 : index
    %get3A_507 = tpu.vector_load %arg40[%get3A_506] {strides = array<i32>} : memref<256xf32, #tpu.memory_space<vmem>>, vector<16xf32>,
    %get3A_508 = arith.constant 16 : index
    %get3A_509 = tpu.vector_load %arg41[%get3A_508] {strides = array<i32>} : memref<256xf32, #tpu.memory_space<vmem>>, vector<16xf32>,
    %get3A_510 = arith.constant 16 : index
    %get3A_511 = tpu.vector_load %arg42[%get3A_510] {strides = array<i32>} : memref<256xf32, #tpu.memory_space<vmem>>, vector<16xf32>,
    %gather3A_512 = tpu.vector_load_idx %arg28[%gather3A_503] : memref<5120xf32, #tpu.memory_space<vmem>>[vector<16xi32>], vector<16xf32>,
    %mul3A_513 = arith.mulf %get3A_507, %gather3A_512 : vector<16xf32>
    %gather3A_514 = tpu.vector_load_idx %arg28[%gather3A_504] : memref<5120xf32, #tpu.memory_space<vmem>>[vector<16xi32>], vector<16xf32>,
    %mul3A_515 = arith.mulf %get3A_509, %gather3A_514 : vector<16xf32>
    %add3A_516 = arith.addf %mul3A_513, %mul3A_515 : vector<16xf32>
    %gather3A_517 = tpu.vector_load_idx %arg28[%gather3A_505] : memref<5120xf32, #tpu.memory_space<vmem>>[vector<16xi32>], vector<16xf32>,
    %mul3A_518 = arith.mulf %get3A_511, %gather3A_517 : vector<16xf32>
    %add3A_519 = arith.addf %add3A_516, %mul3A_518 : vector<16xf32>
    %swap3A_520 = arith.constant 16 : index
    %swap3A_521 = tpu.vector_load %arg50[%swap3A_520] {strides = array<i32>} : memref<256xf32, #tpu.memory_space<vmem>>, vector<16xf32>,
    tpu.vector_store %arg50[%swap3A_520], %add3A_519 {strides = array<i32>} : memref<256xf32, #tpu.memory_space<vmem>>, vector<16xf32>,
    %gather3A_522 = tpu.vector_load_idx %arg29[%gather3A_503] : memref<5120xf32, #tpu.memory_space<vmem>>[vector<16xi32>], vector<16xf32>,
    %mul3A_523 = arith.mulf %get3A_507, %gather3A_522 : vector<16xf32>
    %gather3A_524 = tpu.vector_load_idx %arg29[%gather3A_504] : memref<5120xf32, #tpu.memory_space<vmem>>[vector<16xi32>], vector<16xf32>,
    %mul3A_525 = arith.mulf %get3A_509, %gather3A_524 : vector<16xf32>
    %add3A_526 = arith.addf %mul3A_523, %mul3A_525 : vector<16xf32>
    %gather3A_527 = tpu.vector_load_idx %arg29[%gather3A_505] : memref<5120xf32, #tpu.memory_space<vmem>>[vector<16xi32>], vector<16xf32>,
    %mul3A_528 = arith.mulf %get3A_511, %gather3A_527 : vector<16xf32>
    %add3A_529 = arith.addf %add3A_526, %mul3A_528 : vector<16xf32>
    %swap3A_530 = arith.constant 16 : index
    %swap3A_531 = tpu.vector_load %arg51[%swap3A_530] {strides = array<i32>} : memref<256xf32, #tpu.memory_space<vmem>>, vector<16xf32>,
    tpu.vector_store %arg51[%swap3A_530], %add3A_529 {strides = array<i32>} : memref<256xf32, #tpu.memory_space<vmem>>, vector<16xf32>,
    %gather3A_532 = tpu.vector_load_idx %arg30[%gather3A_503] : memref<5120xf32, #tpu.memory_space<vmem>>[vector<16xi32>], vector<16xf32>,
    %mul3A_533 = arith.mulf %get3A_507, %gather3A_532 : vector<16xf32>
    %gather3A_534 = tpu.vector_load_idx %arg30[%gather3A_504] : memref<5120xf32, #tpu.memory_space<vmem>>[vector<16xi32>], vector<16xf32>,
    %mul3A_535 = arith.mulf %get3A_509, %gather3A_534 : vector<16xf32>
    %add3A_536 = arith.addf %mul3A_533, %mul3A_535 : vector<16xf32>
    %gather3A_537 = tpu.vector_load_idx %arg30[%gather3A_505] : memref<5120xf32, #tpu.memory_space<vmem>>[vector<16xi32>], vector<16xf32>,
    %mul3A_538 = arith.mulf %get3A_511, %gather3A_537 : vector<16xf32>
    %add3A_539 = arith.addf %add3A_536, %mul3A_538 : vector<16xf32>
    %swap3A_540 = arith.constant 16 : index
    %swap3A_541 = tpu.vector_load %arg52[%swap3A_540] {strides = array<i32>} : memref<256xf32, #tpu.memory_space<vmem>>, vector<16xf32>,
    tpu.vector_store %arg52[%swap3A_540], %add3A_539 {strides = array<i32>} : memref<256xf32, #tpu.memory_space<vmem>>, vector<16xf32>,
    %gather3A_542 = tpu.vector_load_idx %arg43[%shift_right_logical3A_502] : memref<64xf32, #tpu.memory_space<vmem>>[vector<16xi32>], vector<16xf32>,
    %swap3A_543 = arith.constant 16 : index
    %swap3A_544 = tpu.vector_load %arg53[%swap3A_543] {strides = array<i32>} : memref<256xf32, #tpu.memory_space<vmem>>, vector<16xf32>,
    tpu.vector_store %arg53[%swap3A_543], %gather3A_542 {strides = array<i32>} : memref<256xf32, #tpu.memory_space<vmem>>, vector<16xf32>,
    %add3A_545 = arith.constant 32 : i32
    %add3A_546 = vector.broadcast %add3A_545 : i32 to vector<16xi32>
    %add3A_547 = arith.addi %iota3A, %add3A_546 : vector<16xi32>
    %shift_right_logical3A_548 = arith.constant 2 : i32
    %shift_right_logical3A_549 = vector.broadcast %shift_right_logical3A_548 : i32 to vector<16xi32>
    %shift_right_logical3A_550 = arith.shrui %add3A_547, %shift_right_logical3A_549 : vector<16xi32>
    %gather3A_551 = tpu.vector_load_idx %arg34[%shift_right_logical3A_550] : memref<64xi32, #tpu.memory_space<vmem>>[vector<16xi32>], vector<16xi32>,
    %gather3A_552 = tpu.vector_load_idx %arg35[%shift_right_logical3A_550] : memref<64xi32, #tpu.memory_space<vmem>>[vector<16xi32>], vector<16xi32>,
    %gather3A_553 = tpu.vector_load_idx %arg36[%shift_right_logical3A_550] : memref<64xi32, #tpu.memory_space<vmem>>[vector<16xi32>], vector<16xi32>,
    %get3A_554 = arith.constant 32 : index
    %get3A_555 = tpu.vector_load %arg40[%get3A_554] {strides = array<i32>} : memref<256xf32, #tpu.memory_space<vmem>>, vector<16xf32>,
    %get3A_556 = arith.constant 32 : index
    %get3A_557 = tpu.vector_load %arg41[%get3A_556] {strides = array<i32>} : memref<256xf32, #tpu.memory_space<vmem>>, vector<16xf32>,
    %get3A_558 = arith.constant 32 : index
    %get3A_559 = tpu.vector_load %arg42[%get3A_558] {strides = array<i32>} : memref<256xf32, #tpu.memory_space<vmem>>, vector<16xf32>,
    %gather3A_560 = tpu.vector_load_idx %arg28[%gather3A_551] : memref<5120xf32, #tpu.memory_space<vmem>>[vector<16xi32>], vector<16xf32>,
    %mul3A_561 = arith.mulf %get3A_555, %gather3A_560 : vector<16xf32>
    %gather3A_562 = tpu.vector_load_idx %arg28[%gather3A_552] : memref<5120xf32, #tpu.memory_space<vmem>>[vector<16xi32>], vector<16xf32>,
    %mul3A_563 = arith.mulf %get3A_557, %gather3A_562 : vector<16xf32>
    %add3A_564 = arith.addf %mul3A_561, %mul3A_563 : vector<16xf32>
    %gather3A_565 = tpu.vector_load_idx %arg28[%gather3A_553] : memref<5120xf32, #tpu.memory_space<vmem>>[vector<16xi32>], vector<16xf32>,
    %mul3A_566 = arith.mulf %get3A_559, %gather3A_565 : vector<16xf32>
    %add3A_567 = arith.addf %add3A_564, %mul3A_566 : vector<16xf32>
    %swap3A_568 = arith.constant 32 : index
    %swap3A_569 = tpu.vector_load %arg50[%swap3A_568] {strides = array<i32>} : memref<256xf32, #tpu.memory_space<vmem>>, vector<16xf32>,
    tpu.vector_store %arg50[%swap3A_568], %add3A_567 {strides = array<i32>} : memref<256xf32, #tpu.memory_space<vmem>>, vector<16xf32>,
    %gather3A_570 = tpu.vector_load_idx %arg29[%gather3A_551] : memref<5120xf32, #tpu.memory_space<vmem>>[vector<16xi32>], vector<16xf32>,
    %mul3A_571 = arith.mulf %get3A_555, %gather3A_570 : vector<16xf32>
    %gather3A_572 = tpu.vector_load_idx %arg29[%gather3A_552] : memref<5120xf32, #tpu.memory_space<vmem>>[vector<16xi32>], vector<16xf32>,
    %mul3A_573 = arith.mulf %get3A_557, %gather3A_572 : vector<16xf32>
    %add3A_574 = arith.addf %mul3A_571, %mul3A_573 : vector<16xf32>
    %gather3A_575 = tpu.vector_load_idx %arg29[%gather3A_553] : memref<5120xf32, #tpu.memory_space<vmem>>[vector<16xi32>], vector<16xf32>,
    %mul3A_576 = arith.mulf %get3A_559, %gather3A_575 : vector<16xf32>
    %add3A_577 = arith.addf %add3A_574, %mul3A_576 : vector<16xf32>
    %swap3A_578 = arith.constant 32 : index
    %swap3A_579 = tpu.vector_load %arg51[%swap3A_578] {strides = array<i32>} : memref<256xf32, #tpu.memory_space<vmem>>, vector<16xf32>,
    tpu.vector_store %arg51[%swap3A_578], %add3A_577 {strides = array<i32>} : memref<256xf32, #tpu.memory_space<vmem>>, vector<16xf32>,
    %gather3A_580 = tpu.vector_load_idx %arg30[%gather3A_551] : memref<5120xf32, #tpu.memory_space<vmem>>[vector<16xi32>], vector<16xf32>,
    %mul3A_581 = arith.mulf %get3A_555, %gather3A_580 : vector<16xf32>
    %gather3A_582 = tpu.vector_load_idx %arg30[%gather3A_552] : memref<5120xf32, #tpu.memory_space<vmem>>[vector<16xi32>], vector<16xf32>,
    %mul3A_583 = arith.mulf %get3A_557, %gather3A_582 : vector<16xf32>
    %add3A_584 = arith.addf %mul3A_581, %mul3A_583 : vector<16xf32>
    %gather3A_585 = tpu.vector_load_idx %arg30[%gather3A_553] : memref<5120xf32, #tpu.memory_space<vmem>>[vector<16xi32>], vector<16xf32>,
    %mul3A_586 = arith.mulf %get3A_559, %gather3A_585 : vector<16xf32>
    %add3A_587 = arith.addf %add3A_584, %mul3A_586 : vector<16xf32>
    %swap3A_588 = arith.constant 32 : index
    %swap3A_589 = tpu.vector_load %arg52[%swap3A_588] {strides = array<i32>} : memref<256xf32, #tpu.memory_space<vmem>>, vector<16xf32>,
    tpu.vector_store %arg52[%swap3A_588], %add3A_587 {strides = array<i32>} : memref<256xf32, #tpu.memory_space<vmem>>, vector<16xf32>,
    %gather3A_590 = tpu.vector_load_idx %arg43[%shift_right_logical3A_550] : memref<64xf32, #tpu.memory_space<vmem>>[vector<16xi32>], vector<16xf32>,
    %swap3A_591 = arith.constant 32 : index
    %swap3A_592 = tpu.vector_load %arg53[%swap3A_591] {strides = array<i32>} : memref<256xf32, #tpu.memory_space<vmem>>, vector<16xf32>,
    tpu.vector_store %arg53[%swap3A_591], %gather3A_590 {strides = array<i32>} : memref<256xf32, #tpu.memory_space<vmem>>, vector<16xf32>,
    %add3A_593 = arith.constant 48 : i32
    %add3A_594 = vector.broadcast %add3A_593 : i32 to vector<16xi32>
    %add3A_595 = arith.addi %iota3A, %add3A_594 : vector<16xi32>
    %shift_right_logical3A_596 = arith.constant 2 : i32
    %shift_right_logical3A_597 = vector.broadcast %shift_right_logical3A_596 : i32 to vector<16xi32>
    %shift_right_logical3A_598 = arith.shrui %add3A_595, %shift_right_logical3A_597 : vector<16xi32>
    %gather3A_599 = tpu.vector_load_idx %arg34[%shift_right_logical3A_598] : memref<64xi32, #tpu.memory_space<vmem>>[vector<16xi32>], vector<16xi32>,
    %gather3A_600 = tpu.vector_load_idx %arg35[%shift_right_logical3A_598] : memref<64xi32, #tpu.memory_space<vmem>>[vector<16xi32>], vector<16xi32>,
    %gather3A_601 = tpu.vector_load_idx %arg36[%shift_right_logical3A_598] : memref<64xi32, #tpu.memory_space<vmem>>[vector<16xi32>], vector<16xi32>,
    %get3A_602 = arith.constant 48 : index
    %get3A_603 = tpu.vector_load %arg40[%get3A_602] {strides = array<i32>} : memref<256xf32, #tpu.memory_space<vmem>>, vector<16xf32>,
    %get3A_604 = arith.constant 48 : index
    %get3A_605 = tpu.vector_load %arg41[%get3A_604] {strides = array<i32>} : memref<256xf32, #tpu.memory_space<vmem>>, vector<16xf32>,
    %get3A_606 = arith.constant 48 : index
    %get3A_607 = tpu.vector_load %arg42[%get3A_606] {strides = array<i32>} : memref<256xf32, #tpu.memory_space<vmem>>, vector<16xf32>,
    %gather3A_608 = tpu.vector_load_idx %arg28[%gather3A_599] : memref<5120xf32, #tpu.memory_space<vmem>>[vector<16xi32>], vector<16xf32>,
    %mul3A_609 = arith.mulf %get3A_603, %gather3A_608 : vector<16xf32>
    %gather3A_610 = tpu.vector_load_idx %arg28[%gather3A_600] : memref<5120xf32, #tpu.memory_space<vmem>>[vector<16xi32>], vector<16xf32>,
    %mul3A_611 = arith.mulf %get3A_605, %gather3A_610 : vector<16xf32>
    %add3A_612 = arith.addf %mul3A_609, %mul3A_611 : vector<16xf32>
    %gather3A_613 = tpu.vector_load_idx %arg28[%gather3A_601] : memref<5120xf32, #tpu.memory_space<vmem>>[vector<16xi32>], vector<16xf32>,
    %mul3A_614 = arith.mulf %get3A_607, %gather3A_613 : vector<16xf32>
    %add3A_615 = arith.addf %add3A_612, %mul3A_614 : vector<16xf32>
    %swap3A_616 = arith.constant 48 : index
    %swap3A_617 = tpu.vector_load %arg50[%swap3A_616] {strides = array<i32>} : memref<256xf32, #tpu.memory_space<vmem>>, vector<16xf32>,
    tpu.vector_store %arg50[%swap3A_616], %add3A_615 {strides = array<i32>} : memref<256xf32, #tpu.memory_space<vmem>>, vector<16xf32>,
    %gather3A_618 = tpu.vector_load_idx %arg29[%gather3A_599] : memref<5120xf32, #tpu.memory_space<vmem>>[vector<16xi32>], vector<16xf32>,
    %mul3A_619 = arith.mulf %get3A_603, %gather3A_618 : vector<16xf32>
    %gather3A_620 = tpu.vector_load_idx %arg29[%gather3A_600] : memref<5120xf32, #tpu.memory_space<vmem>>[vector<16xi32>], vector<16xf32>,
    %mul3A_621 = arith.mulf %get3A_605, %gather3A_620 : vector<16xf32>
    %add3A_622 = arith.addf %mul3A_619, %mul3A_621 : vector<16xf32>
    %gather3A_623 = tpu.vector_load_idx %arg29[%gather3A_601] : memref<5120xf32, #tpu.memory_space<vmem>>[vector<16xi32>], vector<16xf32>,
    %mul3A_624 = arith.mulf %get3A_607, %gather3A_623 : vector<16xf32>
    %add3A_625 = arith.addf %add3A_622, %mul3A_624 : vector<16xf32>
    %swap3A_626 = arith.constant 48 : index
    %swap3A_627 = tpu.vector_load %arg51[%swap3A_626] {strides = array<i32>} : memref<256xf32, #tpu.memory_space<vmem>>, vector<16xf32>,
    tpu.vector_store %arg51[%swap3A_626], %add3A_625 {strides = array<i32>} : memref<256xf32, #tpu.memory_space<vmem>>, vector<16xf32>,
    %gather3A_628 = tpu.vector_load_idx %arg30[%gather3A_599] : memref<5120xf32, #tpu.memory_space<vmem>>[vector<16xi32>], vector<16xf32>,
    %mul3A_629 = arith.mulf %get3A_603, %gather3A_628 : vector<16xf32>
    %gather3A_630 = tpu.vector_load_idx %arg30[%gather3A_600] : memref<5120xf32, #tpu.memory_space<vmem>>[vector<16xi32>], vector<16xf32>,
    %mul3A_631 = arith.mulf %get3A_605, %gather3A_630 : vector<16xf32>
    %add3A_632 = arith.addf %mul3A_629, %mul3A_631 : vector<16xf32>
    %gather3A_633 = tpu.vector_load_idx %arg30[%gather3A_601] : memref<5120xf32, #tpu.memory_space<vmem>>[vector<16xi32>], vector<16xf32>,
    %mul3A_634 = arith.mulf %get3A_607, %gather3A_633 : vector<16xf32>
    %add3A_635 = arith.addf %add3A_632, %mul3A_634 : vector<16xf32>
    %swap3A_636 = arith.constant 48 : index
    %swap3A_637 = tpu.vector_load %arg52[%swap3A_636] {strides = array<i32>} : memref<256xf32, #tpu.memory_space<vmem>>, vector<16xf32>,
    tpu.vector_store %arg52[%swap3A_636], %add3A_635 {strides = array<i32>} : memref<256xf32, #tpu.memory_space<vmem>>, vector<16xf32>,
    %gather3A_638 = tpu.vector_load_idx %arg43[%shift_right_logical3A_598] : memref<64xf32, #tpu.memory_space<vmem>>[vector<16xi32>], vector<16xf32>,
    %swap3A_639 = arith.constant 48 : index
    %swap3A_640 = tpu.vector_load %arg53[%swap3A_639] {strides = array<i32>} : memref<256xf32, #tpu.memory_space<vmem>>, vector<16xf32>,
    tpu.vector_store %arg53[%swap3A_639], %gather3A_638 {strides = array<i32>} : memref<256xf32, #tpu.memory_space<vmem>>, vector<16xf32>,
    %add3A_641 = arith.constant 64 : i32
    %add3A_642 = vector.broadcast %add3A_641 : i32 to vector<16xi32>
    %add3A_643 = arith.addi %iota3A, %add3A_642 : vector<16xi32>
    %shift_right_logical3A_644 = arith.constant 2 : i32
    %shift_right_logical3A_645 = vector.broadcast %shift_right_logical3A_644 : i32 to vector<16xi32>
    %shift_right_logical3A_646 = arith.shrui %add3A_643, %shift_right_logical3A_645 : vector<16xi32>
    %gather3A_647 = tpu.vector_load_idx %arg34[%shift_right_logical3A_646] : memref<64xi32, #tpu.memory_space<vmem>>[vector<16xi32>], vector<16xi32>,
    %gather3A_648 = tpu.vector_load_idx %arg35[%shift_right_logical3A_646] : memref<64xi32, #tpu.memory_space<vmem>>[vector<16xi32>], vector<16xi32>,
    %gather3A_649 = tpu.vector_load_idx %arg36[%shift_right_logical3A_646] : memref<64xi32, #tpu.memory_space<vmem>>[vector<16xi32>], vector<16xi32>,
    %get3A_650 = arith.constant 64 : index
    %get3A_651 = tpu.vector_load %arg40[%get3A_650] {strides = array<i32>} : memref<256xf32, #tpu.memory_space<vmem>>, vector<16xf32>,
    %get3A_652 = arith.constant 64 : index
    %get3A_653 = tpu.vector_load %arg41[%get3A_652] {strides = array<i32>} : memref<256xf32, #tpu.memory_space<vmem>>, vector<16xf32>,
    %get3A_654 = arith.constant 64 : index
    %get3A_655 = tpu.vector_load %arg42[%get3A_654] {strides = array<i32>} : memref<256xf32, #tpu.memory_space<vmem>>, vector<16xf32>,
    %gather3A_656 = tpu.vector_load_idx %arg28[%gather3A_647] : memref<5120xf32, #tpu.memory_space<vmem>>[vector<16xi32>], vector<16xf32>,
    %mul3A_657 = arith.mulf %get3A_651, %gather3A_656 : vector<16xf32>
    %gather3A_658 = tpu.vector_load_idx %arg28[%gather3A_648] : memref<5120xf32, #tpu.memory_space<vmem>>[vector<16xi32>], vector<16xf32>,
    %mul3A_659 = arith.mulf %get3A_653, %gather3A_658 : vector<16xf32>
    %add3A_660 = arith.addf %mul3A_657, %mul3A_659 : vector<16xf32>
    %gather3A_661 = tpu.vector_load_idx %arg28[%gather3A_649] : memref<5120xf32, #tpu.memory_space<vmem>>[vector<16xi32>], vector<16xf32>,
    %mul3A_662 = arith.mulf %get3A_655, %gather3A_661 : vector<16xf32>
    %add3A_663 = arith.addf %add3A_660, %mul3A_662 : vector<16xf32>
    %swap3A_664 = arith.constant 64 : index
    %swap3A_665 = tpu.vector_load %arg50[%swap3A_664] {strides = array<i32>} : memref<256xf32, #tpu.memory_space<vmem>>, vector<16xf32>,
    tpu.vector_store %arg50[%swap3A_664], %add3A_663 {strides = array<i32>} : memref<256xf32, #tpu.memory_space<vmem>>, vector<16xf32>,
    %gather3A_666 = tpu.vector_load_idx %arg29[%gather3A_647] : memref<5120xf32, #tpu.memory_space<vmem>>[vector<16xi32>], vector<16xf32>,
    %mul3A_667 = arith.mulf %get3A_651, %gather3A_666 : vector<16xf32>
    %gather3A_668 = tpu.vector_load_idx %arg29[%gather3A_648] : memref<5120xf32, #tpu.memory_space<vmem>>[vector<16xi32>], vector<16xf32>,
    %mul3A_669 = arith.mulf %get3A_653, %gather3A_668 : vector<16xf32>
    %add3A_670 = arith.addf %mul3A_667, %mul3A_669 : vector<16xf32>
    %gather3A_671 = tpu.vector_load_idx %arg29[%gather3A_649] : memref<5120xf32, #tpu.memory_space<vmem>>[vector<16xi32>], vector<16xf32>,
    %mul3A_672 = arith.mulf %get3A_655, %gather3A_671 : vector<16xf32>
    %add3A_673 = arith.addf %add3A_670, %mul3A_672 : vector<16xf32>
    %swap3A_674 = arith.constant 64 : index
    %swap3A_675 = tpu.vector_load %arg51[%swap3A_674] {strides = array<i32>} : memref<256xf32, #tpu.memory_space<vmem>>, vector<16xf32>,
    tpu.vector_store %arg51[%swap3A_674], %add3A_673 {strides = array<i32>} : memref<256xf32, #tpu.memory_space<vmem>>, vector<16xf32>,
    %gather3A_676 = tpu.vector_load_idx %arg30[%gather3A_647] : memref<5120xf32, #tpu.memory_space<vmem>>[vector<16xi32>], vector<16xf32>,
    %mul3A_677 = arith.mulf %get3A_651, %gather3A_676 : vector<16xf32>
    %gather3A_678 = tpu.vector_load_idx %arg30[%gather3A_648] : memref<5120xf32, #tpu.memory_space<vmem>>[vector<16xi32>], vector<16xf32>,
    %mul3A_679 = arith.mulf %get3A_653, %gather3A_678 : vector<16xf32>
    %add3A_680 = arith.addf %mul3A_677, %mul3A_679 : vector<16xf32>
    %gather3A_681 = tpu.vector_load_idx %arg30[%gather3A_649] : memref<5120xf32, #tpu.memory_space<vmem>>[vector<16xi32>], vector<16xf32>,
    %mul3A_682 = arith.mulf %get3A_655, %gather3A_681 : vector<16xf32>
    %add3A_683 = arith.addf %add3A_680, %mul3A_682 : vector<16xf32>
    %swap3A_684 = arith.constant 64 : index
    %swap3A_685 = tpu.vector_load %arg52[%swap3A_684] {strides = array<i32>} : memref<256xf32, #tpu.memory_space<vmem>>, vector<16xf32>,
    tpu.vector_store %arg52[%swap3A_684], %add3A_683 {strides = array<i32>} : memref<256xf32, #tpu.memory_space<vmem>>, vector<16xf32>,
    %gather3A_686 = tpu.vector_load_idx %arg43[%shift_right_logical3A_646] : memref<64xf32, #tpu.memory_space<vmem>>[vector<16xi32>], vector<16xf32>,
    %swap3A_687 = arith.constant 64 : index
    %swap3A_688 = tpu.vector_load %arg53[%swap3A_687] {strides = array<i32>} : memref<256xf32, #tpu.memory_space<vmem>>, vector<16xf32>,
    tpu.vector_store %arg53[%swap3A_687], %gather3A_686 {strides = array<i32>} : memref<256xf32, #tpu.memory_space<vmem>>, vector<16xf32>,
    %add3A_689 = arith.constant 80 : i32
    %add3A_690 = vector.broadcast %add3A_689 : i32 to vector<16xi32>
    %add3A_691 = arith.addi %iota3A, %add3A_690 : vector<16xi32>
    %shift_right_logical3A_692 = arith.constant 2 : i32
    %shift_right_logical3A_693 = vector.broadcast %shift_right_logical3A_692 : i32 to vector<16xi32>
    %shift_right_logical3A_694 = arith.shrui %add3A_691, %shift_right_logical3A_693 : vector<16xi32>
    %gather3A_695 = tpu.vector_load_idx %arg34[%shift_right_logical3A_694] : memref<64xi32, #tpu.memory_space<vmem>>[vector<16xi32>], vector<16xi32>,
    %gather3A_696 = tpu.vector_load_idx %arg35[%shift_right_logical3A_694] : memref<64xi32, #tpu.memory_space<vmem>>[vector<16xi32>], vector<16xi32>,
    %gather3A_697 = tpu.vector_load_idx %arg36[%shift_right_logical3A_694] : memref<64xi32, #tpu.memory_space<vmem>>[vector<16xi32>], vector<16xi32>,
    %get3A_698 = arith.constant 80 : index
    %get3A_699 = tpu.vector_load %arg40[%get3A_698] {strides = array<i32>} : memref<256xf32, #tpu.memory_space<vmem>>, vector<16xf32>,
    %get3A_700 = arith.constant 80 : index
    %get3A_701 = tpu.vector_load %arg41[%get3A_700] {strides = array<i32>} : memref<256xf32, #tpu.memory_space<vmem>>, vector<16xf32>,
    %get3A_702 = arith.constant 80 : index
    %get3A_703 = tpu.vector_load %arg42[%get3A_702] {strides = array<i32>} : memref<256xf32, #tpu.memory_space<vmem>>, vector<16xf32>,
    %gather3A_704 = tpu.vector_load_idx %arg28[%gather3A_695] : memref<5120xf32, #tpu.memory_space<vmem>>[vector<16xi32>], vector<16xf32>,
    %mul3A_705 = arith.mulf %get3A_699, %gather3A_704 : vector<16xf32>
    %gather3A_706 = tpu.vector_load_idx %arg28[%gather3A_696] : memref<5120xf32, #tpu.memory_space<vmem>>[vector<16xi32>], vector<16xf32>,
    %mul3A_707 = arith.mulf %get3A_701, %gather3A_706 : vector<16xf32>
    %add3A_708 = arith.addf %mul3A_705, %mul3A_707 : vector<16xf32>
    %gather3A_709 = tpu.vector_load_idx %arg28[%gather3A_697] : memref<5120xf32, #tpu.memory_space<vmem>>[vector<16xi32>], vector<16xf32>,
    %mul3A_710 = arith.mulf %get3A_703, %gather3A_709 : vector<16xf32>
    %add3A_711 = arith.addf %add3A_708, %mul3A_710 : vector<16xf32>
    %swap3A_712 = arith.constant 80 : index
    %swap3A_713 = tpu.vector_load %arg50[%swap3A_712] {strides = array<i32>} : memref<256xf32, #tpu.memory_space<vmem>>, vector<16xf32>,
    tpu.vector_store %arg50[%swap3A_712], %add3A_711 {strides = array<i32>} : memref<256xf32, #tpu.memory_space<vmem>>, vector<16xf32>,
    %gather3A_714 = tpu.vector_load_idx %arg29[%gather3A_695] : memref<5120xf32, #tpu.memory_space<vmem>>[vector<16xi32>], vector<16xf32>,
    %mul3A_715 = arith.mulf %get3A_699, %gather3A_714 : vector<16xf32>
    %gather3A_716 = tpu.vector_load_idx %arg29[%gather3A_696] : memref<5120xf32, #tpu.memory_space<vmem>>[vector<16xi32>], vector<16xf32>,
    %mul3A_717 = arith.mulf %get3A_701, %gather3A_716 : vector<16xf32>
    %add3A_718 = arith.addf %mul3A_715, %mul3A_717 : vector<16xf32>
    %gather3A_719 = tpu.vector_load_idx %arg29[%gather3A_697] : memref<5120xf32, #tpu.memory_space<vmem>>[vector<16xi32>], vector<16xf32>,
    %mul3A_720 = arith.mulf %get3A_703, %gather3A_719 : vector<16xf32>
    %add3A_721 = arith.addf %add3A_718, %mul3A_720 : vector<16xf32>
    %swap3A_722 = arith.constant 80 : index
    %swap3A_723 = tpu.vector_load %arg51[%swap3A_722] {strides = array<i32>} : memref<256xf32, #tpu.memory_space<vmem>>, vector<16xf32>,
    tpu.vector_store %arg51[%swap3A_722], %add3A_721 {strides = array<i32>} : memref<256xf32, #tpu.memory_space<vmem>>, vector<16xf32>,
    %gather3A_724 = tpu.vector_load_idx %arg30[%gather3A_695] : memref<5120xf32, #tpu.memory_space<vmem>>[vector<16xi32>], vector<16xf32>,
    %mul3A_725 = arith.mulf %get3A_699, %gather3A_724 : vector<16xf32>
    %gather3A_726 = tpu.vector_load_idx %arg30[%gather3A_696] : memref<5120xf32, #tpu.memory_space<vmem>>[vector<16xi32>], vector<16xf32>,
    %mul3A_727 = arith.mulf %get3A_701, %gather3A_726 : vector<16xf32>
    %add3A_728 = arith.addf %mul3A_725, %mul3A_727 : vector<16xf32>
    %gather3A_729 = tpu.vector_load_idx %arg30[%gather3A_697] : memref<5120xf32, #tpu.memory_space<vmem>>[vector<16xi32>], vector<16xf32>,
    %mul3A_730 = arith.mulf %get3A_703, %gather3A_729 : vector<16xf32>
    %add3A_731 = arith.addf %add3A_728, %mul3A_730 : vector<16xf32>
    %swap3A_732 = arith.constant 80 : index
    %swap3A_733 = tpu.vector_load %arg52[%swap3A_732] {strides = array<i32>} : memref<256xf32, #tpu.memory_space<vmem>>, vector<16xf32>,
    tpu.vector_store %arg52[%swap3A_732], %add3A_731 {strides = array<i32>} : memref<256xf32, #tpu.memory_space<vmem>>, vector<16xf32>,
    %gather3A_734 = tpu.vector_load_idx %arg43[%shift_right_logical3A_694] : memref<64xf32, #tpu.memory_space<vmem>>[vector<16xi32>], vector<16xf32>,
    %swap3A_735 = arith.constant 80 : index
    %swap3A_736 = tpu.vector_load %arg53[%swap3A_735] {strides = array<i32>} : memref<256xf32, #tpu.memory_space<vmem>>, vector<16xf32>,
    tpu.vector_store %arg53[%swap3A_735], %gather3A_734 {strides = array<i32>} : memref<256xf32, #tpu.memory_space<vmem>>, vector<16xf32>,
    %add3A_737 = arith.constant 96 : i32
    %add3A_738 = vector.broadcast %add3A_737 : i32 to vector<16xi32>
    %add3A_739 = arith.addi %iota3A, %add3A_738 : vector<16xi32>
    %shift_right_logical3A_740 = arith.constant 2 : i32
    %shift_right_logical3A_741 = vector.broadcast %shift_right_logical3A_740 : i32 to vector<16xi32>
    %shift_right_logical3A_742 = arith.shrui %add3A_739, %shift_right_logical3A_741 : vector<16xi32>
    %gather3A_743 = tpu.vector_load_idx %arg34[%shift_right_logical3A_742] : memref<64xi32, #tpu.memory_space<vmem>>[vector<16xi32>], vector<16xi32>,
    %gather3A_744 = tpu.vector_load_idx %arg35[%shift_right_logical3A_742] : memref<64xi32, #tpu.memory_space<vmem>>[vector<16xi32>], vector<16xi32>,
    %gather3A_745 = tpu.vector_load_idx %arg36[%shift_right_logical3A_742] : memref<64xi32, #tpu.memory_space<vmem>>[vector<16xi32>], vector<16xi32>,
    %get3A_746 = arith.constant 96 : index
    %get3A_747 = tpu.vector_load %arg40[%get3A_746] {strides = array<i32>} : memref<256xf32, #tpu.memory_space<vmem>>, vector<16xf32>,
    %get3A_748 = arith.constant 96 : index
    %get3A_749 = tpu.vector_load %arg41[%get3A_748] {strides = array<i32>} : memref<256xf32, #tpu.memory_space<vmem>>, vector<16xf32>,
    %get3A_750 = arith.constant 96 : index
    %get3A_751 = tpu.vector_load %arg42[%get3A_750] {strides = array<i32>} : memref<256xf32, #tpu.memory_space<vmem>>, vector<16xf32>,
    %gather3A_752 = tpu.vector_load_idx %arg28[%gather3A_743] : memref<5120xf32, #tpu.memory_space<vmem>>[vector<16xi32>], vector<16xf32>,
    %mul3A_753 = arith.mulf %get3A_747, %gather3A_752 : vector<16xf32>
    %gather3A_754 = tpu.vector_load_idx %arg28[%gather3A_744] : memref<5120xf32, #tpu.memory_space<vmem>>[vector<16xi32>], vector<16xf32>,
    %mul3A_755 = arith.mulf %get3A_749, %gather3A_754 : vector<16xf32>
    %add3A_756 = arith.addf %mul3A_753, %mul3A_755 : vector<16xf32>
    %gather3A_757 = tpu.vector_load_idx %arg28[%gather3A_745] : memref<5120xf32, #tpu.memory_space<vmem>>[vector<16xi32>], vector<16xf32>,
    %mul3A_758 = arith.mulf %get3A_751, %gather3A_757 : vector<16xf32>
    %add3A_759 = arith.addf %add3A_756, %mul3A_758 : vector<16xf32>
    %swap3A_760 = arith.constant 96 : index
    %swap3A_761 = tpu.vector_load %arg50[%swap3A_760] {strides = array<i32>} : memref<256xf32, #tpu.memory_space<vmem>>, vector<16xf32>,
    tpu.vector_store %arg50[%swap3A_760], %add3A_759 {strides = array<i32>} : memref<256xf32, #tpu.memory_space<vmem>>, vector<16xf32>,
    %gather3A_762 = tpu.vector_load_idx %arg29[%gather3A_743] : memref<5120xf32, #tpu.memory_space<vmem>>[vector<16xi32>], vector<16xf32>,
    %mul3A_763 = arith.mulf %get3A_747, %gather3A_762 : vector<16xf32>
    %gather3A_764 = tpu.vector_load_idx %arg29[%gather3A_744] : memref<5120xf32, #tpu.memory_space<vmem>>[vector<16xi32>], vector<16xf32>,
    %mul3A_765 = arith.mulf %get3A_749, %gather3A_764 : vector<16xf32>
    %add3A_766 = arith.addf %mul3A_763, %mul3A_765 : vector<16xf32>
    %gather3A_767 = tpu.vector_load_idx %arg29[%gather3A_745] : memref<5120xf32, #tpu.memory_space<vmem>>[vector<16xi32>], vector<16xf32>,
    %mul3A_768 = arith.mulf %get3A_751, %gather3A_767 : vector<16xf32>
    %add3A_769 = arith.addf %add3A_766, %mul3A_768 : vector<16xf32>
    %swap3A_770 = arith.constant 96 : index
    %swap3A_771 = tpu.vector_load %arg51[%swap3A_770] {strides = array<i32>} : memref<256xf32, #tpu.memory_space<vmem>>, vector<16xf32>,
    tpu.vector_store %arg51[%swap3A_770], %add3A_769 {strides = array<i32>} : memref<256xf32, #tpu.memory_space<vmem>>, vector<16xf32>,
    %gather3A_772 = tpu.vector_load_idx %arg30[%gather3A_743] : memref<5120xf32, #tpu.memory_space<vmem>>[vector<16xi32>], vector<16xf32>,
    %mul3A_773 = arith.mulf %get3A_747, %gather3A_772 : vector<16xf32>
    %gather3A_774 = tpu.vector_load_idx %arg30[%gather3A_744] : memref<5120xf32, #tpu.memory_space<vmem>>[vector<16xi32>], vector<16xf32>,
    %mul3A_775 = arith.mulf %get3A_749, %gather3A_774 : vector<16xf32>
    %add3A_776 = arith.addf %mul3A_773, %mul3A_775 : vector<16xf32>
    %gather3A_777 = tpu.vector_load_idx %arg30[%gather3A_745] : memref<5120xf32, #tpu.memory_space<vmem>>[vector<16xi32>], vector<16xf32>,
    %mul3A_778 = arith.mulf %get3A_751, %gather3A_777 : vector<16xf32>
    %add3A_779 = arith.addf %add3A_776, %mul3A_778 : vector<16xf32>
    %swap3A_780 = arith.constant 96 : index
    %swap3A_781 = tpu.vector_load %arg52[%swap3A_780] {strides = array<i32>} : memref<256xf32, #tpu.memory_space<vmem>>, vector<16xf32>,
    tpu.vector_store %arg52[%swap3A_780], %add3A_779 {strides = array<i32>} : memref<256xf32, #tpu.memory_space<vmem>>, vector<16xf32>,
    %gather3A_782 = tpu.vector_load_idx %arg43[%shift_right_logical3A_742] : memref<64xf32, #tpu.memory_space<vmem>>[vector<16xi32>], vector<16xf32>,
    %swap3A_783 = arith.constant 96 : index
    %swap3A_784 = tpu.vector_load %arg53[%swap3A_783] {strides = array<i32>} : memref<256xf32, #tpu.memory_space<vmem>>, vector<16xf32>,
    tpu.vector_store %arg53[%swap3A_783], %gather3A_782 {strides = array<i32>} : memref<256xf32, #tpu.memory_space<vmem>>, vector<16xf32>,
    %add3A_785 = arith.constant 112 : i32
    %add3A_786 = vector.broadcast %add3A_785 : i32 to vector<16xi32>
    %add3A_787 = arith.addi %iota3A, %add3A_786 : vector<16xi32>
    %shift_right_logical3A_788 = arith.constant 2 : i32
    %shift_right_logical3A_789 = vector.broadcast %shift_right_logical3A_788 : i32 to vector<16xi32>
    %shift_right_logical3A_790 = arith.shrui %add3A_787, %shift_right_logical3A_789 : vector<16xi32>
    %gather3A_791 = tpu.vector_load_idx %arg34[%shift_right_logical3A_790] : memref<64xi32, #tpu.memory_space<vmem>>[vector<16xi32>], vector<16xi32>,
    %gather3A_792 = tpu.vector_load_idx %arg35[%shift_right_logical3A_790] : memref<64xi32, #tpu.memory_space<vmem>>[vector<16xi32>], vector<16xi32>,
    %gather3A_793 = tpu.vector_load_idx %arg36[%shift_right_logical3A_790] : memref<64xi32, #tpu.memory_space<vmem>>[vector<16xi32>], vector<16xi32>,
    %get3A_794 = arith.constant 112 : index
    %get3A_795 = tpu.vector_load %arg40[%get3A_794] {strides = array<i32>} : memref<256xf32, #tpu.memory_space<vmem>>, vector<16xf32>,
    %get3A_796 = arith.constant 112 : index
    %get3A_797 = tpu.vector_load %arg41[%get3A_796] {strides = array<i32>} : memref<256xf32, #tpu.memory_space<vmem>>, vector<16xf32>,
    %get3A_798 = arith.constant 112 : index
    %get3A_799 = tpu.vector_load %arg42[%get3A_798] {strides = array<i32>} : memref<256xf32, #tpu.memory_space<vmem>>, vector<16xf32>,
    %gather3A_800 = tpu.vector_load_idx %arg28[%gather3A_791] : memref<5120xf32, #tpu.memory_space<vmem>>[vector<16xi32>], vector<16xf32>,
    %mul3A_801 = arith.mulf %get3A_795, %gather3A_800 : vector<16xf32>
    %gather3A_802 = tpu.vector_load_idx %arg28[%gather3A_792] : memref<5120xf32, #tpu.memory_space<vmem>>[vector<16xi32>], vector<16xf32>,
    %mul3A_803 = arith.mulf %get3A_797, %gather3A_802 : vector<16xf32>
    %add3A_804 = arith.addf %mul3A_801, %mul3A_803 : vector<16xf32>
    %gather3A_805 = tpu.vector_load_idx %arg28[%gather3A_793] : memref<5120xf32, #tpu.memory_space<vmem>>[vector<16xi32>], vector<16xf32>,
    %mul3A_806 = arith.mulf %get3A_799, %gather3A_805 : vector<16xf32>
    %add3A_807 = arith.addf %add3A_804, %mul3A_806 : vector<16xf32>
    %swap3A_808 = arith.constant 112 : index
    %swap3A_809 = tpu.vector_load %arg50[%swap3A_808] {strides = array<i32>} : memref<256xf32, #tpu.memory_space<vmem>>, vector<16xf32>,
    tpu.vector_store %arg50[%swap3A_808], %add3A_807 {strides = array<i32>} : memref<256xf32, #tpu.memory_space<vmem>>, vector<16xf32>,
    %gather3A_810 = tpu.vector_load_idx %arg29[%gather3A_791] : memref<5120xf32, #tpu.memory_space<vmem>>[vector<16xi32>], vector<16xf32>,
    %mul3A_811 = arith.mulf %get3A_795, %gather3A_810 : vector<16xf32>
    %gather3A_812 = tpu.vector_load_idx %arg29[%gather3A_792] : memref<5120xf32, #tpu.memory_space<vmem>>[vector<16xi32>], vector<16xf32>,
    %mul3A_813 = arith.mulf %get3A_797, %gather3A_812 : vector<16xf32>
    %add3A_814 = arith.addf %mul3A_811, %mul3A_813 : vector<16xf32>
    %gather3A_815 = tpu.vector_load_idx %arg29[%gather3A_793] : memref<5120xf32, #tpu.memory_space<vmem>>[vector<16xi32>], vector<16xf32>,
    %mul3A_816 = arith.mulf %get3A_799, %gather3A_815 : vector<16xf32>
    %add3A_817 = arith.addf %add3A_814, %mul3A_816 : vector<16xf32>
    %swap3A_818 = arith.constant 112 : index
    %swap3A_819 = tpu.vector_load %arg51[%swap3A_818] {strides = array<i32>} : memref<256xf32, #tpu.memory_space<vmem>>, vector<16xf32>,
    tpu.vector_store %arg51[%swap3A_818], %add3A_817 {strides = array<i32>} : memref<256xf32, #tpu.memory_space<vmem>>, vector<16xf32>,
    %gather3A_820 = tpu.vector_load_idx %arg30[%gather3A_791] : memref<5120xf32, #tpu.memory_space<vmem>>[vector<16xi32>], vector<16xf32>,
    %mul3A_821 = arith.mulf %get3A_795, %gather3A_820 : vector<16xf32>
    %gather3A_822 = tpu.vector_load_idx %arg30[%gather3A_792] : memref<5120xf32, #tpu.memory_space<vmem>>[vector<16xi32>], vector<16xf32>,
    %mul3A_823 = arith.mulf %get3A_797, %gather3A_822 : vector<16xf32>
    %add3A_824 = arith.addf %mul3A_821, %mul3A_823 : vector<16xf32>
    %gather3A_825 = tpu.vector_load_idx %arg30[%gather3A_793] : memref<5120xf32, #tpu.memory_space<vmem>>[vector<16xi32>], vector<16xf32>,
    %mul3A_826 = arith.mulf %get3A_799, %gather3A_825 : vector<16xf32>
    %add3A_827 = arith.addf %add3A_824, %mul3A_826 : vector<16xf32>
    %swap3A_828 = arith.constant 112 : index
    %swap3A_829 = tpu.vector_load %arg52[%swap3A_828] {strides = array<i32>} : memref<256xf32, #tpu.memory_space<vmem>>, vector<16xf32>,
    tpu.vector_store %arg52[%swap3A_828], %add3A_827 {strides = array<i32>} : memref<256xf32, #tpu.memory_space<vmem>>, vector<16xf32>,
    %gather3A_830 = tpu.vector_load_idx %arg43[%shift_right_logical3A_790] : memref<64xf32, #tpu.memory_space<vmem>>[vector<16xi32>], vector<16xf32>,
    %swap3A_831 = arith.constant 112 : index
    %swap3A_832 = tpu.vector_load %arg53[%swap3A_831] {strides = array<i32>} : memref<256xf32, #tpu.memory_space<vmem>>, vector<16xf32>,
    tpu.vector_store %arg53[%swap3A_831], %gather3A_830 {strides = array<i32>} : memref<256xf32, #tpu.memory_space<vmem>>, vector<16xf32>,
    %add3A_833 = arith.constant 128 : i32
    %add3A_834 = vector.broadcast %add3A_833 : i32 to vector<16xi32>
    %add3A_835 = arith.addi %iota3A, %add3A_834 : vector<16xi32>
    %shift_right_logical3A_836 = arith.constant 2 : i32
    %shift_right_logical3A_837 = vector.broadcast %shift_right_logical3A_836 : i32 to vector<16xi32>
    %shift_right_logical3A_838 = arith.shrui %add3A_835, %shift_right_logical3A_837 : vector<16xi32>
    %gather3A_839 = tpu.vector_load_idx %arg34[%shift_right_logical3A_838] : memref<64xi32, #tpu.memory_space<vmem>>[vector<16xi32>], vector<16xi32>,
    %gather3A_840 = tpu.vector_load_idx %arg35[%shift_right_logical3A_838] : memref<64xi32, #tpu.memory_space<vmem>>[vector<16xi32>], vector<16xi32>,
    %gather3A_841 = tpu.vector_load_idx %arg36[%shift_right_logical3A_838] : memref<64xi32, #tpu.memory_space<vmem>>[vector<16xi32>], vector<16xi32>,
    %get3A_842 = arith.constant 128 : index
    %get3A_843 = tpu.vector_load %arg40[%get3A_842] {strides = array<i32>} : memref<256xf32, #tpu.memory_space<vmem>>, vector<16xf32>,
    %get3A_844 = arith.constant 128 : index
    %get3A_845 = tpu.vector_load %arg41[%get3A_844] {strides = array<i32>} : memref<256xf32, #tpu.memory_space<vmem>>, vector<16xf32>,
    %get3A_846 = arith.constant 128 : index
    %get3A_847 = tpu.vector_load %arg42[%get3A_846] {strides = array<i32>} : memref<256xf32, #tpu.memory_space<vmem>>, vector<16xf32>,
    %gather3A_848 = tpu.vector_load_idx %arg28[%gather3A_839] : memref<5120xf32, #tpu.memory_space<vmem>>[vector<16xi32>], vector<16xf32>,
    %mul3A_849 = arith.mulf %get3A_843, %gather3A_848 : vector<16xf32>
    %gather3A_850 = tpu.vector_load_idx %arg28[%gather3A_840] : memref<5120xf32, #tpu.memory_space<vmem>>[vector<16xi32>], vector<16xf32>,
    %mul3A_851 = arith.mulf %get3A_845, %gather3A_850 : vector<16xf32>
    %add3A_852 = arith.addf %mul3A_849, %mul3A_851 : vector<16xf32>
    %gather3A_853 = tpu.vector_load_idx %arg28[%gather3A_841] : memref<5120xf32, #tpu.memory_space<vmem>>[vector<16xi32>], vector<16xf32>,
    %mul3A_854 = arith.mulf %get3A_847, %gather3A_853 : vector<16xf32>
    %add3A_855 = arith.addf %add3A_852, %mul3A_854 : vector<16xf32>
    %swap3A_856 = arith.constant 128 : index
    %swap3A_857 = tpu.vector_load %arg50[%swap3A_856] {strides = array<i32>} : memref<256xf32, #tpu.memory_space<vmem>>, vector<16xf32>,
    tpu.vector_store %arg50[%swap3A_856], %add3A_855 {strides = array<i32>} : memref<256xf32, #tpu.memory_space<vmem>>, vector<16xf32>,
    %gather3A_858 = tpu.vector_load_idx %arg29[%gather3A_839] : memref<5120xf32, #tpu.memory_space<vmem>>[vector<16xi32>], vector<16xf32>,
    %mul3A_859 = arith.mulf %get3A_843, %gather3A_858 : vector<16xf32>
    %gather3A_860 = tpu.vector_load_idx %arg29[%gather3A_840] : memref<5120xf32, #tpu.memory_space<vmem>>[vector<16xi32>], vector<16xf32>,
    %mul3A_861 = arith.mulf %get3A_845, %gather3A_860 : vector<16xf32>
    %add3A_862 = arith.addf %mul3A_859, %mul3A_861 : vector<16xf32>
    %gather3A_863 = tpu.vector_load_idx %arg29[%gather3A_841] : memref<5120xf32, #tpu.memory_space<vmem>>[vector<16xi32>], vector<16xf32>,
    %mul3A_864 = arith.mulf %get3A_847, %gather3A_863 : vector<16xf32>
    %add3A_865 = arith.addf %add3A_862, %mul3A_864 : vector<16xf32>
    %swap3A_866 = arith.constant 128 : index
    %swap3A_867 = tpu.vector_load %arg51[%swap3A_866] {strides = array<i32>} : memref<256xf32, #tpu.memory_space<vmem>>, vector<16xf32>,
    tpu.vector_store %arg51[%swap3A_866], %add3A_865 {strides = array<i32>} : memref<256xf32, #tpu.memory_space<vmem>>, vector<16xf32>,
    %gather3A_868 = tpu.vector_load_idx %arg30[%gather3A_839] : memref<5120xf32, #tpu.memory_space<vmem>>[vector<16xi32>], vector<16xf32>,
    %mul3A_869 = arith.mulf %get3A_843, %gather3A_868 : vector<16xf32>
    %gather3A_870 = tpu.vector_load_idx %arg30[%gather3A_840] : memref<5120xf32, #tpu.memory_space<vmem>>[vector<16xi32>], vector<16xf32>,
    %mul3A_871 = arith.mulf %get3A_845, %gather3A_870 : vector<16xf32>
    %add3A_872 = arith.addf %mul3A_869, %mul3A_871 : vector<16xf32>
    %gather3A_873 = tpu.vector_load_idx %arg30[%gather3A_841] : memref<5120xf32, #tpu.memory_space<vmem>>[vector<16xi32>], vector<16xf32>,
    %mul3A_874 = arith.mulf %get3A_847, %gather3A_873 : vector<16xf32>
    %add3A_875 = arith.addf %add3A_872, %mul3A_874 : vector<16xf32>
    %swap3A_876 = arith.constant 128 : index
    %swap3A_877 = tpu.vector_load %arg52[%swap3A_876] {strides = array<i32>} : memref<256xf32, #tpu.memory_space<vmem>>, vector<16xf32>,
    tpu.vector_store %arg52[%swap3A_876], %add3A_875 {strides = array<i32>} : memref<256xf32, #tpu.memory_space<vmem>>, vector<16xf32>,
    %gather3A_878 = tpu.vector_load_idx %arg43[%shift_right_logical3A_838] : memref<64xf32, #tpu.memory_space<vmem>>[vector<16xi32>], vector<16xf32>,
    %swap3A_879 = arith.constant 128 : index
    %swap3A_880 = tpu.vector_load %arg53[%swap3A_879] {strides = array<i32>} : memref<256xf32, #tpu.memory_space<vmem>>, vector<16xf32>,
    tpu.vector_store %arg53[%swap3A_879], %gather3A_878 {strides = array<i32>} : memref<256xf32, #tpu.memory_space<vmem>>, vector<16xf32>,
    %add3A_881 = arith.constant 144 : i32
    %add3A_882 = vector.broadcast %add3A_881 : i32 to vector<16xi32>
    %add3A_883 = arith.addi %iota3A, %add3A_882 : vector<16xi32>
    %shift_right_logical3A_884 = arith.constant 2 : i32
    %shift_right_logical3A_885 = vector.broadcast %shift_right_logical3A_884 : i32 to vector<16xi32>
    %shift_right_logical3A_886 = arith.shrui %add3A_883, %shift_right_logical3A_885 : vector<16xi32>
    %gather3A_887 = tpu.vector_load_idx %arg34[%shift_right_logical3A_886] : memref<64xi32, #tpu.memory_space<vmem>>[vector<16xi32>], vector<16xi32>,
    %gather3A_888 = tpu.vector_load_idx %arg35[%shift_right_logical3A_886] : memref<64xi32, #tpu.memory_space<vmem>>[vector<16xi32>], vector<16xi32>,
    %gather3A_889 = tpu.vector_load_idx %arg36[%shift_right_logical3A_886] : memref<64xi32, #tpu.memory_space<vmem>>[vector<16xi32>], vector<16xi32>,
    %get3A_890 = arith.constant 144 : index
    %get3A_891 = tpu.vector_load %arg40[%get3A_890] {strides = array<i32>} : memref<256xf32, #tpu.memory_space<vmem>>, vector<16xf32>,
    %get3A_892 = arith.constant 144 : index
    %get3A_893 = tpu.vector_load %arg41[%get3A_892] {strides = array<i32>} : memref<256xf32, #tpu.memory_space<vmem>>, vector<16xf32>,
    %get3A_894 = arith.constant 144 : index
    %get3A_895 = tpu.vector_load %arg42[%get3A_894] {strides = array<i32>} : memref<256xf32, #tpu.memory_space<vmem>>, vector<16xf32>,
    %gather3A_896 = tpu.vector_load_idx %arg28[%gather3A_887] : memref<5120xf32, #tpu.memory_space<vmem>>[vector<16xi32>], vector<16xf32>,
    %mul3A_897 = arith.mulf %get3A_891, %gather3A_896 : vector<16xf32>
    %gather3A_898 = tpu.vector_load_idx %arg28[%gather3A_888] : memref<5120xf32, #tpu.memory_space<vmem>>[vector<16xi32>], vector<16xf32>,
    %mul3A_899 = arith.mulf %get3A_893, %gather3A_898 : vector<16xf32>
    %add3A_900 = arith.addf %mul3A_897, %mul3A_899 : vector<16xf32>
    %gather3A_901 = tpu.vector_load_idx %arg28[%gather3A_889] : memref<5120xf32, #tpu.memory_space<vmem>>[vector<16xi32>], vector<16xf32>,
    %mul3A_902 = arith.mulf %get3A_895, %gather3A_901 : vector<16xf32>
    %add3A_903 = arith.addf %add3A_900, %mul3A_902 : vector<16xf32>
    %swap3A_904 = arith.constant 144 : index
    %swap3A_905 = tpu.vector_load %arg50[%swap3A_904] {strides = array<i32>} : memref<256xf32, #tpu.memory_space<vmem>>, vector<16xf32>,
    tpu.vector_store %arg50[%swap3A_904], %add3A_903 {strides = array<i32>} : memref<256xf32, #tpu.memory_space<vmem>>, vector<16xf32>,
    %gather3A_906 = tpu.vector_load_idx %arg29[%gather3A_887] : memref<5120xf32, #tpu.memory_space<vmem>>[vector<16xi32>], vector<16xf32>,
    %mul3A_907 = arith.mulf %get3A_891, %gather3A_906 : vector<16xf32>
    %gather3A_908 = tpu.vector_load_idx %arg29[%gather3A_888] : memref<5120xf32, #tpu.memory_space<vmem>>[vector<16xi32>], vector<16xf32>,
    %mul3A_909 = arith.mulf %get3A_893, %gather3A_908 : vector<16xf32>
    %add3A_910 = arith.addf %mul3A_907, %mul3A_909 : vector<16xf32>
    %gather3A_911 = tpu.vector_load_idx %arg29[%gather3A_889] : memref<5120xf32, #tpu.memory_space<vmem>>[vector<16xi32>], vector<16xf32>,
    %mul3A_912 = arith.mulf %get3A_895, %gather3A_911 : vector<16xf32>
    %add3A_913 = arith.addf %add3A_910, %mul3A_912 : vector<16xf32>
    %swap3A_914 = arith.constant 144 : index
    %swap3A_915 = tpu.vector_load %arg51[%swap3A_914] {strides = array<i32>} : memref<256xf32, #tpu.memory_space<vmem>>, vector<16xf32>,
    tpu.vector_store %arg51[%swap3A_914], %add3A_913 {strides = array<i32>} : memref<256xf32, #tpu.memory_space<vmem>>, vector<16xf32>,
    %gather3A_916 = tpu.vector_load_idx %arg30[%gather3A_887] : memref<5120xf32, #tpu.memory_space<vmem>>[vector<16xi32>], vector<16xf32>,
    %mul3A_917 = arith.mulf %get3A_891, %gather3A_916 : vector<16xf32>
    %gather3A_918 = tpu.vector_load_idx %arg30[%gather3A_888] : memref<5120xf32, #tpu.memory_space<vmem>>[vector<16xi32>], vector<16xf32>,
    %mul3A_919 = arith.mulf %get3A_893, %gather3A_918 : vector<16xf32>
    %add3A_920 = arith.addf %mul3A_917, %mul3A_919 : vector<16xf32>
    %gather3A_921 = tpu.vector_load_idx %arg30[%gather3A_889] : memref<5120xf32, #tpu.memory_space<vmem>>[vector<16xi32>], vector<16xf32>,
    %mul3A_922 = arith.mulf %get3A_895, %gather3A_921 : vector<16xf32>
    %add3A_923 = arith.addf %add3A_920, %mul3A_922 : vector<16xf32>
    %swap3A_924 = arith.constant 144 : index
    %swap3A_925 = tpu.vector_load %arg52[%swap3A_924] {strides = array<i32>} : memref<256xf32, #tpu.memory_space<vmem>>, vector<16xf32>,
    tpu.vector_store %arg52[%swap3A_924], %add3A_923 {strides = array<i32>} : memref<256xf32, #tpu.memory_space<vmem>>, vector<16xf32>,
    %gather3A_926 = tpu.vector_load_idx %arg43[%shift_right_logical3A_886] : memref<64xf32, #tpu.memory_space<vmem>>[vector<16xi32>], vector<16xf32>,
    %swap3A_927 = arith.constant 144 : index
    %swap3A_928 = tpu.vector_load %arg53[%swap3A_927] {strides = array<i32>} : memref<256xf32, #tpu.memory_space<vmem>>, vector<16xf32>,
    tpu.vector_store %arg53[%swap3A_927], %gather3A_926 {strides = array<i32>} : memref<256xf32, #tpu.memory_space<vmem>>, vector<16xf32>,
    %add3A_929 = arith.constant 160 : i32
    %add3A_930 = vector.broadcast %add3A_929 : i32 to vector<16xi32>
    %add3A_931 = arith.addi %iota3A, %add3A_930 : vector<16xi32>
    %shift_right_logical3A_932 = arith.constant 2 : i32
    %shift_right_logical3A_933 = vector.broadcast %shift_right_logical3A_932 : i32 to vector<16xi32>
    %shift_right_logical3A_934 = arith.shrui %add3A_931, %shift_right_logical3A_933 : vector<16xi32>
    %gather3A_935 = tpu.vector_load_idx %arg34[%shift_right_logical3A_934] : memref<64xi32, #tpu.memory_space<vmem>>[vector<16xi32>], vector<16xi32>,
    %gather3A_936 = tpu.vector_load_idx %arg35[%shift_right_logical3A_934] : memref<64xi32, #tpu.memory_space<vmem>>[vector<16xi32>], vector<16xi32>,
    %gather3A_937 = tpu.vector_load_idx %arg36[%shift_right_logical3A_934] : memref<64xi32, #tpu.memory_space<vmem>>[vector<16xi32>], vector<16xi32>,
    %get3A_938 = arith.constant 160 : index
    %get3A_939 = tpu.vector_load %arg40[%get3A_938] {strides = array<i32>} : memref<256xf32, #tpu.memory_space<vmem>>, vector<16xf32>,
    %get3A_940 = arith.constant 160 : index
    %get3A_941 = tpu.vector_load %arg41[%get3A_940] {strides = array<i32>} : memref<256xf32, #tpu.memory_space<vmem>>, vector<16xf32>,
    %get3A_942 = arith.constant 160 : index
    %get3A_943 = tpu.vector_load %arg42[%get3A_942] {strides = array<i32>} : memref<256xf32, #tpu.memory_space<vmem>>, vector<16xf32>,
    %gather3A_944 = tpu.vector_load_idx %arg28[%gather3A_935] : memref<5120xf32, #tpu.memory_space<vmem>>[vector<16xi32>], vector<16xf32>,
    %mul3A_945 = arith.mulf %get3A_939, %gather3A_944 : vector<16xf32>
    %gather3A_946 = tpu.vector_load_idx %arg28[%gather3A_936] : memref<5120xf32, #tpu.memory_space<vmem>>[vector<16xi32>], vector<16xf32>,
    %mul3A_947 = arith.mulf %get3A_941, %gather3A_946 : vector<16xf32>
    %add3A_948 = arith.addf %mul3A_945, %mul3A_947 : vector<16xf32>
    %gather3A_949 = tpu.vector_load_idx %arg28[%gather3A_937] : memref<5120xf32, #tpu.memory_space<vmem>>[vector<16xi32>], vector<16xf32>,
    %mul3A_950 = arith.mulf %get3A_943, %gather3A_949 : vector<16xf32>
    %add3A_951 = arith.addf %add3A_948, %mul3A_950 : vector<16xf32>
    %swap3A_952 = arith.constant 160 : index
    %swap3A_953 = tpu.vector_load %arg50[%swap3A_952] {strides = array<i32>} : memref<256xf32, #tpu.memory_space<vmem>>, vector<16xf32>,
    tpu.vector_store %arg50[%swap3A_952], %add3A_951 {strides = array<i32>} : memref<256xf32, #tpu.memory_space<vmem>>, vector<16xf32>,
    %gather3A_954 = tpu.vector_load_idx %arg29[%gather3A_935] : memref<5120xf32, #tpu.memory_space<vmem>>[vector<16xi32>], vector<16xf32>,
    %mul3A_955 = arith.mulf %get3A_939, %gather3A_954 : vector<16xf32>
    %gather3A_956 = tpu.vector_load_idx %arg29[%gather3A_936] : memref<5120xf32, #tpu.memory_space<vmem>>[vector<16xi32>], vector<16xf32>,
    %mul3A_957 = arith.mulf %get3A_941, %gather3A_956 : vector<16xf32>
    %add3A_958 = arith.addf %mul3A_955, %mul3A_957 : vector<16xf32>
    %gather3A_959 = tpu.vector_load_idx %arg29[%gather3A_937] : memref<5120xf32, #tpu.memory_space<vmem>>[vector<16xi32>], vector<16xf32>,
    %mul3A_960 = arith.mulf %get3A_943, %gather3A_959 : vector<16xf32>
    %add3A_961 = arith.addf %add3A_958, %mul3A_960 : vector<16xf32>
    %swap3A_962 = arith.constant 160 : index
    %swap3A_963 = tpu.vector_load %arg51[%swap3A_962] {strides = array<i32>} : memref<256xf32, #tpu.memory_space<vmem>>, vector<16xf32>,
    tpu.vector_store %arg51[%swap3A_962], %add3A_961 {strides = array<i32>} : memref<256xf32, #tpu.memory_space<vmem>>, vector<16xf32>,
    %gather3A_964 = tpu.vector_load_idx %arg30[%gather3A_935] : memref<5120xf32, #tpu.memory_space<vmem>>[vector<16xi32>], vector<16xf32>,
    %mul3A_965 = arith.mulf %get3A_939, %gather3A_964 : vector<16xf32>
    %gather3A_966 = tpu.vector_load_idx %arg30[%gather3A_936] : memref<5120xf32, #tpu.memory_space<vmem>>[vector<16xi32>], vector<16xf32>,
    %mul3A_967 = arith.mulf %get3A_941, %gather3A_966 : vector<16xf32>
    %add3A_968 = arith.addf %mul3A_965, %mul3A_967 : vector<16xf32>
    %gather3A_969 = tpu.vector_load_idx %arg30[%gather3A_937] : memref<5120xf32, #tpu.memory_space<vmem>>[vector<16xi32>], vector<16xf32>,
    %mul3A_970 = arith.mulf %get3A_943, %gather3A_969 : vector<16xf32>
    %add3A_971 = arith.addf %add3A_968, %mul3A_970 : vector<16xf32>
    %swap3A_972 = arith.constant 160 : index
    %swap3A_973 = tpu.vector_load %arg52[%swap3A_972] {strides = array<i32>} : memref<256xf32, #tpu.memory_space<vmem>>, vector<16xf32>,
    tpu.vector_store %arg52[%swap3A_972], %add3A_971 {strides = array<i32>} : memref<256xf32, #tpu.memory_space<vmem>>, vector<16xf32>,
    %gather3A_974 = tpu.vector_load_idx %arg43[%shift_right_logical3A_934] : memref<64xf32, #tpu.memory_space<vmem>>[vector<16xi32>], vector<16xf32>,
    %swap3A_975 = arith.constant 160 : index
    %swap3A_976 = tpu.vector_load %arg53[%swap3A_975] {strides = array<i32>} : memref<256xf32, #tpu.memory_space<vmem>>, vector<16xf32>,
    tpu.vector_store %arg53[%swap3A_975], %gather3A_974 {strides = array<i32>} : memref<256xf32, #tpu.memory_space<vmem>>, vector<16xf32>,
    %add3A_977 = arith.constant 176 : i32
    %add3A_978 = vector.broadcast %add3A_977 : i32 to vector<16xi32>
    %add3A_979 = arith.addi %iota3A, %add3A_978 : vector<16xi32>
    %shift_right_logical3A_980 = arith.constant 2 : i32
    %shift_right_logical3A_981 = vector.broadcast %shift_right_logical3A_980 : i32 to vector<16xi32>
    %shift_right_logical3A_982 = arith.shrui %add3A_979, %shift_right_logical3A_981 : vector<16xi32>
    %gather3A_983 = tpu.vector_load_idx %arg34[%shift_right_logical3A_982] : memref<64xi32, #tpu.memory_space<vmem>>[vector<16xi32>], vector<16xi32>,
    %gather3A_984 = tpu.vector_load_idx %arg35[%shift_right_logical3A_982] : memref<64xi32, #tpu.memory_space<vmem>>[vector<16xi32>], vector<16xi32>,
    %gather3A_985 = tpu.vector_load_idx %arg36[%shift_right_logical3A_982] : memref<64xi32, #tpu.memory_space<vmem>>[vector<16xi32>], vector<16xi32>,
    %get3A_986 = arith.constant 176 : index
    %get3A_987 = tpu.vector_load %arg40[%get3A_986] {strides = array<i32>} : memref<256xf32, #tpu.memory_space<vmem>>, vector<16xf32>,
    %get3A_988 = arith.constant 176 : index
    %get3A_989 = tpu.vector_load %arg41[%get3A_988] {strides = array<i32>} : memref<256xf32, #tpu.memory_space<vmem>>, vector<16xf32>,
    %get3A_990 = arith.constant 176 : index
    %get3A_991 = tpu.vector_load %arg42[%get3A_990] {strides = array<i32>} : memref<256xf32, #tpu.memory_space<vmem>>, vector<16xf32>,
    %gather3A_992 = tpu.vector_load_idx %arg28[%gather3A_983] : memref<5120xf32, #tpu.memory_space<vmem>>[vector<16xi32>], vector<16xf32>,
    %mul3A_993 = arith.mulf %get3A_987, %gather3A_992 : vector<16xf32>
    %gather3A_994 = tpu.vector_load_idx %arg28[%gather3A_984] : memref<5120xf32, #tpu.memory_space<vmem>>[vector<16xi32>], vector<16xf32>,
    %mul3A_995 = arith.mulf %get3A_989, %gather3A_994 : vector<16xf32>
    %add3A_996 = arith.addf %mul3A_993, %mul3A_995 : vector<16xf32>
    %gather3A_997 = tpu.vector_load_idx %arg28[%gather3A_985] : memref<5120xf32, #tpu.memory_space<vmem>>[vector<16xi32>], vector<16xf32>,
    %mul3A_998 = arith.mulf %get3A_991, %gather3A_997 : vector<16xf32>
    %add3A_999 = arith.addf %add3A_996, %mul3A_998 : vector<16xf32>
    %swap3A_1000 = arith.constant 176 : index
    %swap3A_1001 = tpu.vector_load %arg50[%swap3A_1000] {strides = array<i32>} : memref<256xf32, #tpu.memory_space<vmem>>, vector<16xf32>,
    tpu.vector_store %arg50[%swap3A_1000], %add3A_999 {strides = array<i32>} : memref<256xf32, #tpu.memory_space<vmem>>, vector<16xf32>,
    %gather3A_1002 = tpu.vector_load_idx %arg29[%gather3A_983] : memref<5120xf32, #tpu.memory_space<vmem>>[vector<16xi32>], vector<16xf32>,
    %mul3A_1003 = arith.mulf %get3A_987, %gather3A_1002 : vector<16xf32>
    %gather3A_1004 = tpu.vector_load_idx %arg29[%gather3A_984] : memref<5120xf32, #tpu.memory_space<vmem>>[vector<16xi32>], vector<16xf32>,
    %mul3A_1005 = arith.mulf %get3A_989, %gather3A_1004 : vector<16xf32>
    %add3A_1006 = arith.addf %mul3A_1003, %mul3A_1005 : vector<16xf32>
    %gather3A_1007 = tpu.vector_load_idx %arg29[%gather3A_985] : memref<5120xf32, #tpu.memory_space<vmem>>[vector<16xi32>], vector<16xf32>,
    %mul3A_1008 = arith.mulf %get3A_991, %gather3A_1007 : vector<16xf32>
    %add3A_1009 = arith.addf %add3A_1006, %mul3A_1008 : vector<16xf32>
    %swap3A_1010 = arith.constant 176 : index
    %swap3A_1011 = tpu.vector_load %arg51[%swap3A_1010] {strides = array<i32>} : memref<256xf32, #tpu.memory_space<vmem>>, vector<16xf32>,
    tpu.vector_store %arg51[%swap3A_1010], %add3A_1009 {strides = array<i32>} : memref<256xf32, #tpu.memory_space<vmem>>, vector<16xf32>,
    %gather3A_1012 = tpu.vector_load_idx %arg30[%gather3A_983] : memref<5120xf32, #tpu.memory_space<vmem>>[vector<16xi32>], vector<16xf32>,
    %mul3A_1013 = arith.mulf %get3A_987, %gather3A_1012 : vector<16xf32>
    %gather3A_1014 = tpu.vector_load_idx %arg30[%gather3A_984] : memref<5120xf32, #tpu.memory_space<vmem>>[vector<16xi32>], vector<16xf32>,
    %mul3A_1015 = arith.mulf %get3A_989, %gather3A_1014 : vector<16xf32>
    %add3A_1016 = arith.addf %mul3A_1013, %mul3A_1015 : vector<16xf32>
    %gather3A_1017 = tpu.vector_load_idx %arg30[%gather3A_985] : memref<5120xf32, #tpu.memory_space<vmem>>[vector<16xi32>], vector<16xf32>,
    %mul3A_1018 = arith.mulf %get3A_991, %gather3A_1017 : vector<16xf32>
    %add3A_1019 = arith.addf %add3A_1016, %mul3A_1018 : vector<16xf32>
    %swap3A_1020 = arith.constant 176 : index
    %swap3A_1021 = tpu.vector_load %arg52[%swap3A_1020] {strides = array<i32>} : memref<256xf32, #tpu.memory_space<vmem>>, vector<16xf32>,
    tpu.vector_store %arg52[%swap3A_1020], %add3A_1019 {strides = array<i32>} : memref<256xf32, #tpu.memory_space<vmem>>, vector<16xf32>,
    %gather3A_1022 = tpu.vector_load_idx %arg43[%shift_right_logical3A_982] : memref<64xf32, #tpu.memory_space<vmem>>[vector<16xi32>], vector<16xf32>,
    %swap3A_1023 = arith.constant 176 : index
    %swap3A_1024 = tpu.vector_load %arg53[%swap3A_1023] {strides = array<i32>} : memref<256xf32, #tpu.memory_space<vmem>>, vector<16xf32>,
    tpu.vector_store %arg53[%swap3A_1023], %gather3A_1022 {strides = array<i32>} : memref<256xf32, #tpu.memory_space<vmem>>, vector<16xf32>,
    %add3A_1025 = arith.constant 192 : i32
    %add3A_1026 = vector.broadcast %add3A_1025 : i32 to vector<16xi32>
    %add3A_1027 = arith.addi %iota3A, %add3A_1026 : vector<16xi32>
    %shift_right_logical3A_1028 = arith.constant 2 : i32
    %shift_right_logical3A_1029 = vector.broadcast %shift_right_logical3A_1028 : i32 to vector<16xi32>
    %shift_right_logical3A_1030 = arith.shrui %add3A_1027, %shift_right_logical3A_1029 : vector<16xi32>
    %gather3A_1031 = tpu.vector_load_idx %arg34[%shift_right_logical3A_1030] : memref<64xi32, #tpu.memory_space<vmem>>[vector<16xi32>], vector<16xi32>,
    %gather3A_1032 = tpu.vector_load_idx %arg35[%shift_right_logical3A_1030] : memref<64xi32, #tpu.memory_space<vmem>>[vector<16xi32>], vector<16xi32>,
    %gather3A_1033 = tpu.vector_load_idx %arg36[%shift_right_logical3A_1030] : memref<64xi32, #tpu.memory_space<vmem>>[vector<16xi32>], vector<16xi32>,
    %get3A_1034 = arith.constant 192 : index
    %get3A_1035 = tpu.vector_load %arg40[%get3A_1034] {strides = array<i32>} : memref<256xf32, #tpu.memory_space<vmem>>, vector<16xf32>,
    %get3A_1036 = arith.constant 192 : index
    %get3A_1037 = tpu.vector_load %arg41[%get3A_1036] {strides = array<i32>} : memref<256xf32, #tpu.memory_space<vmem>>, vector<16xf32>,
    %get3A_1038 = arith.constant 192 : index
    %get3A_1039 = tpu.vector_load %arg42[%get3A_1038] {strides = array<i32>} : memref<256xf32, #tpu.memory_space<vmem>>, vector<16xf32>,
    %gather3A_1040 = tpu.vector_load_idx %arg28[%gather3A_1031] : memref<5120xf32, #tpu.memory_space<vmem>>[vector<16xi32>], vector<16xf32>,
    %mul3A_1041 = arith.mulf %get3A_1035, %gather3A_1040 : vector<16xf32>
    %gather3A_1042 = tpu.vector_load_idx %arg28[%gather3A_1032] : memref<5120xf32, #tpu.memory_space<vmem>>[vector<16xi32>], vector<16xf32>,
    %mul3A_1043 = arith.mulf %get3A_1037, %gather3A_1042 : vector<16xf32>
    %add3A_1044 = arith.addf %mul3A_1041, %mul3A_1043 : vector<16xf32>
    %gather3A_1045 = tpu.vector_load_idx %arg28[%gather3A_1033] : memref<5120xf32, #tpu.memory_space<vmem>>[vector<16xi32>], vector<16xf32>,
    %mul3A_1046 = arith.mulf %get3A_1039, %gather3A_1045 : vector<16xf32>
    %add3A_1047 = arith.addf %add3A_1044, %mul3A_1046 : vector<16xf32>
    %swap3A_1048 = arith.constant 192 : index
    %swap3A_1049 = tpu.vector_load %arg50[%swap3A_1048] {strides = array<i32>} : memref<256xf32, #tpu.memory_space<vmem>>, vector<16xf32>,
    tpu.vector_store %arg50[%swap3A_1048], %add3A_1047 {strides = array<i32>} : memref<256xf32, #tpu.memory_space<vmem>>, vector<16xf32>,
    %gather3A_1050 = tpu.vector_load_idx %arg29[%gather3A_1031] : memref<5120xf32, #tpu.memory_space<vmem>>[vector<16xi32>], vector<16xf32>,
    %mul3A_1051 = arith.mulf %get3A_1035, %gather3A_1050 : vector<16xf32>
    %gather3A_1052 = tpu.vector_load_idx %arg29[%gather3A_1032] : memref<5120xf32, #tpu.memory_space<vmem>>[vector<16xi32>], vector<16xf32>,
    %mul3A_1053 = arith.mulf %get3A_1037, %gather3A_1052 : vector<16xf32>
    %add3A_1054 = arith.addf %mul3A_1051, %mul3A_1053 : vector<16xf32>
    %gather3A_1055 = tpu.vector_load_idx %arg29[%gather3A_1033] : memref<5120xf32, #tpu.memory_space<vmem>>[vector<16xi32>], vector<16xf32>,
    %mul3A_1056 = arith.mulf %get3A_1039, %gather3A_1055 : vector<16xf32>
    %add3A_1057 = arith.addf %add3A_1054, %mul3A_1056 : vector<16xf32>
    %swap3A_1058 = arith.constant 192 : index
    %swap3A_1059 = tpu.vector_load %arg51[%swap3A_1058] {strides = array<i32>} : memref<256xf32, #tpu.memory_space<vmem>>, vector<16xf32>,
    tpu.vector_store %arg51[%swap3A_1058], %add3A_1057 {strides = array<i32>} : memref<256xf32, #tpu.memory_space<vmem>>, vector<16xf32>,
    %gather3A_1060 = tpu.vector_load_idx %arg30[%gather3A_1031] : memref<5120xf32, #tpu.memory_space<vmem>>[vector<16xi32>], vector<16xf32>,
    %mul3A_1061 = arith.mulf %get3A_1035, %gather3A_1060 : vector<16xf32>
    %gather3A_1062 = tpu.vector_load_idx %arg30[%gather3A_1032] : memref<5120xf32, #tpu.memory_space<vmem>>[vector<16xi32>], vector<16xf32>,
    %mul3A_1063 = arith.mulf %get3A_1037, %gather3A_1062 : vector<16xf32>
    %add3A_1064 = arith.addf %mul3A_1061, %mul3A_1063 : vector<16xf32>
    %gather3A_1065 = tpu.vector_load_idx %arg30[%gather3A_1033] : memref<5120xf32, #tpu.memory_space<vmem>>[vector<16xi32>], vector<16xf32>,
    %mul3A_1066 = arith.mulf %get3A_1039, %gather3A_1065 : vector<16xf32>
    %add3A_1067 = arith.addf %add3A_1064, %mul3A_1066 : vector<16xf32>
    %swap3A_1068 = arith.constant 192 : index
    %swap3A_1069 = tpu.vector_load %arg52[%swap3A_1068] {strides = array<i32>} : memref<256xf32, #tpu.memory_space<vmem>>, vector<16xf32>,
    tpu.vector_store %arg52[%swap3A_1068], %add3A_1067 {strides = array<i32>} : memref<256xf32, #tpu.memory_space<vmem>>, vector<16xf32>,
    %gather3A_1070 = tpu.vector_load_idx %arg43[%shift_right_logical3A_1030] : memref<64xf32, #tpu.memory_space<vmem>>[vector<16xi32>], vector<16xf32>,
    %swap3A_1071 = arith.constant 192 : index
    %swap3A_1072 = tpu.vector_load %arg53[%swap3A_1071] {strides = array<i32>} : memref<256xf32, #tpu.memory_space<vmem>>, vector<16xf32>,
    tpu.vector_store %arg53[%swap3A_1071], %gather3A_1070 {strides = array<i32>} : memref<256xf32, #tpu.memory_space<vmem>>, vector<16xf32>,
    %add3A_1073 = arith.constant 208 : i32
    %add3A_1074 = vector.broadcast %add3A_1073 : i32 to vector<16xi32>
    %add3A_1075 = arith.addi %iota3A, %add3A_1074 : vector<16xi32>
    %shift_right_logical3A_1076 = arith.constant 2 : i32
    %shift_right_logical3A_1077 = vector.broadcast %shift_right_logical3A_1076 : i32 to vector<16xi32>
    %shift_right_logical3A_1078 = arith.shrui %add3A_1075, %shift_right_logical3A_1077 : vector<16xi32>
    %gather3A_1079 = tpu.vector_load_idx %arg34[%shift_right_logical3A_1078] : memref<64xi32, #tpu.memory_space<vmem>>[vector<16xi32>], vector<16xi32>,
    %gather3A_1080 = tpu.vector_load_idx %arg35[%shift_right_logical3A_1078] : memref<64xi32, #tpu.memory_space<vmem>>[vector<16xi32>], vector<16xi32>,
    %gather3A_1081 = tpu.vector_load_idx %arg36[%shift_right_logical3A_1078] : memref<64xi32, #tpu.memory_space<vmem>>[vector<16xi32>], vector<16xi32>,
    %get3A_1082 = arith.constant 208 : index
    %get3A_1083 = tpu.vector_load %arg40[%get3A_1082] {strides = array<i32>} : memref<256xf32, #tpu.memory_space<vmem>>, vector<16xf32>,
    %get3A_1084 = arith.constant 208 : index
    %get3A_1085 = tpu.vector_load %arg41[%get3A_1084] {strides = array<i32>} : memref<256xf32, #tpu.memory_space<vmem>>, vector<16xf32>,
    %get3A_1086 = arith.constant 208 : index
    %get3A_1087 = tpu.vector_load %arg42[%get3A_1086] {strides = array<i32>} : memref<256xf32, #tpu.memory_space<vmem>>, vector<16xf32>,
    %gather3A_1088 = tpu.vector_load_idx %arg28[%gather3A_1079] : memref<5120xf32, #tpu.memory_space<vmem>>[vector<16xi32>], vector<16xf32>,
    %mul3A_1089 = arith.mulf %get3A_1083, %gather3A_1088 : vector<16xf32>
    %gather3A_1090 = tpu.vector_load_idx %arg28[%gather3A_1080] : memref<5120xf32, #tpu.memory_space<vmem>>[vector<16xi32>], vector<16xf32>,
    %mul3A_1091 = arith.mulf %get3A_1085, %gather3A_1090 : vector<16xf32>
    %add3A_1092 = arith.addf %mul3A_1089, %mul3A_1091 : vector<16xf32>
    %gather3A_1093 = tpu.vector_load_idx %arg28[%gather3A_1081] : memref<5120xf32, #tpu.memory_space<vmem>>[vector<16xi32>], vector<16xf32>,
    %mul3A_1094 = arith.mulf %get3A_1087, %gather3A_1093 : vector<16xf32>
    %add3A_1095 = arith.addf %add3A_1092, %mul3A_1094 : vector<16xf32>
    %swap3A_1096 = arith.constant 208 : index
    %swap3A_1097 = tpu.vector_load %arg50[%swap3A_1096] {strides = array<i32>} : memref<256xf32, #tpu.memory_space<vmem>>, vector<16xf32>,
    tpu.vector_store %arg50[%swap3A_1096], %add3A_1095 {strides = array<i32>} : memref<256xf32, #tpu.memory_space<vmem>>, vector<16xf32>,
    %gather3A_1098 = tpu.vector_load_idx %arg29[%gather3A_1079] : memref<5120xf32, #tpu.memory_space<vmem>>[vector<16xi32>], vector<16xf32>,
    %mul3A_1099 = arith.mulf %get3A_1083, %gather3A_1098 : vector<16xf32>
    %gather3A_1100 = tpu.vector_load_idx %arg29[%gather3A_1080] : memref<5120xf32, #tpu.memory_space<vmem>>[vector<16xi32>], vector<16xf32>,
    %mul3A_1101 = arith.mulf %get3A_1085, %gather3A_1100 : vector<16xf32>
    %add3A_1102 = arith.addf %mul3A_1099, %mul3A_1101 : vector<16xf32>
    %gather3A_1103 = tpu.vector_load_idx %arg29[%gather3A_1081] : memref<5120xf32, #tpu.memory_space<vmem>>[vector<16xi32>], vector<16xf32>,
    %mul3A_1104 = arith.mulf %get3A_1087, %gather3A_1103 : vector<16xf32>
    %add3A_1105 = arith.addf %add3A_1102, %mul3A_1104 : vector<16xf32>
    %swap3A_1106 = arith.constant 208 : index
    %swap3A_1107 = tpu.vector_load %arg51[%swap3A_1106] {strides = array<i32>} : memref<256xf32, #tpu.memory_space<vmem>>, vector<16xf32>,
    tpu.vector_store %arg51[%swap3A_1106], %add3A_1105 {strides = array<i32>} : memref<256xf32, #tpu.memory_space<vmem>>, vector<16xf32>,
    %gather3A_1108 = tpu.vector_load_idx %arg30[%gather3A_1079] : memref<5120xf32, #tpu.memory_space<vmem>>[vector<16xi32>], vector<16xf32>,
    %mul3A_1109 = arith.mulf %get3A_1083, %gather3A_1108 : vector<16xf32>
    %gather3A_1110 = tpu.vector_load_idx %arg30[%gather3A_1080] : memref<5120xf32, #tpu.memory_space<vmem>>[vector<16xi32>], vector<16xf32>,
    %mul3A_1111 = arith.mulf %get3A_1085, %gather3A_1110 : vector<16xf32>
    %add3A_1112 = arith.addf %mul3A_1109, %mul3A_1111 : vector<16xf32>
    %gather3A_1113 = tpu.vector_load_idx %arg30[%gather3A_1081] : memref<5120xf32, #tpu.memory_space<vmem>>[vector<16xi32>], vector<16xf32>,
    %mul3A_1114 = arith.mulf %get3A_1087, %gather3A_1113 : vector<16xf32>
    %add3A_1115 = arith.addf %add3A_1112, %mul3A_1114 : vector<16xf32>
    %swap3A_1116 = arith.constant 208 : index
    %swap3A_1117 = tpu.vector_load %arg52[%swap3A_1116] {strides = array<i32>} : memref<256xf32, #tpu.memory_space<vmem>>, vector<16xf32>,
    tpu.vector_store %arg52[%swap3A_1116], %add3A_1115 {strides = array<i32>} : memref<256xf32, #tpu.memory_space<vmem>>, vector<16xf32>,
    %gather3A_1118 = tpu.vector_load_idx %arg43[%shift_right_logical3A_1078] : memref<64xf32, #tpu.memory_space<vmem>>[vector<16xi32>], vector<16xf32>,
    %swap3A_1119 = arith.constant 208 : index
    %swap3A_1120 = tpu.vector_load %arg53[%swap3A_1119] {strides = array<i32>} : memref<256xf32, #tpu.memory_space<vmem>>, vector<16xf32>,
    tpu.vector_store %arg53[%swap3A_1119], %gather3A_1118 {strides = array<i32>} : memref<256xf32, #tpu.memory_space<vmem>>, vector<16xf32>,
    %add3A_1121 = arith.constant 224 : i32
    %add3A_1122 = vector.broadcast %add3A_1121 : i32 to vector<16xi32>
    %add3A_1123 = arith.addi %iota3A, %add3A_1122 : vector<16xi32>
    %shift_right_logical3A_1124 = arith.constant 2 : i32
    %shift_right_logical3A_1125 = vector.broadcast %shift_right_logical3A_1124 : i32 to vector<16xi32>
    %shift_right_logical3A_1126 = arith.shrui %add3A_1123, %shift_right_logical3A_1125 : vector<16xi32>
    %gather3A_1127 = tpu.vector_load_idx %arg34[%shift_right_logical3A_1126] : memref<64xi32, #tpu.memory_space<vmem>>[vector<16xi32>], vector<16xi32>,
    %gather3A_1128 = tpu.vector_load_idx %arg35[%shift_right_logical3A_1126] : memref<64xi32, #tpu.memory_space<vmem>>[vector<16xi32>], vector<16xi32>,
    %gather3A_1129 = tpu.vector_load_idx %arg36[%shift_right_logical3A_1126] : memref<64xi32, #tpu.memory_space<vmem>>[vector<16xi32>], vector<16xi32>,
    %get3A_1130 = arith.constant 224 : index
    %get3A_1131 = tpu.vector_load %arg40[%get3A_1130] {strides = array<i32>} : memref<256xf32, #tpu.memory_space<vmem>>, vector<16xf32>,
    %get3A_1132 = arith.constant 224 : index
    %get3A_1133 = tpu.vector_load %arg41[%get3A_1132] {strides = array<i32>} : memref<256xf32, #tpu.memory_space<vmem>>, vector<16xf32>,
    %get3A_1134 = arith.constant 224 : index
    %get3A_1135 = tpu.vector_load %arg42[%get3A_1134] {strides = array<i32>} : memref<256xf32, #tpu.memory_space<vmem>>, vector<16xf32>,
    %gather3A_1136 = tpu.vector_load_idx %arg28[%gather3A_1127] : memref<5120xf32, #tpu.memory_space<vmem>>[vector<16xi32>], vector<16xf32>,
    %mul3A_1137 = arith.mulf %get3A_1131, %gather3A_1136 : vector<16xf32>
    %gather3A_1138 = tpu.vector_load_idx %arg28[%gather3A_1128] : memref<5120xf32, #tpu.memory_space<vmem>>[vector<16xi32>], vector<16xf32>,
    %mul3A_1139 = arith.mulf %get3A_1133, %gather3A_1138 : vector<16xf32>
    %add3A_1140 = arith.addf %mul3A_1137, %mul3A_1139 : vector<16xf32>
    %gather3A_1141 = tpu.vector_load_idx %arg28[%gather3A_1129] : memref<5120xf32, #tpu.memory_space<vmem>>[vector<16xi32>], vector<16xf32>,
    %mul3A_1142 = arith.mulf %get3A_1135, %gather3A_1141 : vector<16xf32>
    %add3A_1143 = arith.addf %add3A_1140, %mul3A_1142 : vector<16xf32>
    %swap3A_1144 = arith.constant 224 : index
    %swap3A_1145 = tpu.vector_load %arg50[%swap3A_1144] {strides = array<i32>} : memref<256xf32, #tpu.memory_space<vmem>>, vector<16xf32>,
    tpu.vector_store %arg50[%swap3A_1144], %add3A_1143 {strides = array<i32>} : memref<256xf32, #tpu.memory_space<vmem>>, vector<16xf32>,
    %gather3A_1146 = tpu.vector_load_idx %arg29[%gather3A_1127] : memref<5120xf32, #tpu.memory_space<vmem>>[vector<16xi32>], vector<16xf32>,
    %mul3A_1147 = arith.mulf %get3A_1131, %gather3A_1146 : vector<16xf32>
    %gather3A_1148 = tpu.vector_load_idx %arg29[%gather3A_1128] : memref<5120xf32, #tpu.memory_space<vmem>>[vector<16xi32>], vector<16xf32>,
    %mul3A_1149 = arith.mulf %get3A_1133, %gather3A_1148 : vector<16xf32>
    %add3A_1150 = arith.addf %mul3A_1147, %mul3A_1149 : vector<16xf32>
    %gather3A_1151 = tpu.vector_load_idx %arg29[%gather3A_1129] : memref<5120xf32, #tpu.memory_space<vmem>>[vector<16xi32>], vector<16xf32>,
    %mul3A_1152 = arith.mulf %get3A_1135, %gather3A_1151 : vector<16xf32>
    %add3A_1153 = arith.addf %add3A_1150, %mul3A_1152 : vector<16xf32>
    %swap3A_1154 = arith.constant 224 : index
    %swap3A_1155 = tpu.vector_load %arg51[%swap3A_1154] {strides = array<i32>} : memref<256xf32, #tpu.memory_space<vmem>>, vector<16xf32>,
    tpu.vector_store %arg51[%swap3A_1154], %add3A_1153 {strides = array<i32>} : memref<256xf32, #tpu.memory_space<vmem>>, vector<16xf32>,
    %gather3A_1156 = tpu.vector_load_idx %arg30[%gather3A_1127] : memref<5120xf32, #tpu.memory_space<vmem>>[vector<16xi32>], vector<16xf32>,
    %mul3A_1157 = arith.mulf %get3A_1131, %gather3A_1156 : vector<16xf32>
    %gather3A_1158 = tpu.vector_load_idx %arg30[%gather3A_1128] : memref<5120xf32, #tpu.memory_space<vmem>>[vector<16xi32>], vector<16xf32>,
    %mul3A_1159 = arith.mulf %get3A_1133, %gather3A_1158 : vector<16xf32>
    %add3A_1160 = arith.addf %mul3A_1157, %mul3A_1159 : vector<16xf32>
    %gather3A_1161 = tpu.vector_load_idx %arg30[%gather3A_1129] : memref<5120xf32, #tpu.memory_space<vmem>>[vector<16xi32>], vector<16xf32>,
    %mul3A_1162 = arith.mulf %get3A_1135, %gather3A_1161 : vector<16xf32>
    %add3A_1163 = arith.addf %add3A_1160, %mul3A_1162 : vector<16xf32>
    %swap3A_1164 = arith.constant 224 : index
    %swap3A_1165 = tpu.vector_load %arg52[%swap3A_1164] {strides = array<i32>} : memref<256xf32, #tpu.memory_space<vmem>>, vector<16xf32>,
    tpu.vector_store %arg52[%swap3A_1164], %add3A_1163 {strides = array<i32>} : memref<256xf32, #tpu.memory_space<vmem>>, vector<16xf32>,
    %gather3A_1166 = tpu.vector_load_idx %arg43[%shift_right_logical3A_1126] : memref<64xf32, #tpu.memory_space<vmem>>[vector<16xi32>], vector<16xf32>,
    %swap3A_1167 = arith.constant 224 : index
    %swap3A_1168 = tpu.vector_load %arg53[%swap3A_1167] {strides = array<i32>} : memref<256xf32, #tpu.memory_space<vmem>>, vector<16xf32>,
    tpu.vector_store %arg53[%swap3A_1167], %gather3A_1166 {strides = array<i32>} : memref<256xf32, #tpu.memory_space<vmem>>, vector<16xf32>,
    %add3A_1169 = arith.constant 240 : i32
    %add3A_1170 = vector.broadcast %add3A_1169 : i32 to vector<16xi32>
    %add3A_1171 = arith.addi %iota3A, %add3A_1170 : vector<16xi32>
    %shift_right_logical3A_1172 = arith.constant 2 : i32
    %shift_right_logical3A_1173 = vector.broadcast %shift_right_logical3A_1172 : i32 to vector<16xi32>
    %shift_right_logical3A_1174 = arith.shrui %add3A_1171, %shift_right_logical3A_1173 : vector<16xi32>
    %gather3A_1175 = tpu.vector_load_idx %arg34[%shift_right_logical3A_1174] : memref<64xi32, #tpu.memory_space<vmem>>[vector<16xi32>], vector<16xi32>,
    %gather3A_1176 = tpu.vector_load_idx %arg35[%shift_right_logical3A_1174] : memref<64xi32, #tpu.memory_space<vmem>>[vector<16xi32>], vector<16xi32>,
    %gather3A_1177 = tpu.vector_load_idx %arg36[%shift_right_logical3A_1174] : memref<64xi32, #tpu.memory_space<vmem>>[vector<16xi32>], vector<16xi32>,
    %get3A_1178 = arith.constant 240 : index
    %get3A_1179 = tpu.vector_load %arg40[%get3A_1178] {strides = array<i32>} : memref<256xf32, #tpu.memory_space<vmem>>, vector<16xf32>,
    %get3A_1180 = arith.constant 240 : index
    %get3A_1181 = tpu.vector_load %arg41[%get3A_1180] {strides = array<i32>} : memref<256xf32, #tpu.memory_space<vmem>>, vector<16xf32>,
    %get3A_1182 = arith.constant 240 : index
    %get3A_1183 = tpu.vector_load %arg42[%get3A_1182] {strides = array<i32>} : memref<256xf32, #tpu.memory_space<vmem>>, vector<16xf32>,
    %gather3A_1184 = tpu.vector_load_idx %arg28[%gather3A_1175] : memref<5120xf32, #tpu.memory_space<vmem>>[vector<16xi32>], vector<16xf32>,
    %mul3A_1185 = arith.mulf %get3A_1179, %gather3A_1184 : vector<16xf32>
    %gather3A_1186 = tpu.vector_load_idx %arg28[%gather3A_1176] : memref<5120xf32, #tpu.memory_space<vmem>>[vector<16xi32>], vector<16xf32>,
    %mul3A_1187 = arith.mulf %get3A_1181, %gather3A_1186 : vector<16xf32>
    %add3A_1188 = arith.addf %mul3A_1185, %mul3A_1187 : vector<16xf32>
    %gather3A_1189 = tpu.vector_load_idx %arg28[%gather3A_1177] : memref<5120xf32, #tpu.memory_space<vmem>>[vector<16xi32>], vector<16xf32>,
    %mul3A_1190 = arith.mulf %get3A_1183, %gather3A_1189 : vector<16xf32>
    %add3A_1191 = arith.addf %add3A_1188, %mul3A_1190 : vector<16xf32>
    %swap3A_1192 = arith.constant 240 : index
    %swap3A_1193 = tpu.vector_load %arg50[%swap3A_1192] {strides = array<i32>} : memref<256xf32, #tpu.memory_space<vmem>>, vector<16xf32>,
    tpu.vector_store %arg50[%swap3A_1192], %add3A_1191 {strides = array<i32>} : memref<256xf32, #tpu.memory_space<vmem>>, vector<16xf32>,
    %gather3A_1194 = tpu.vector_load_idx %arg29[%gather3A_1175] : memref<5120xf32, #tpu.memory_space<vmem>>[vector<16xi32>], vector<16xf32>,
    %mul3A_1195 = arith.mulf %get3A_1179, %gather3A_1194 : vector<16xf32>
    %gather3A_1196 = tpu.vector_load_idx %arg29[%gather3A_1176] : memref<5120xf32, #tpu.memory_space<vmem>>[vector<16xi32>], vector<16xf32>,
    %mul3A_1197 = arith.mulf %get3A_1181, %gather3A_1196 : vector<16xf32>
    %add3A_1198 = arith.addf %mul3A_1195, %mul3A_1197 : vector<16xf32>
    %gather3A_1199 = tpu.vector_load_idx %arg29[%gather3A_1177] : memref<5120xf32, #tpu.memory_space<vmem>>[vector<16xi32>], vector<16xf32>,
    %mul3A_1200 = arith.mulf %get3A_1183, %gather3A_1199 : vector<16xf32>
    %add3A_1201 = arith.addf %add3A_1198, %mul3A_1200 : vector<16xf32>
    %swap3A_1202 = arith.constant 240 : index
    %swap3A_1203 = tpu.vector_load %arg51[%swap3A_1202] {strides = array<i32>} : memref<256xf32, #tpu.memory_space<vmem>>, vector<16xf32>,
    tpu.vector_store %arg51[%swap3A_1202], %add3A_1201 {strides = array<i32>} : memref<256xf32, #tpu.memory_space<vmem>>, vector<16xf32>,
    %gather3A_1204 = tpu.vector_load_idx %arg30[%gather3A_1175] : memref<5120xf32, #tpu.memory_space<vmem>>[vector<16xi32>], vector<16xf32>,
    %mul3A_1205 = arith.mulf %get3A_1179, %gather3A_1204 : vector<16xf32>
    %gather3A_1206 = tpu.vector_load_idx %arg30[%gather3A_1176] : memref<5120xf32, #tpu.memory_space<vmem>>[vector<16xi32>], vector<16xf32>,
    %mul3A_1207 = arith.mulf %get3A_1181, %gather3A_1206 : vector<16xf32>
    %add3A_1208 = arith.addf %mul3A_1205, %mul3A_1207 : vector<16xf32>
    %gather3A_1209 = tpu.vector_load_idx %arg30[%gather3A_1177] : memref<5120xf32, #tpu.memory_space<vmem>>[vector<16xi32>], vector<16xf32>,
    %mul3A_1210 = arith.mulf %get3A_1183, %gather3A_1209 : vector<16xf32>
    %add3A_1211 = arith.addf %add3A_1208, %mul3A_1210 : vector<16xf32>
    %swap3A_1212 = arith.constant 240 : index
    %swap3A_1213 = tpu.vector_load %arg52[%swap3A_1212] {strides = array<i32>} : memref<256xf32, #tpu.memory_space<vmem>>, vector<16xf32>,
    tpu.vector_store %arg52[%swap3A_1212], %add3A_1211 {strides = array<i32>} : memref<256xf32, #tpu.memory_space<vmem>>, vector<16xf32>,
    %gather3A_1214 = tpu.vector_load_idx %arg43[%shift_right_logical3A_1174] : memref<64xf32, #tpu.memory_space<vmem>>[vector<16xi32>], vector<16xf32>,
    %swap3A_1215 = arith.constant 240 : index
    %swap3A_1216 = tpu.vector_load %arg53[%swap3A_1215] {strides = array<i32>} : memref<256xf32, #tpu.memory_space<vmem>>, vector<16xf32>,
    tpu.vector_store %arg53[%swap3A_1215], %gather3A_1214 {strides = array<i32>} : memref<256xf32, #tpu.memory_space<vmem>>, vector<16xf32>,
    %mul3A_1217 = arith.constant 64 : i32
    %mul3A_1218 = arith.muli %add3A, %mul3A_1217 : i32
    "tpu.region"() ({
      %run_scoped3A = tpu.sem_alloc : memref<!tpu.dma_semaphore, #tpu.memory_space<semaphore_mem>>
      %dma_start3A = tpu.memref_slice %arg18[%mul3A_1218] : memref<2048xf32, #tpu.memory_space<hbm>> -> memref<64xf32, #tpu.memory_space<hbm>>
      %dma_start3A_1237 = tpu.memref_slice %arg18[%mul3A_1218] : memref<2048xf32, #tpu.memory_space<hbm>> -> memref<64xf32, #tpu.memory_space<hbm>>
      tpu.enqueue_dma source(%arg44 : memref<64xf32, #tpu.memory_space<vmem>>) target(%dma_start3A_1237 : memref<64xf32, #tpu.memory_space<hbm>>) target_semaphore(%run_scoped3A : memref<!tpu.dma_semaphore, #tpu.memory_space<semaphore_mem>>)
      %dma_wait3A = tpu.memref_slice %arg18[%mul3A_1218] : memref<2048xf32, #tpu.memory_space<hbm>> -> memref<64xf32, #tpu.memory_space<hbm>>
      %dma_wait3A_1238 = tpu.memref_slice %arg18[%mul3A_1218] : memref<2048xf32, #tpu.memory_space<hbm>> -> memref<64xf32, #tpu.memory_space<hbm>>
      tpu.wait_dma2 semaphore(%run_scoped3A : memref<!tpu.dma_semaphore, #tpu.memory_space<semaphore_mem>>) src(%arg44 : memref<64xf32, #tpu.memory_space<vmem>>) dst(%dma_wait3A_1238 : memref<64xf32, #tpu.memory_space<hbm>>)
      tpu.yield
    }) : () -> ()
    %mul3A_1219 = arith.constant 64 : i32
    %mul3A_1220 = arith.muli %add3A, %mul3A_1219 : i32
    "tpu.region"() ({
      %run_scoped3A = tpu.sem_alloc : memref<!tpu.dma_semaphore, #tpu.memory_space<semaphore_mem>>
      %dma_start3A = tpu.memref_slice %arg19[%mul3A_1220] : memref<2048xf32, #tpu.memory_space<hbm>> -> memref<64xf32, #tpu.memory_space<hbm>>
      %dma_start3A_1237 = tpu.memref_slice %arg19[%mul3A_1220] : memref<2048xf32, #tpu.memory_space<hbm>> -> memref<64xf32, #tpu.memory_space<hbm>>
      tpu.enqueue_dma source(%arg45 : memref<64xf32, #tpu.memory_space<vmem>>) target(%dma_start3A_1237 : memref<64xf32, #tpu.memory_space<hbm>>) target_semaphore(%run_scoped3A : memref<!tpu.dma_semaphore, #tpu.memory_space<semaphore_mem>>)
      %dma_wait3A = tpu.memref_slice %arg19[%mul3A_1220] : memref<2048xf32, #tpu.memory_space<hbm>> -> memref<64xf32, #tpu.memory_space<hbm>>
      %dma_wait3A_1238 = tpu.memref_slice %arg19[%mul3A_1220] : memref<2048xf32, #tpu.memory_space<hbm>> -> memref<64xf32, #tpu.memory_space<hbm>>
      tpu.wait_dma2 semaphore(%run_scoped3A : memref<!tpu.dma_semaphore, #tpu.memory_space<semaphore_mem>>) src(%arg45 : memref<64xf32, #tpu.memory_space<vmem>>) dst(%dma_wait3A_1238 : memref<64xf32, #tpu.memory_space<hbm>>)
      tpu.yield
    }) : () -> ()
    %mul3A_1221 = arith.constant 64 : i32
    %mul3A_1222 = arith.muli %add3A, %mul3A_1221 : i32
    "tpu.region"() ({
      %run_scoped3A = tpu.sem_alloc : memref<!tpu.dma_semaphore, #tpu.memory_space<semaphore_mem>>
      %dma_start3A = tpu.memref_slice %arg20[%mul3A_1222] : memref<2048xf32, #tpu.memory_space<hbm>> -> memref<64xf32, #tpu.memory_space<hbm>>
      %dma_start3A_1237 = tpu.memref_slice %arg20[%mul3A_1222] : memref<2048xf32, #tpu.memory_space<hbm>> -> memref<64xf32, #tpu.memory_space<hbm>>
      tpu.enqueue_dma source(%arg46 : memref<64xf32, #tpu.memory_space<vmem>>) target(%dma_start3A_1237 : memref<64xf32, #tpu.memory_space<hbm>>) target_semaphore(%run_scoped3A : memref<!tpu.dma_semaphore, #tpu.memory_space<semaphore_mem>>)
      %dma_wait3A = tpu.memref_slice %arg20[%mul3A_1222] : memref<2048xf32, #tpu.memory_space<hbm>> -> memref<64xf32, #tpu.memory_space<hbm>>
      %dma_wait3A_1238 = tpu.memref_slice %arg20[%mul3A_1222] : memref<2048xf32, #tpu.memory_space<hbm>> -> memref<64xf32, #tpu.memory_space<hbm>>
      tpu.wait_dma2 semaphore(%run_scoped3A : memref<!tpu.dma_semaphore, #tpu.memory_space<semaphore_mem>>) src(%arg46 : memref<64xf32, #tpu.memory_space<vmem>>) dst(%dma_wait3A_1238 : memref<64xf32, #tpu.memory_space<hbm>>)
      tpu.yield
    }) : () -> ()
    %mul3A_1223 = arith.constant 128 : i32
    %mul3A_1224 = arith.muli %add3A, %mul3A_1223 : i32
    "tpu.region"() ({
      %run_scoped3A = tpu.sem_alloc : memref<!tpu.dma_semaphore, #tpu.memory_space<semaphore_mem>>
      %dma_start3A = tpu.memref_slice %arg21[%mul3A_1224] : memref<4096xf32, #tpu.memory_space<hbm>> -> memref<128xf32, #tpu.memory_space<hbm>>
      %dma_start3A_1237 = tpu.memref_slice %arg21[%mul3A_1224] : memref<4096xf32, #tpu.memory_space<hbm>> -> memref<128xf32, #tpu.memory_space<hbm>>
      tpu.enqueue_dma source(%arg47 : memref<128xf32, #tpu.memory_space<vmem>>) target(%dma_start3A_1237 : memref<128xf32, #tpu.memory_space<hbm>>) target_semaphore(%run_scoped3A : memref<!tpu.dma_semaphore, #tpu.memory_space<semaphore_mem>>)
      %dma_wait3A = tpu.memref_slice %arg21[%mul3A_1224] : memref<4096xf32, #tpu.memory_space<hbm>> -> memref<128xf32, #tpu.memory_space<hbm>>
      %dma_wait3A_1238 = tpu.memref_slice %arg21[%mul3A_1224] : memref<4096xf32, #tpu.memory_space<hbm>> -> memref<128xf32, #tpu.memory_space<hbm>>
      tpu.wait_dma2 semaphore(%run_scoped3A : memref<!tpu.dma_semaphore, #tpu.memory_space<semaphore_mem>>) src(%arg47 : memref<128xf32, #tpu.memory_space<vmem>>) dst(%dma_wait3A_1238 : memref<128xf32, #tpu.memory_space<hbm>>)
      tpu.yield
    }) : () -> ()
    %mul3A_1225 = arith.constant 128 : i32
    %mul3A_1226 = arith.muli %add3A, %mul3A_1225 : i32
    "tpu.region"() ({
      %run_scoped3A = tpu.sem_alloc : memref<!tpu.dma_semaphore, #tpu.memory_space<semaphore_mem>>
      %dma_start3A = tpu.memref_slice %arg22[%mul3A_1226] : memref<4096xf32, #tpu.memory_space<hbm>> -> memref<128xf32, #tpu.memory_space<hbm>>
      %dma_start3A_1237 = tpu.memref_slice %arg22[%mul3A_1226] : memref<4096xf32, #tpu.memory_space<hbm>> -> memref<128xf32, #tpu.memory_space<hbm>>
      tpu.enqueue_dma source(%arg48 : memref<128xf32, #tpu.memory_space<vmem>>) target(%dma_start3A_1237 : memref<128xf32, #tpu.memory_space<hbm>>) target_semaphore(%run_scoped3A : memref<!tpu.dma_semaphore, #tpu.memory_space<semaphore_mem>>)
      %dma_wait3A = tpu.memref_slice %arg22[%mul3A_1226] : memref<4096xf32, #tpu.memory_space<hbm>> -> memref<128xf32, #tpu.memory_space<hbm>>
      %dma_wait3A_1238 = tpu.memref_slice %arg22[%mul3A_1226] : memref<4096xf32, #tpu.memory_space<hbm>> -> memref<128xf32, #tpu.memory_space<hbm>>
      tpu.wait_dma2 semaphore(%run_scoped3A : memref<!tpu.dma_semaphore, #tpu.memory_space<semaphore_mem>>) src(%arg48 : memref<128xf32, #tpu.memory_space<vmem>>) dst(%dma_wait3A_1238 : memref<128xf32, #tpu.memory_space<hbm>>)
      tpu.yield
    }) : () -> ()
    %mul3A_1227 = arith.constant 128 : i32
    %mul3A_1228 = arith.muli %add3A, %mul3A_1227 : i32
    "tpu.region"() ({
      %run_scoped3A = tpu.sem_alloc : memref<!tpu.dma_semaphore, #tpu.memory_space<semaphore_mem>>
      %dma_start3A = tpu.memref_slice %arg23[%mul3A_1228] : memref<4096xf32, #tpu.memory_space<hbm>> -> memref<128xf32, #tpu.memory_space<hbm>>
      %dma_start3A_1237 = tpu.memref_slice %arg23[%mul3A_1228] : memref<4096xf32, #tpu.memory_space<hbm>> -> memref<128xf32, #tpu.memory_space<hbm>>
      tpu.enqueue_dma source(%arg49 : memref<128xf32, #tpu.memory_space<vmem>>) target(%dma_start3A_1237 : memref<128xf32, #tpu.memory_space<hbm>>) target_semaphore(%run_scoped3A : memref<!tpu.dma_semaphore, #tpu.memory_space<semaphore_mem>>)
      %dma_wait3A = tpu.memref_slice %arg23[%mul3A_1228] : memref<4096xf32, #tpu.memory_space<hbm>> -> memref<128xf32, #tpu.memory_space<hbm>>
      %dma_wait3A_1238 = tpu.memref_slice %arg23[%mul3A_1228] : memref<4096xf32, #tpu.memory_space<hbm>> -> memref<128xf32, #tpu.memory_space<hbm>>
      tpu.wait_dma2 semaphore(%run_scoped3A : memref<!tpu.dma_semaphore, #tpu.memory_space<semaphore_mem>>) src(%arg49 : memref<128xf32, #tpu.memory_space<vmem>>) dst(%dma_wait3A_1238 : memref<128xf32, #tpu.memory_space<hbm>>)
      tpu.yield
    }) : () -> ()
    %mul3A_1229 = arith.constant 256 : i32
    %mul3A_1230 = arith.muli %add3A, %mul3A_1229 : i32
    "tpu.region"() ({
      %run_scoped3A = tpu.sem_alloc : memref<!tpu.dma_semaphore, #tpu.memory_space<semaphore_mem>>
      %dma_start3A = tpu.memref_slice %arg24[%mul3A_1230] : memref<8192xf32, #tpu.memory_space<hbm>> -> memref<256xf32, #tpu.memory_space<hbm>>
      %dma_start3A_1237 = tpu.memref_slice %arg24[%mul3A_1230] : memref<8192xf32, #tpu.memory_space<hbm>> -> memref<256xf32, #tpu.memory_space<hbm>>
      tpu.enqueue_dma source(%arg50 : memref<256xf32, #tpu.memory_space<vmem>>) target(%dma_start3A_1237 : memref<256xf32, #tpu.memory_space<hbm>>) target_semaphore(%run_scoped3A : memref<!tpu.dma_semaphore, #tpu.memory_space<semaphore_mem>>)
      %dma_wait3A = tpu.memref_slice %arg24[%mul3A_1230] : memref<8192xf32, #tpu.memory_space<hbm>> -> memref<256xf32, #tpu.memory_space<hbm>>
      %dma_wait3A_1238 = tpu.memref_slice %arg24[%mul3A_1230] : memref<8192xf32, #tpu.memory_space<hbm>> -> memref<256xf32, #tpu.memory_space<hbm>>
      tpu.wait_dma2 semaphore(%run_scoped3A : memref<!tpu.dma_semaphore, #tpu.memory_space<semaphore_mem>>) src(%arg50 : memref<256xf32, #tpu.memory_space<vmem>>) dst(%dma_wait3A_1238 : memref<256xf32, #tpu.memory_space<hbm>>)
      tpu.yield
    }) : () -> ()
    %mul3A_1231 = arith.constant 256 : i32
    %mul3A_1232 = arith.muli %add3A, %mul3A_1231 : i32
    "tpu.region"() ({
      %run_scoped3A = tpu.sem_alloc : memref<!tpu.dma_semaphore, #tpu.memory_space<semaphore_mem>>
      %dma_start3A = tpu.memref_slice %arg25[%mul3A_1232] : memref<8192xf32, #tpu.memory_space<hbm>> -> memref<256xf32, #tpu.memory_space<hbm>>
      %dma_start3A_1237 = tpu.memref_slice %arg25[%mul3A_1232] : memref<8192xf32, #tpu.memory_space<hbm>> -> memref<256xf32, #tpu.memory_space<hbm>>
      tpu.enqueue_dma source(%arg51 : memref<256xf32, #tpu.memory_space<vmem>>) target(%dma_start3A_1237 : memref<256xf32, #tpu.memory_space<hbm>>) target_semaphore(%run_scoped3A : memref<!tpu.dma_semaphore, #tpu.memory_space<semaphore_mem>>)
      %dma_wait3A = tpu.memref_slice %arg25[%mul3A_1232] : memref<8192xf32, #tpu.memory_space<hbm>> -> memref<256xf32, #tpu.memory_space<hbm>>
      %dma_wait3A_1238 = tpu.memref_slice %arg25[%mul3A_1232] : memref<8192xf32, #tpu.memory_space<hbm>> -> memref<256xf32, #tpu.memory_space<hbm>>
      tpu.wait_dma2 semaphore(%run_scoped3A : memref<!tpu.dma_semaphore, #tpu.memory_space<semaphore_mem>>) src(%arg51 : memref<256xf32, #tpu.memory_space<vmem>>) dst(%dma_wait3A_1238 : memref<256xf32, #tpu.memory_space<hbm>>)
      tpu.yield
    }) : () -> ()
    %mul3A_1233 = arith.constant 256 : i32
    %mul3A_1234 = arith.muli %add3A, %mul3A_1233 : i32
    "tpu.region"() ({
      %run_scoped3A = tpu.sem_alloc : memref<!tpu.dma_semaphore, #tpu.memory_space<semaphore_mem>>
      %dma_start3A = tpu.memref_slice %arg26[%mul3A_1234] : memref<8192xf32, #tpu.memory_space<hbm>> -> memref<256xf32, #tpu.memory_space<hbm>>
      %dma_start3A_1237 = tpu.memref_slice %arg26[%mul3A_1234] : memref<8192xf32, #tpu.memory_space<hbm>> -> memref<256xf32, #tpu.memory_space<hbm>>
      tpu.enqueue_dma source(%arg52 : memref<256xf32, #tpu.memory_space<vmem>>) target(%dma_start3A_1237 : memref<256xf32, #tpu.memory_space<hbm>>) target_semaphore(%run_scoped3A : memref<!tpu.dma_semaphore, #tpu.memory_space<semaphore_mem>>)
      %dma_wait3A = tpu.memref_slice %arg26[%mul3A_1234] : memref<8192xf32, #tpu.memory_space<hbm>> -> memref<256xf32, #tpu.memory_space<hbm>>
      %dma_wait3A_1238 = tpu.memref_slice %arg26[%mul3A_1234] : memref<8192xf32, #tpu.memory_space<hbm>> -> memref<256xf32, #tpu.memory_space<hbm>>
      tpu.wait_dma2 semaphore(%run_scoped3A : memref<!tpu.dma_semaphore, #tpu.memory_space<semaphore_mem>>) src(%arg52 : memref<256xf32, #tpu.memory_space<vmem>>) dst(%dma_wait3A_1238 : memref<256xf32, #tpu.memory_space<hbm>>)
      tpu.yield
    }) : () -> ()
    %mul3A_1235 = arith.constant 256 : i32
    %mul3A_1236 = arith.muli %add3A, %mul3A_1235 : i32
    "tpu.region"() ({
      %run_scoped3A = tpu.sem_alloc : memref<!tpu.dma_semaphore, #tpu.memory_space<semaphore_mem>>
      %dma_start3A = tpu.memref_slice %arg27[%mul3A_1236] : memref<8192xf32, #tpu.memory_space<hbm>> -> memref<256xf32, #tpu.memory_space<hbm>>
      %dma_start3A_1237 = tpu.memref_slice %arg27[%mul3A_1236] : memref<8192xf32, #tpu.memory_space<hbm>> -> memref<256xf32, #tpu.memory_space<hbm>>
      tpu.enqueue_dma source(%arg53 : memref<256xf32, #tpu.memory_space<vmem>>) target(%dma_start3A_1237 : memref<256xf32, #tpu.memory_space<hbm>>) target_semaphore(%run_scoped3A : memref<!tpu.dma_semaphore, #tpu.memory_space<semaphore_mem>>)
      %dma_wait3A = tpu.memref_slice %arg27[%mul3A_1236] : memref<8192xf32, #tpu.memory_space<hbm>> -> memref<256xf32, #tpu.memory_space<hbm>>
      %dma_wait3A_1238 = tpu.memref_slice %arg27[%mul3A_1236] : memref<8192xf32, #tpu.memory_space<hbm>> -> memref<256xf32, #tpu.memory_space<hbm>>
      tpu.wait_dma2 semaphore(%run_scoped3A : memref<!tpu.dma_semaphore, #tpu.memory_space<semaphore_mem>>) src(%arg53 : memref<256xf32, #tpu.memory_space<vmem>>) dst(%dma_wait3A_1238 : memref<256xf32, #tpu.memory_space<hbm>>)
      tpu.yield
    }) : () -> ()
    return
  }
}

module attributes {stable_mosaic.version = 14 : i64} {
  func.func @_tc_loss_body(%arg0: i32, %arg1: memref<256xf32, #tpu.memory_space<vmem>>, %arg2: memref<256xf32, #tpu.memory_space<vmem>>, %arg3: memref<256xf32, #tpu.memory_space<vmem>>, %arg4: memref<256xf32, #tpu.memory_space<vmem>>, %arg5: memref<256xf32, #tpu.memory_space<vmem>>, %arg6: memref<256xf32, #tpu.memory_space<vmem>>, %arg7: memref<256xf32, #tpu.memory_space<vmem>>, %arg8: memref<256xf32, #tpu.memory_space<vmem>>, %arg9: memref<4096xf32, #tpu.memory_space<vmem>>, %arg10: memref<4096xf32, #tpu.memory_space<vmem>>, %arg11: memref<4096xf32, #tpu.memory_space<vmem>>, %arg12: memref<2048xf32, #tpu.memory_space<vmem>>, %arg13: memref<2048xf32, #tpu.memory_space<vmem>>, %arg14: memref<2048xf32, #tpu.memory_space<vmem>>, %arg15: memref<2048xf32, #tpu.memory_space<vmem>>, %arg16: memref<1x1xf32, #tpu.memory_space<vmem>>) attributes {dimension_semantics = [#tpu.dimension_semantics<arbitrary>], iteration_bounds = array<i64: 32>, scalar_prefetch = 0 : i64, scratch_operands = 0 : i64, tpu.core_type = #tpu.core_type<tc>, window_params = [{transform_indices = @transform_0, window_bounds = array<i64: 256>}, {transform_indices = @transform_1, window_bounds = array<i64: 256>}, {transform_indices = @transform_2, window_bounds = array<i64: 256>}, {transform_indices = @transform_3, window_bounds = array<i64: 256>}, {transform_indices = @transform_4, window_bounds = array<i64: 256>}, {transform_indices = @transform_5, window_bounds = array<i64: 256>}, {transform_indices = @transform_6, window_bounds = array<i64: 256>}, {transform_indices = @transform_7, window_bounds = array<i64: 256>}, {pipeline_mode = #tpu.pipeline_mode<synchronous>, transform_indices = @transform_8, window_bounds = array<i64: 4096>}, {pipeline_mode = #tpu.pipeline_mode<synchronous>, transform_indices = @transform_9, window_bounds = array<i64: 4096>}, {pipeline_mode = #tpu.pipeline_mode<synchronous>, transform_indices = @transform_10, window_bounds = array<i64: 4096>}, {pipeline_mode = #tpu.pipeline_mode<synchronous>, transform_indices = @transform_11, window_bounds = array<i64: 2048>}, {pipeline_mode = #tpu.pipeline_mode<synchronous>, transform_indices = @transform_12, window_bounds = array<i64: 2048>}, {pipeline_mode = #tpu.pipeline_mode<synchronous>, transform_indices = @transform_13, window_bounds = array<i64: 2048>}, {pipeline_mode = #tpu.pipeline_mode<synchronous>, transform_indices = @transform_14, window_bounds = array<i64: 2048>}, {pipeline_mode = #tpu.pipeline_mode<synchronous>, transform_indices = @transform_15, window_bounds = array<i64: 1, 1>}]} {
    %eq3A = arith.constant 0 : i32
    %eq3A_0 = arith.cmpi eq, %arg0, %eq3A : i32
    %convert_element_type3A = arith.extui %eq3A_0 : i1 to i32
    %cond3A = arith.constant 0 : i32
    %cond3A_1 = arith.cmpi ne, %convert_element_type3A, %cond3A : i32
    scf.if %cond3A_1 {
      %broadcast_in_dim3A_215 = arith.constant 0.000000e+00 : f32
      %broadcast_in_dim3A_216 = vector.broadcast %broadcast_in_dim3A_215 : f32 to vector<1x1xf32>
      %swap3A_217 = arith.constant 0 : index
      %swap3A_218 = arith.constant 0 : index
      %swap3A_219 = vector.load %arg16[%swap3A_217, %swap3A_218] : memref<1x1xf32, #tpu.memory_space<vmem>>, vector<1x1xf32>
      tpu.vector_store %arg16[%swap3A_217, %swap3A_218], %broadcast_in_dim3A_216 {strides = array<i32>} : memref<1x1xf32, #tpu.memory_space<vmem>>, vector<1x1xf32>,
    } else {
    }
    %get3A = arith.constant 0 : index
    %get3A_2 = vector.load %arg9[%get3A] : memref<4096xf32, #tpu.memory_space<vmem>>, vector<4096xf32>
    %reshape3A = vector.shape_cast %get3A_2 : vector<4096xf32> to vector<1x4096xf32>
    %convert_element_type3A_3 = arith.truncf %reshape3A : vector<1x4096xf32> to vector<1x4096xbf16>
    %get3A_4 = arith.constant 0 : index
    %get3A_5 = vector.load %arg10[%get3A_4] : memref<4096xf32, #tpu.memory_space<vmem>>, vector<4096xf32>
    %reshape3A_6 = vector.shape_cast %get3A_5 : vector<4096xf32> to vector<1x4096xf32>
    %convert_element_type3A_7 = arith.truncf %reshape3A_6 : vector<1x4096xf32> to vector<1x4096xbf16>
    %get3A_8 = arith.constant 0 : index
    %get3A_9 = vector.load %arg11[%get3A_8] : memref<4096xf32, #tpu.memory_space<vmem>>, vector<4096xf32>
    %reshape3A_10 = vector.shape_cast %get3A_9 : vector<4096xf32> to vector<1x4096xf32>
    %convert_element_type3A_11 = arith.truncf %reshape3A_10 : vector<1x4096xf32> to vector<1x4096xbf16>
    %get3A_12 = arith.constant 0 : index
    %get3A_13 = vector.load %arg12[%get3A_12] : memref<2048xf32, #tpu.memory_space<vmem>>, vector<2048xf32>
    %reshape3A_14 = vector.shape_cast %get3A_13 : vector<2048xf32> to vector<1x2048xf32>
    %get3A_15 = arith.constant 0 : index
    %get3A_16 = vector.load %arg13[%get3A_15] : memref<2048xf32, #tpu.memory_space<vmem>>, vector<2048xf32>
    %reshape3A_17 = vector.shape_cast %get3A_16 : vector<2048xf32> to vector<1x2048xf32>
    %get3A_18 = arith.constant 0 : index
    %get3A_19 = vector.load %arg14[%get3A_18] : memref<2048xf32, #tpu.memory_space<vmem>>, vector<2048xf32>
    %reshape3A_20 = vector.shape_cast %get3A_19 : vector<2048xf32> to vector<1x2048xf32>
    %mul3A = arith.mulf %reshape3A_14, %reshape3A_14 : vector<1x2048xf32>
    %mul3A_21 = arith.mulf %reshape3A_17, %reshape3A_17 : vector<1x2048xf32>
    %add3A = arith.addf %mul3A, %mul3A_21 : vector<1x2048xf32>
    %mul3A_22 = arith.mulf %reshape3A_20, %reshape3A_20 : vector<1x2048xf32>
    %add3A_23 = arith.addf %add3A, %mul3A_22 : vector<1x2048xf32>
    %get3A_24 = arith.constant 0 : index
    %get3A_25 = vector.load %arg1[%get3A_24] : memref<256xf32, #tpu.memory_space<vmem>>, vector<256xf32>
    %reshape3A_26 = vector.shape_cast %get3A_25 : vector<256xf32> to vector<256x1xf32>
    %get3A_27 = arith.constant 0 : index
    %get3A_28 = vector.load %arg2[%get3A_27] : memref<256xf32, #tpu.memory_space<vmem>>, vector<256xf32>
    %reshape3A_29 = vector.shape_cast %get3A_28 : vector<256xf32> to vector<256x1xf32>
    %get3A_30 = arith.constant 0 : index
    %get3A_31 = vector.load %arg3[%get3A_30] : memref<256xf32, #tpu.memory_space<vmem>>, vector<256xf32>
    %reshape3A_32 = vector.shape_cast %get3A_31 : vector<256xf32> to vector<256x1xf32>
    %mul3A_33 = arith.mulf %reshape3A_26, %reshape3A_26 : vector<256x1xf32>
    %mul3A_34 = arith.mulf %reshape3A_29, %reshape3A_29 : vector<256x1xf32>
    %add3A_35 = arith.addf %mul3A_33, %mul3A_34 : vector<256x1xf32>
    %mul3A_36 = arith.mulf %reshape3A_32, %reshape3A_32 : vector<256x1xf32>
    %add3A_37 = arith.addf %add3A_35, %mul3A_36 : vector<256x1xf32>
    %mul3A_38 = arith.constant -2.000000e+00 : f32
    %mul3A_39 = vector.broadcast %mul3A_38 : f32 to vector<256x1xf32>
    %mul3A_40 = arith.mulf %mul3A_39, %reshape3A_26 : vector<256x1xf32>
    %mul3A_41 = arith.constant -2.000000e+00 : f32
    %mul3A_42 = vector.broadcast %mul3A_41 : f32 to vector<256x1xf32>
    %mul3A_43 = arith.mulf %mul3A_42, %reshape3A_29 : vector<256x1xf32>
    %mul3A_44 = arith.constant -2.000000e+00 : f32
    %mul3A_45 = vector.broadcast %mul3A_44 : f32 to vector<256x1xf32>
    %mul3A_46 = arith.mulf %mul3A_45, %reshape3A_32 : vector<256x1xf32>
    %convert_element_type3A_47 = arith.truncf %reshape3A_26 : vector<256x1xf32> to vector<256x1xbf16>
    %convert_element_type3A_48 = arith.truncf %reshape3A_29 : vector<256x1xf32> to vector<256x1xbf16>
    %convert_element_type3A_49 = arith.truncf %reshape3A_32 : vector<256x1xf32> to vector<256x1xbf16>
    %slice3A = vector.extract_strided_slice %convert_element_type3A_3 {offsets = [0, 0], sizes = [1, 2048], strides = [1, 1]} : vector<1x4096xbf16> to vector<1x2048xbf16>
    %sub3A = vector.broadcast %convert_element_type3A_47 : vector<256x1xbf16> to vector<256x2048xbf16>
    %sub3A_50 = vector.broadcast %slice3A : vector<1x2048xbf16> to vector<256x2048xbf16>
    %sub3A_51 = arith.subf %sub3A, %sub3A_50 : vector<256x2048xbf16>
    %slice3A_52 = vector.extract_strided_slice %convert_element_type3A_7 {offsets = [0, 0], sizes = [1, 2048], strides = [1, 1]} : vector<1x4096xbf16> to vector<1x2048xbf16>
    %sub3A_53 = vector.broadcast %convert_element_type3A_48 : vector<256x1xbf16> to vector<256x2048xbf16>
    %sub3A_54 = vector.broadcast %slice3A_52 : vector<1x2048xbf16> to vector<256x2048xbf16>
    %sub3A_55 = arith.subf %sub3A_53, %sub3A_54 : vector<256x2048xbf16>
    %slice3A_56 = vector.extract_strided_slice %convert_element_type3A_11 {offsets = [0, 0], sizes = [1, 2048], strides = [1, 1]} : vector<1x4096xbf16> to vector<1x2048xbf16>
    %sub3A_57 = vector.broadcast %convert_element_type3A_49 : vector<256x1xbf16> to vector<256x2048xbf16>
    %sub3A_58 = vector.broadcast %slice3A_56 : vector<1x2048xbf16> to vector<256x2048xbf16>
    %sub3A_59 = arith.subf %sub3A_57, %sub3A_58 : vector<256x2048xbf16>
    %mul3A_60 = arith.mulf %sub3A_51, %sub3A_51 : vector<256x2048xbf16>
    %mul3A_61 = arith.mulf %sub3A_55, %sub3A_55 : vector<256x2048xbf16>
    %mul3A_62 = arith.mulf %sub3A_59, %sub3A_59 : vector<256x2048xbf16>
    %add3A_63 = arith.addf %mul3A_61, %mul3A_62 : vector<256x2048xbf16>
    %add3A_64 = arith.addf %mul3A_60, %add3A_63 : vector<256x2048xbf16>
    %reduce_min3A = arith.constant dense<0x7F80> : vector<256xbf16>
    %reduce_min3A_65 = vector.multi_reduction <minimumf>, %add3A_64, %reduce_min3A [1] : vector<256x2048xbf16> to vector<256xbf16>
    %broadcast_in_dim3A = vector.shape_cast %reduce_min3A_65 : vector<256xbf16> to vector<256x1xbf16>
    %slice3A_66 = vector.extract_strided_slice %convert_element_type3A_3 {offsets = [0, 2048], sizes = [1, 2048], strides = [1, 1]} : vector<1x4096xbf16> to vector<1x2048xbf16>
    %sub3A_67 = vector.broadcast %convert_element_type3A_47 : vector<256x1xbf16> to vector<256x2048xbf16>
    %sub3A_68 = vector.broadcast %slice3A_66 : vector<1x2048xbf16> to vector<256x2048xbf16>
    %sub3A_69 = arith.subf %sub3A_67, %sub3A_68 : vector<256x2048xbf16>
    %slice3A_70 = vector.extract_strided_slice %convert_element_type3A_7 {offsets = [0, 2048], sizes = [1, 2048], strides = [1, 1]} : vector<1x4096xbf16> to vector<1x2048xbf16>
    %sub3A_71 = vector.broadcast %convert_element_type3A_48 : vector<256x1xbf16> to vector<256x2048xbf16>
    %sub3A_72 = vector.broadcast %slice3A_70 : vector<1x2048xbf16> to vector<256x2048xbf16>
    %sub3A_73 = arith.subf %sub3A_71, %sub3A_72 : vector<256x2048xbf16>
    %slice3A_74 = vector.extract_strided_slice %convert_element_type3A_11 {offsets = [0, 2048], sizes = [1, 2048], strides = [1, 1]} : vector<1x4096xbf16> to vector<1x2048xbf16>
    %sub3A_75 = vector.broadcast %convert_element_type3A_49 : vector<256x1xbf16> to vector<256x2048xbf16>
    %sub3A_76 = vector.broadcast %slice3A_74 : vector<1x2048xbf16> to vector<256x2048xbf16>
    %sub3A_77 = arith.subf %sub3A_75, %sub3A_76 : vector<256x2048xbf16>
    %mul3A_78 = arith.mulf %sub3A_69, %sub3A_69 : vector<256x2048xbf16>
    %mul3A_79 = arith.mulf %sub3A_73, %sub3A_73 : vector<256x2048xbf16>
    %mul3A_80 = arith.mulf %sub3A_77, %sub3A_77 : vector<256x2048xbf16>
    %add3A_81 = arith.addf %mul3A_79, %mul3A_80 : vector<256x2048xbf16>
    %add3A_82 = arith.addf %mul3A_78, %add3A_81 : vector<256x2048xbf16>
    %reduce_min3A_83 = arith.constant dense<0x7F80> : vector<256xbf16>
    %reduce_min3A_84 = vector.multi_reduction <minimumf>, %add3A_82, %reduce_min3A_83 [1] : vector<256x2048xbf16> to vector<256xbf16>
    %broadcast_in_dim3A_85 = vector.shape_cast %reduce_min3A_84 : vector<256xbf16> to vector<256x1xbf16>
    %min3A = arith.minimumf %broadcast_in_dim3A, %broadcast_in_dim3A_85 : vector<256x1xbf16>
    %convert_element_type3A_86 = arith.extf %min3A : vector<256x1xbf16> to vector<256x1xf32>
    %max3A = arith.constant 0.000000e+00 : f32
    %max3A_87 = vector.broadcast %max3A : f32 to vector<256x1xf32>
    %max3A_88 = arith.maximumf %convert_element_type3A_86, %max3A_87 : vector<256x1xf32>
    %mul3A_89 = vector.broadcast %mul3A_40 : vector<256x1xf32> to vector<256x2048xf32>
    %mul3A_90 = vector.broadcast %reshape3A_14 : vector<1x2048xf32> to vector<256x2048xf32>
    %mul3A_91 = arith.mulf %mul3A_89, %mul3A_90 : vector<256x2048xf32>
    %mul3A_92 = vector.broadcast %mul3A_43 : vector<256x1xf32> to vector<256x2048xf32>
    %mul3A_93 = vector.broadcast %reshape3A_17 : vector<1x2048xf32> to vector<256x2048xf32>
    %mul3A_94 = arith.mulf %mul3A_92, %mul3A_93 : vector<256x2048xf32>
    %mul3A_95 = vector.broadcast %mul3A_46 : vector<256x1xf32> to vector<256x2048xf32>
    %mul3A_96 = vector.broadcast %reshape3A_20 : vector<1x2048xf32> to vector<256x2048xf32>
    %mul3A_97 = arith.mulf %mul3A_95, %mul3A_96 : vector<256x2048xf32>
    %add3A_98 = vector.broadcast %add3A_37 : vector<256x1xf32> to vector<256x2048xf32>
    %add3A_99 = vector.broadcast %add3A_23 : vector<1x2048xf32> to vector<256x2048xf32>
    %add3A_100 = arith.addf %add3A_98, %add3A_99 : vector<256x2048xf32>
    %add3A_101 = arith.addf %mul3A_97, %add3A_100 : vector<256x2048xf32>
    %add3A_102 = arith.addf %mul3A_94, %add3A_101 : vector<256x2048xf32>
    %add3A_103 = arith.addf %mul3A_91, %add3A_102 : vector<256x2048xf32>
    %reduce_min3A_104 = arith.constant dense<0x7F800000> : vector<256xf32>
    %reduce_min3A_105 = vector.multi_reduction <minimumf>, %add3A_103, %reduce_min3A_104 [1] : vector<256x2048xf32> to vector<256xf32>
    %broadcast_in_dim3A_106 = vector.shape_cast %reduce_min3A_105 : vector<256xf32> to vector<256x1xf32>
    %gt3A = vector.broadcast %broadcast_in_dim3A_106 : vector<256x1xf32> to vector<256x2048xf32>
    %gt3A_107 = arith.cmpf ogt, %add3A_103, %gt3A : vector<256x2048xf32>
    %jit3A = arith.constant 3.000000e+38 : f32
    %broadcast_in_dim3A_108 = vector.broadcast %jit3A : f32 to vector<256x2048xf32>
    %select_n3A = arith.select %gt3A_107, %add3A_103, %broadcast_in_dim3A_108 : vector<256x2048xi1>, vector<256x2048xf32>
    %reduce_min3A_109 = arith.constant dense<0x7F800000> : vector<256xf32>
    %reduce_min3A_110 = vector.multi_reduction <minimumf>, %select_n3A, %reduce_min3A_109 [1] : vector<256x2048xf32> to vector<256xf32>
    %broadcast_in_dim3A_111 = vector.shape_cast %reduce_min3A_110 : vector<256xf32> to vector<256x1xf32>
    %gt3A_112 = vector.broadcast %broadcast_in_dim3A_111 : vector<256x1xf32> to vector<256x2048xf32>
    %gt3A_113 = arith.cmpf ogt, %add3A_103, %gt3A_112 : vector<256x2048xf32>
    %jit3A_114 = arith.constant 3.000000e+38 : f32
    %broadcast_in_dim3A_115 = vector.broadcast %jit3A_114 : f32 to vector<256x2048xf32>
    %select_n3A_116 = arith.select %gt3A_113, %add3A_103, %broadcast_in_dim3A_115 : vector<256x2048xi1>, vector<256x2048xf32>
    %reduce_min3A_117 = arith.constant dense<0x7F800000> : vector<256xf32>
    %reduce_min3A_118 = vector.multi_reduction <minimumf>, %select_n3A_116, %reduce_min3A_117 [1] : vector<256x2048xf32> to vector<256xf32>
    %broadcast_in_dim3A_119 = vector.shape_cast %reduce_min3A_118 : vector<256xf32> to vector<256x1xf32>
    %gt3A_120 = vector.broadcast %broadcast_in_dim3A_119 : vector<256x1xf32> to vector<256x2048xf32>
    %gt3A_121 = arith.cmpf ogt, %add3A_103, %gt3A_120 : vector<256x2048xf32>
    %jit3A_122 = arith.constant 3.000000e+38 : f32
    %broadcast_in_dim3A_123 = vector.broadcast %jit3A_122 : f32 to vector<256x2048xf32>
    %select_n3A_124 = arith.select %gt3A_121, %add3A_103, %broadcast_in_dim3A_123 : vector<256x2048xi1>, vector<256x2048xf32>
    %reduce_min3A_125 = arith.constant dense<0x7F800000> : vector<256xf32>
    %reduce_min3A_126 = vector.multi_reduction <minimumf>, %select_n3A_124, %reduce_min3A_125 [1] : vector<256x2048xf32> to vector<256xf32>
    %broadcast_in_dim3A_127 = vector.shape_cast %reduce_min3A_126 : vector<256xf32> to vector<256x1xf32>
    %gt3A_128 = vector.broadcast %broadcast_in_dim3A_127 : vector<256x1xf32> to vector<256x2048xf32>
    %gt3A_129 = arith.cmpf ogt, %add3A_103, %gt3A_128 : vector<256x2048xf32>
    %jit3A_130 = arith.constant 3.000000e+38 : f32
    %broadcast_in_dim3A_131 = vector.broadcast %jit3A_130 : f32 to vector<256x2048xf32>
    %select_n3A_132 = arith.select %gt3A_129, %add3A_103, %broadcast_in_dim3A_131 : vector<256x2048xi1>, vector<256x2048xf32>
    %reduce_min3A_133 = arith.constant dense<0x7F800000> : vector<256xf32>
    %reduce_min3A_134 = vector.multi_reduction <minimumf>, %select_n3A_132, %reduce_min3A_133 [1] : vector<256x2048xf32> to vector<256xf32>
    %broadcast_in_dim3A_135 = vector.shape_cast %reduce_min3A_134 : vector<256xf32> to vector<256x1xf32>
    %gt3A_136 = vector.broadcast %broadcast_in_dim3A_135 : vector<256x1xf32> to vector<256x2048xf32>
    %gt3A_137 = arith.cmpf ogt, %add3A_103, %gt3A_136 : vector<256x2048xf32>
    %jit3A_138 = arith.constant 3.000000e+38 : f32
    %broadcast_in_dim3A_139 = vector.broadcast %jit3A_138 : f32 to vector<256x2048xf32>
    %select_n3A_140 = arith.select %gt3A_137, %add3A_103, %broadcast_in_dim3A_139 : vector<256x2048xi1>, vector<256x2048xf32>
    %reduce_min3A_141 = arith.constant dense<0x7F800000> : vector<256xf32>
    %reduce_min3A_142 = vector.multi_reduction <minimumf>, %select_n3A_140, %reduce_min3A_141 [1] : vector<256x2048xf32> to vector<256xf32>
    %broadcast_in_dim3A_143 = vector.shape_cast %reduce_min3A_142 : vector<256xf32> to vector<256x1xf32>
    %iota3A = tpu.iota {dimensions = array<i32: 1>} : vector<256x2048xi32>
    %iota3A_144 = tpu.iota {dimensions = array<i32: 0>} : vector<256x1xi32>
    %mul3A_145 = arith.constant 256 : i32
    %mul3A_146 = arith.muli %arg0, %mul3A_145 : i32
    %add3A_147 = vector.broadcast %mul3A_146 : i32 to vector<256x1xi32>
    %add3A_148 = arith.addi %iota3A_144, %add3A_147 : vector<256x1xi32>
    %shift_right_logical3A = arith.constant 2 : i32
    %shift_right_logical3A_149 = vector.broadcast %shift_right_logical3A : i32 to vector<256x1xi32>
    %shift_right_logical3A_150 = arith.shrui %add3A_148, %shift_right_logical3A_149 : vector<256x1xi32>
    %get3A_151 = arith.constant 0 : index
    %get3A_152 = vector.load %arg15[%get3A_151] : memref<2048xf32, #tpu.memory_space<vmem>>, vector<2048xf32>
    %reshape3A_153 = vector.shape_cast %get3A_152 : vector<2048xf32> to vector<1x2048xf32>
    %max3A_154 = arith.constant 0.000000e+00 : f32
    %max3A_155 = vector.broadcast %max3A_154 : f32 to vector<256x2048xf32>
    %max3A_156 = arith.maximumf %add3A_103, %max3A_155 : vector<256x2048xf32>
    %mul3A_157 = vector.broadcast %reshape3A_153 : vector<1x2048xf32> to vector<256x2048xf32>
    %mul3A_158 = arith.mulf %mul3A_157, %max3A_156 : vector<256x2048xf32>
    %le3A = vector.broadcast %broadcast_in_dim3A_143 : vector<256x1xf32> to vector<256x2048xf32>
    %le3A_159 = arith.cmpf ole, %add3A_103, %le3A : vector<256x2048xf32>
    %eq3A_160 = vector.broadcast %shift_right_logical3A_150 : vector<256x1xi32> to vector<256x2048xi32>
    %eq3A_161 = arith.cmpi eq, %iota3A, %eq3A_160 : vector<256x2048xi32>
    %jit3A_162 = arith.constant 0.000000e+00 : f32
    %broadcast_in_dim3A_163 = vector.broadcast %jit3A_162 : f32 to vector<256x2048xf32>
    %select_n3A_164 = arith.select %le3A_159, %mul3A_158, %broadcast_in_dim3A_163 : vector<256x2048xi1>, vector<256x2048xf32>
    %reduce_sum3A = arith.constant dense<0.000000e+00> : vector<256xf32>
    %reduce_sum3A_165 = vector.multi_reduction <add>, %select_n3A_164, %reduce_sum3A [1] : vector<256x2048xf32> to vector<256xf32>
    %broadcast_in_dim3A_166 = vector.shape_cast %reduce_sum3A_165 : vector<256xf32> to vector<256x1xf32>
    %le3A_167 = vector.broadcast %broadcast_in_dim3A_135 : vector<256x1xf32> to vector<256x2048xf32>
    %le3A_168 = arith.cmpf ole, %add3A_103, %le3A_167 : vector<256x2048xf32>
    %jit3A_169 = arith.constant 0.000000e+00 : f32
    %broadcast_in_dim3A_170 = vector.broadcast %jit3A_169 : f32 to vector<256x2048xf32>
    %select_n3A_171 = arith.select %le3A_168, %mul3A_158, %broadcast_in_dim3A_170 : vector<256x2048xi1>, vector<256x2048xf32>
    %reduce_sum3A_172 = arith.constant dense<0.000000e+00> : vector<256xf32>
    %reduce_sum3A_173 = vector.multi_reduction <add>, %select_n3A_171, %reduce_sum3A_172 [1] : vector<256x2048xf32> to vector<256xf32>
    %broadcast_in_dim3A_174 = vector.shape_cast %reduce_sum3A_173 : vector<256xf32> to vector<256x1xf32>
    %jit3A_175 = arith.constant 0.000000e+00 : f32
    %broadcast_in_dim3A_176 = vector.broadcast %jit3A_175 : f32 to vector<256x2048xf32>
    %select_n3A_177 = arith.select %eq3A_161, %mul3A_158, %broadcast_in_dim3A_176 : vector<256x2048xi1>, vector<256x2048xf32>
    %reduce_sum3A_178 = arith.constant dense<0.000000e+00> : vector<256xf32>
    %reduce_sum3A_179 = vector.multi_reduction <add>, %select_n3A_177, %reduce_sum3A_178 [1] : vector<256x2048xf32> to vector<256xf32>
    %broadcast_in_dim3A_180 = vector.shape_cast %reduce_sum3A_179 : vector<256xf32> to vector<256x1xf32>
    %jit3A_181 = arith.constant 0.000000e+00 : f32
    %broadcast_in_dim3A_182 = vector.broadcast %jit3A_181 : f32 to vector<256x2048xf32>
    %select_n3A_183 = arith.select %eq3A_161, %add3A_103, %broadcast_in_dim3A_182 : vector<256x2048xi1>, vector<256x2048xf32>
    %reduce_sum3A_184 = arith.constant dense<0.000000e+00> : vector<256xf32>
    %reduce_sum3A_185 = vector.multi_reduction <add>, %select_n3A_183, %reduce_sum3A_184 [1] : vector<256x2048xf32> to vector<256xf32>
    %broadcast_in_dim3A_186 = vector.shape_cast %reduce_sum3A_185 : vector<256xf32> to vector<256x1xf32>
    %le3A_187 = arith.cmpf ole, %broadcast_in_dim3A_186, %broadcast_in_dim3A_143 : vector<256x1xf32>
    %sub3A_188 = arith.subf %broadcast_in_dim3A_166, %broadcast_in_dim3A_180 : vector<256x1xf32>
    %select_n3A_189 = arith.select %le3A_187, %sub3A_188, %broadcast_in_dim3A_174 : vector<256x1xi1>, vector<256x1xf32>
    %mul3A_190 = arith.constant 2.000000e-01 : f32
    %mul3A_191 = vector.broadcast %mul3A_190 : f32 to vector<256x1xf32>
    %mul3A_192 = arith.mulf %select_n3A_189, %mul3A_191 : vector<256x1xf32>
    %get3A_193 = arith.constant 0 : index
    %get3A_194 = vector.load %arg4[%get3A_193] : memref<256xf32, #tpu.memory_space<vmem>>, vector<256xf32>
    %reshape3A_195 = vector.shape_cast %get3A_194 : vector<256xf32> to vector<256x1xf32>
    %mul3A_196 = arith.mulf %reshape3A_195, %max3A_88 : vector<256x1xf32>
    %sub3A_197 = arith.constant 1.000000e+00 : f32
    %sub3A_198 = vector.broadcast %sub3A_197 : f32 to vector<256x1xf32>
    %sub3A_199 = arith.subf %sub3A_198, %reshape3A_195 : vector<256x1xf32>
    %mul3A_200 = arith.mulf %sub3A_199, %mul3A_192 : vector<256x1xf32>
    %add3A_201 = arith.addf %mul3A_196, %mul3A_200 : vector<256x1xf32>
    %get3A_202 = arith.constant 0 : index
    %get3A_203 = arith.constant 0 : index
    %get3A_204 = vector.load %arg16[%get3A_202, %get3A_203] : memref<1x1xf32, #tpu.memory_space<vmem>>, vector<1x1xf32>
    %reduce_sum3A_205 = arith.constant dense<0.000000e+00> : vector<1xf32>
    %reduce_sum3A_206 = vector.multi_reduction <add>, %add3A_201, %reduce_sum3A_205 [0] : vector<256x1xf32> to vector<1xf32>
    %broadcast_in_dim3A_207 = vector.shape_cast %reduce_sum3A_206 : vector<1xf32> to vector<1x1xf32>
    %add3A_208 = arith.addf %get3A_204, %broadcast_in_dim3A_207 : vector<1x1xf32>
    %swap3A = arith.constant 0 : index
    %swap3A_209 = arith.constant 0 : index
    %swap3A_210 = vector.load %arg16[%swap3A, %swap3A_209] : memref<1x1xf32, #tpu.memory_space<vmem>>, vector<1x1xf32>
    tpu.vector_store %arg16[%swap3A, %swap3A_209], %add3A_208 {strides = array<i32>} : memref<1x1xf32, #tpu.memory_space<vmem>>, vector<1x1xf32>,
    %lt3A = arith.constant 8 : i32
    %lt3A_211 = arith.cmpi slt, %arg0, %lt3A : i32
    %convert_element_type3A_212 = arith.extui %lt3A_211 : i1 to i32
    %cond3A_213 = arith.constant 0 : i32
    %cond3A_214 = arith.cmpi ne, %convert_element_type3A_212, %cond3A_213 : i32
    scf.if %cond3A_214 {
      %get3A_215 = arith.constant 0 : index
      %get3A_216 = vector.load %arg5[%get3A_215] : memref<256xf32, #tpu.memory_space<vmem>>, vector<256xf32>
      %reshape3A_217 = vector.shape_cast %get3A_216 : vector<256xf32> to vector<256x1xf32>
      %convert_element_type3A_218 = arith.truncf %reshape3A_217 : vector<256x1xf32> to vector<256x1xbf16>
      %get3A_219 = arith.constant 0 : index
      %get3A_220 = vector.load %arg6[%get3A_219] : memref<256xf32, #tpu.memory_space<vmem>>, vector<256xf32>
      %reshape3A_221 = vector.shape_cast %get3A_220 : vector<256xf32> to vector<256x1xf32>
      %convert_element_type3A_222 = arith.truncf %reshape3A_221 : vector<256x1xf32> to vector<256x1xbf16>
      %get3A_223 = arith.constant 0 : index
      %get3A_224 = vector.load %arg7[%get3A_223] : memref<256xf32, #tpu.memory_space<vmem>>, vector<256xf32>
      %reshape3A_225 = vector.shape_cast %get3A_224 : vector<256xf32> to vector<256x1xf32>
      %convert_element_type3A_226 = arith.truncf %reshape3A_225 : vector<256x1xf32> to vector<256x1xbf16>
      %slice3A_227 = vector.extract_strided_slice %convert_element_type3A_3 {offsets = [0, 0], sizes = [1, 2048], strides = [1, 1]} : vector<1x4096xbf16> to vector<1x2048xbf16>
      %sub3A_228 = vector.broadcast %convert_element_type3A_218 : vector<256x1xbf16> to vector<256x2048xbf16>
      %sub3A_229 = vector.broadcast %slice3A_227 : vector<1x2048xbf16> to vector<256x2048xbf16>
      %sub3A_230 = arith.subf %sub3A_228, %sub3A_229 : vector<256x2048xbf16>
      %slice3A_231 = vector.extract_strided_slice %convert_element_type3A_7 {offsets = [0, 0], sizes = [1, 2048], strides = [1, 1]} : vector<1x4096xbf16> to vector<1x2048xbf16>
      %sub3A_232 = vector.broadcast %convert_element_type3A_222 : vector<256x1xbf16> to vector<256x2048xbf16>
      %sub3A_233 = vector.broadcast %slice3A_231 : vector<1x2048xbf16> to vector<256x2048xbf16>
      %sub3A_234 = arith.subf %sub3A_232, %sub3A_233 : vector<256x2048xbf16>
      %slice3A_235 = vector.extract_strided_slice %convert_element_type3A_11 {offsets = [0, 0], sizes = [1, 2048], strides = [1, 1]} : vector<1x4096xbf16> to vector<1x2048xbf16>
      %sub3A_236 = vector.broadcast %convert_element_type3A_226 : vector<256x1xbf16> to vector<256x2048xbf16>
      %sub3A_237 = vector.broadcast %slice3A_235 : vector<1x2048xbf16> to vector<256x2048xbf16>
      %sub3A_238 = arith.subf %sub3A_236, %sub3A_237 : vector<256x2048xbf16>
      %mul3A_239 = arith.mulf %sub3A_230, %sub3A_230 : vector<256x2048xbf16>
      %mul3A_240 = arith.mulf %sub3A_234, %sub3A_234 : vector<256x2048xbf16>
      %mul3A_241 = arith.mulf %sub3A_238, %sub3A_238 : vector<256x2048xbf16>
      %add3A_242 = arith.addf %mul3A_240, %mul3A_241 : vector<256x2048xbf16>
      %add3A_243 = arith.addf %mul3A_239, %add3A_242 : vector<256x2048xbf16>
      %reduce_min3A_244 = arith.constant dense<0x7F80> : vector<256xbf16>
      %reduce_min3A_245 = vector.multi_reduction <minimumf>, %add3A_243, %reduce_min3A_244 [1] : vector<256x2048xbf16> to vector<256xbf16>
      %broadcast_in_dim3A_246 = vector.shape_cast %reduce_min3A_245 : vector<256xbf16> to vector<256x1xbf16>
      %slice3A_247 = vector.extract_strided_slice %convert_element_type3A_3 {offsets = [0, 2048], sizes = [1, 2048], strides = [1, 1]} : vector<1x4096xbf16> to vector<1x2048xbf16>
      %sub3A_248 = vector.broadcast %convert_element_type3A_218 : vector<256x1xbf16> to vector<256x2048xbf16>
      %sub3A_249 = vector.broadcast %slice3A_247 : vector<1x2048xbf16> to vector<256x2048xbf16>
      %sub3A_250 = arith.subf %sub3A_248, %sub3A_249 : vector<256x2048xbf16>
      %slice3A_251 = vector.extract_strided_slice %convert_element_type3A_7 {offsets = [0, 2048], sizes = [1, 2048], strides = [1, 1]} : vector<1x4096xbf16> to vector<1x2048xbf16>
      %sub3A_252 = vector.broadcast %convert_element_type3A_222 : vector<256x1xbf16> to vector<256x2048xbf16>
      %sub3A_253 = vector.broadcast %slice3A_251 : vector<1x2048xbf16> to vector<256x2048xbf16>
      %sub3A_254 = arith.subf %sub3A_252, %sub3A_253 : vector<256x2048xbf16>
      %slice3A_255 = vector.extract_strided_slice %convert_element_type3A_11 {offsets = [0, 2048], sizes = [1, 2048], strides = [1, 1]} : vector<1x4096xbf16> to vector<1x2048xbf16>
      %sub3A_256 = vector.broadcast %convert_element_type3A_226 : vector<256x1xbf16> to vector<256x2048xbf16>
      %sub3A_257 = vector.broadcast %slice3A_255 : vector<1x2048xbf16> to vector<256x2048xbf16>
      %sub3A_258 = arith.subf %sub3A_256, %sub3A_257 : vector<256x2048xbf16>
      %mul3A_259 = arith.mulf %sub3A_250, %sub3A_250 : vector<256x2048xbf16>
      %mul3A_260 = arith.mulf %sub3A_254, %sub3A_254 : vector<256x2048xbf16>
      %mul3A_261 = arith.mulf %sub3A_258, %sub3A_258 : vector<256x2048xbf16>
      %add3A_262 = arith.addf %mul3A_260, %mul3A_261 : vector<256x2048xbf16>
      %add3A_263 = arith.addf %mul3A_259, %add3A_262 : vector<256x2048xbf16>
      %reduce_min3A_264 = arith.constant dense<0x7F80> : vector<256xbf16>
      %reduce_min3A_265 = vector.multi_reduction <minimumf>, %add3A_263, %reduce_min3A_264 [1] : vector<256x2048xbf16> to vector<256xbf16>
      %broadcast_in_dim3A_266 = vector.shape_cast %reduce_min3A_265 : vector<256xbf16> to vector<256x1xbf16>
      %min3A_267 = arith.minimumf %broadcast_in_dim3A_246, %broadcast_in_dim3A_266 : vector<256x1xbf16>
      %convert_element_type3A_268 = arith.extf %min3A_267 : vector<256x1xbf16> to vector<256x1xf32>
      %max3A_269 = arith.constant 0.000000e+00 : f32
      %max3A_270 = vector.broadcast %max3A_269 : f32 to vector<256x1xf32>
      %max3A_271 = arith.maximumf %convert_element_type3A_268, %max3A_270 : vector<256x1xf32>
      %get3A_272 = arith.constant 0 : index
      %get3A_273 = vector.load %arg8[%get3A_272] : memref<256xf32, #tpu.memory_space<vmem>>, vector<256xf32>
      %reshape3A_274 = vector.shape_cast %get3A_273 : vector<256xf32> to vector<256x1xf32>
      %get3A_275 = arith.constant 0 : index
      %get3A_276 = arith.constant 0 : index
      %get3A_277 = vector.load %arg16[%get3A_275, %get3A_276] : memref<1x1xf32, #tpu.memory_space<vmem>>, vector<1x1xf32>
      %mul3A_278 = arith.mulf %reshape3A_274, %max3A_271 : vector<256x1xf32>
      %reduce_sum3A_279 = arith.constant dense<0.000000e+00> : vector<1xf32>
      %reduce_sum3A_280 = vector.multi_reduction <add>, %mul3A_278, %reduce_sum3A_279 [0] : vector<256x1xf32> to vector<1xf32>
      %broadcast_in_dim3A_281 = vector.shape_cast %reduce_sum3A_280 : vector<1xf32> to vector<1x1xf32>
      %add3A_282 = arith.addf %get3A_277, %broadcast_in_dim3A_281 : vector<1x1xf32>
      %swap3A_283 = arith.constant 0 : index
      %swap3A_284 = arith.constant 0 : index
      %swap3A_285 = vector.load %arg16[%swap3A_283, %swap3A_284] : memref<1x1xf32, #tpu.memory_space<vmem>>, vector<1x1xf32>
      tpu.vector_store %arg16[%swap3A_283, %swap3A_284], %add3A_282 {strides = array<i32>} : memref<1x1xf32, #tpu.memory_space<vmem>>, vector<1x1xf32>,
    } else {
    }
    return
  }
  func.func @transform_0(%arg0: i32) -> i32 {
    %c0_i32 = arith.constant 0 : i32
    return %arg0 : i32
  }
  func.func @transform_1(%arg0: i32) -> i32 {
    %c0_i32 = arith.constant 0 : i32
    return %arg0 : i32
  }
  func.func @transform_2(%arg0: i32) -> i32 {
    %c0_i32 = arith.constant 0 : i32
    return %arg0 : i32
  }
  func.func @transform_3(%arg0: i32) -> i32 {
    %c0_i32 = arith.constant 0 : i32
    return %arg0 : i32
  }
  func.func @transform_4(%arg0: i32) -> i32 {
    %min3A = arith.constant 7 : i32
    %min3A_0 = arith.minsi %arg0, %min3A : i32
    %c0_i32 = arith.constant 0 : i32
    return %min3A_0 : i32
  }
  func.func @transform_5(%arg0: i32) -> i32 {
    %min3A = arith.constant 7 : i32
    %min3A_0 = arith.minsi %arg0, %min3A : i32
    %c0_i32 = arith.constant 0 : i32
    return %min3A_0 : i32
  }
  func.func @transform_6(%arg0: i32) -> i32 {
    %min3A = arith.constant 7 : i32
    %min3A_0 = arith.minsi %arg0, %min3A : i32
    %c0_i32 = arith.constant 0 : i32
    return %min3A_0 : i32
  }
  func.func @transform_7(%arg0: i32) -> i32 {
    %min3A = arith.constant 7 : i32
    %min3A_0 = arith.minsi %arg0, %min3A : i32
    %c0_i32 = arith.constant 0 : i32
    return %min3A_0 : i32
  }
  func.func @transform_8(%arg0: i32) -> i32 {
    %c0_i32 = arith.constant 0 : i32
    %c0_i32_0 = arith.constant 0 : i32
    return %c0_i32 : i32
  }
  func.func @transform_9(%arg0: i32) -> i32 {
    %c0_i32 = arith.constant 0 : i32
    %c0_i32_0 = arith.constant 0 : i32
    return %c0_i32 : i32
  }
  func.func @transform_10(%arg0: i32) -> i32 {
    %c0_i32 = arith.constant 0 : i32
    %c0_i32_0 = arith.constant 0 : i32
    return %c0_i32 : i32
  }
  func.func @transform_11(%arg0: i32) -> i32 {
    %c0_i32 = arith.constant 0 : i32
    %c0_i32_0 = arith.constant 0 : i32
    return %c0_i32 : i32
  }
  func.func @transform_12(%arg0: i32) -> i32 {
    %c0_i32 = arith.constant 0 : i32
    %c0_i32_0 = arith.constant 0 : i32
    return %c0_i32 : i32
  }
  func.func @transform_13(%arg0: i32) -> i32 {
    %c0_i32 = arith.constant 0 : i32
    %c0_i32_0 = arith.constant 0 : i32
    return %c0_i32 : i32
  }
  func.func @transform_14(%arg0: i32) -> i32 {
    %c0_i32 = arith.constant 0 : i32
    %c0_i32_0 = arith.constant 0 : i32
    return %c0_i32 : i32
  }
  func.func @transform_15(%arg0: i32) -> (i32, i32) {
    %c0_i32 = arith.constant 0 : i32
    %c0_i32_0 = arith.constant 0 : i32
    %c0_i32_1 = arith.constant 0 : i32
    return %c0_i32, %c0_i32_0 : i32, i32
  }
}

</mosaic_0001>

<sc_bundles>
// kernel: kernel.4.cloned.1.call-start
scs
__scs_entry_jumppad:
0x0: {  	(pc) =	sbr.rel $0x88, $3  }
0x1: {  	(tag) =	ssettag $0x0;
	lr =	simm.s32 $0x1  }
0x2: {  	[smem:$0x3F9C] =	sst lr;
	_ =	strace $0xD0000000  }
0x3: {  	_ = 	snop  }
0x4: {  	_ = 	snop  }
0x5: {  	_ = 	snop  }
0x6: {  	_ = 	snop  }
0x7: {  	_ = 	snop  }
__scs_overlays_trampoline_lowered:
0x8: {  	[smem:$0x3FAB] =	sst s0  }
0x9: {  	[smem:$0x3FAC] =	sst s1  }
0xa: {  	[smem:$0x3FAD] =	sst s2  }
0xb: {  	[smem:$0x3FAE] =	sst s3  }
0xc: {  	[smem:$0x3FAF] =	sst s4  }
0xd: {  	[smem:$0x3FB0] =	sst s5  }
0xe: {  	[smem:$0x3FB1] =	sst s6  }
0xf: {  	[smem:$0x3FB2] =	sst s7  }
0x10: {  	[smem:$0x3FB3] =	sst s8  }
0x11: {  	[smem:$0x3FB4] =	sst s9;
	s0 =	simm.s32 @!p0 $0x0  }
0x12: {  	s1 =	sld [smem:$0x3F9A];
	s0 =	simm.s32 @p0 $0x1  }
0x13: {  	[smem:$0x3FB5] =	sst s0;
	s0 =	simm.s32 @!p1 $0x0  }
0x14: {  	s2 =	sld [smem:$0x3F99];
	s0 =	simm.s32 @p1 $0x1  }
0x15: {  	[smem:$0x3FB6] =	sst s0;
	s0 =	simm.s32 @!p2 $0x0  }
0x16: {  	s3 =	sld [smem:$0x3FDB];
	s0 =	simm.s32 @p2 $0x1  }
0x17: {  	s4 =	simm.s32 $0x1BF5;
	[smem:$0x3FB8] =	sst s0  }
0x18: {  	s0 =	sld [smem:$0x3F9B];
	_ =	swait.ge [sflag:s4], $0x0  }
0x19: {  	s7 =	sld [smem:$0x3F9C]  }
0x1a: {  	s8 =	sadd.s32 $0xFFFFE003, lr  }
0x1b: {  	s9 =	sadd.s32 $0xFFFFFEF7, lr;
	s5 =	simm.s32 $0xFFFFFFFF;
	p2 =	slt.u32 s8, $0xFFFFF086  }
0x1c: {  	p1 =	slt.u32 s9, $0xF7A;
	s5 =	simm.s32 @!p2 $0x0  }
0x1d: {  	s5 =	simm.s32 @p1 $0x1;
	p0 =	seq.s32 s7, s2  }
0x1e: {  	s7 =	smul.u32 @!p0 $0xF7A, s2;
	p2 =	seq.s32 @!p0 s5, $0x0  }
0x1f: {  	s9 =	smul.u32 $0xF7A, s1;
	s8 =	simm.s32 @!p0 $0x1BF5;
	p2 =	por !p2, p0  }
0x20: {  	[sflag:s8] =	ssyncset.s32 @!p0 $0xFFFFF086;
	s6 =	sadd.s32 @!p0 s3, s7;
	s7 =	simm.s32 @!p0 $0x108  }
0x21: {  	s3 =	sadd.s32 s3, s9;
	s6 =	sadd.s32 @!p0 $0x88, s6;
	s7 =	simm.s32 @p2 $0x1082  }
0x22: {  	[simem:s7], [sflag:s8] =	dma.local @!p0 [hbm:s6], $0xF7A  }
0x23: {  	s9 =	sor.u32 $0xD0000000, s2;
	s6 =	simm.s32 $0x108;
	_ =	swait.ge @!p0 [sflag:s8], $0x0  }
0x24: {  	s3 =	sadd.s32 $0x88, s3;
	s6 =	simm.s32 @!p1 $0x1082;
	[sflag:s4] =	ssyncset.s32 $0xFFFFF086  }
0x25: {  	[simem:s6], [sflag:s4] =	dma.local [hbm:s3], $0xF7A  }
0x26: {  	[smem:$0x3F9C] =	sst s1;
	(tag) =	ssettag s2;
	_ =	strace s9  }
0x27: {  	s1 =	sld [smem:$0x3FAC]  }
0x28: {  	s2 =	sld [smem:$0x3FAD]  }
0x29: {  	s4 =	sld [smem:$0x3FAF]  }
0x2a: {  	p0 =	seq.s32 s5, $0x0;
	s5 =	sld [smem:$0x3FB0]  }
0x2b: {  	s6 =	sld [smem:$0x3FB1]  }
0x2c: {  	s7 =	sld [smem:$0x3FB2]  }
0x2d: {  	s3 =	simm.s32 $0x108;
	s8 =	sld [smem:$0x3FB3]  }
0x2e: {  	s3 =	simm.s32 @!p0 $0x1082;
	s9 =	sld [smem:$0x3FB4]  }
0x2f: {  	lr =	sadd.s32 s0, s3;
	s0 =	sld [smem:$0x3FAB]  }
0x30: {  	s3 =	sld [smem:$0x3FAE]  }
0x31: {  	[smem:$0x3FB7] =	sst s10  }
0x32: {  	s10 =	sld [smem:$0x3FB5];
	_ =	sdelay $0x3  }
0x33: {  	p0 =	seq.s32 s10, $0x1;
	s10 =	sld [smem:$0x3FB7];
	_ =	sdelay $0x3  }
0x34: {  	[smem:$0x3FB7] =	sst s10  }
0x35: {  	s10 =	sld [smem:$0x3FB6];
	_ =	sdelay $0x3  }
0x36: {  	p1 =	seq.s32 s10, $0x1;
	s10 =	sld [smem:$0x3FB7];
	_ =	sdelay $0x3  }
0x37: {  	[smem:$0x3FB7] =	sst s10  }
0x38: {  	s10 =	sld [smem:$0x3FB8]  }
0x39: {  	_ = 	snop;
	(pc) =	sbr.ind lr, $3  }
0x3a: {  	_ = 	snop  }
0x3b: {  	_ = 	snop  }
0x3c: {  	p2 =	seq.s32 s10, $0x1;
	s10 =	sld [smem:$0x3FB7]  }
0x3d: {  	_ =	shalt  }
0x3e: {  	_ =	shalt  }
0x3f: {  	_ =	shalt  }
0x40: {  	_ =	shalt  }
0x41: {  	_ =	shalt  }
0x42: {  	_ =	shalt  }
0x43: {  	_ =	shalt  }
0x44: {  	_ =	shalt  }
0x45: {  	_ =	shalt  }
0x46: {  	_ =	shalt  }
0x47: {  	_ =	shalt  }
0x48: {  	_ =	shalt  }
0x49: {  	_ =	shalt  }
0x4a: {  	_ =	shalt  }
0x4b: {  	_ =	shalt  }
0x4c: {  	_ =	shalt  }
0x4d: {  	_ =	shalt  }
0x4e: {  	_ =	shalt  }
0x4f: {  	_ =	shalt  }
0x50: {  	_ =	shalt  }
0x51: {  	_ =	shalt  }
0x52: {  	_ =	shalt  }
0x53: {  	_ =	shalt  }
0x54: {  	_ =	shalt  }
0x55: {  	_ =	shalt  }
0x56: {  	_ =	shalt  }
0x57: {  	_ =	shalt  }
0x58: {  	_ =	shalt  }
0x59: {  	_ =	shalt  }
0x5a: {  	_ =	shalt  }
0x5b: {  	_ =	shalt  }
0x5c: {  	_ =	shalt  }
0x5d: {  	_ =	shalt  }
0x5e: {  	_ =	shalt  }
0x5f: {  	_ =	shalt  }
0x60: {  	_ =	shalt  }
0x61: {  	_ =	shalt  }
0x62: {  	_ =	shalt  }
0x63: {  	_ =	shalt  }
0x64: {  	_ =	shalt  }
0x65: {  	_ =	shalt  }
0x66: {  	_ =	shalt  }
0x67: {  	_ =	shalt  }
0x68: {  	_ =	shalt  }
0x69: {  	_ =	shalt  }
0x6a: {  	_ =	shalt  }
0x6b: {  	_ =	shalt  }
0x6c: {  	_ =	shalt  }
0x6d: {  	_ =	shalt  }
0x6e: {  	_ =	shalt  }
0x6f: {  	_ =	shalt  }
0x70: {  	_ =	shalt  }
0x71: {  	_ =	shalt  }
0x72: {  	_ =	shalt  }
0x73: {  	_ =	shalt  }
0x74: {  	_ =	shalt  }
0x75: {  	_ =	shalt  }
0x76: {  	_ =	shalt  }
0x77: {  	_ =	shalt  }
0x78: {  	_ =	shalt  }
0x79: {  	_ =	shalt  }
0x7a: {  	_ =	shalt  }
0x7b: {  	_ =	shalt  }
0x7c: {  	_ =	shalt  }
0x7d: {  	_ =	shalt  }
0x7e: {  	_ =	shalt  }
0x7f: {  	_ =	shalt  }
0x80: {  	_ =	shalt  }
0x81: {  	_ =	shalt  }
0x82: {  	_ =	shalt  }
0x83: {  	_ =	shalt  }
0x84: {  	_ =	shalt  }
0x85: {  	_ =	shalt  }
0x86: {  	_ =	shalt  }
0x87: {  	_ =	shalt  }
.Lfunc_end0:
.L_simem_size_0:
called_computation_lowered:
.L_overlay_start_0:
0x88: {  	s2 =	sld [smem:$0x3FD9]  }
0x89: {  	s3 =	sld [smem:$0x3FFE];
	_ =	sdelay $0x1  }
0x8a: {  	s1 =	srdreg.scid  }
0x8b: {  	s0 =	sand.u32 $0x1, s1  }
0x8c: {  	s17 =	sshll.u32 s0, $0xA;
	s2 =	sadd.s32 s3, s2  }
0x8d: {  	s2 =	sadd.s32 s2, s17  }
0x8e: {  	[smem:$0x3FC3] =	sst s2  }
0x8f: {  	_ = 	snop  }
0x90: {  	s2 =	sld [smem:$0x3FC5];
	(tm) =	ssettm $0x1  }
0x91: {  	s18 =	sld [smem:$0x3FFB];
	_ =	sdelay $0x3  }
0x92: {  	_ =	strace s18  }
0x93: {  	s3 =	sld [smem:$0x3FFC];
	_ =	sdelay $0x3  }
0x94: {  	_ =	strace s3  }
0x95: {  	s3 =	sld [smem:$0x3FFD];
	_ =	sdelay $0x3  }
0x96: {  	_ =	strace s3  }
0x97: {  	_ =	strace $0x8FFFFFFF  }
0x98: {  	s19 =	sld [smem:$0x3FDB];
	_ =	sdelay $0x1  }
0x99: {  	s4 =	simm.s32 $_scs_section_size  }
0x9a: {  	s5 =	simm.s32 $_size__tile_overlayer_lowered;
	s6 =	simm.s32 $_tile_overlayer_lowered  }
0x9b: {  	s22 =	simm.s32 $0x1BFF;
	s21 =	sshll.u32 s6, $0x1;
	s3 =	sadd.s32 s4, s19  }
0x9c: {  	s7 =	simm.s32 $0x0;
	s20 =	sshll.u32 s5, $0x1;
	s5 =	sadd.s32 s21, s3  }
0x9d: {  	[timem:s7], [sflag:s22] =	dma.local [hbm:s5], s20  }
0x9e: {  	_ =	swait.ge [sflag:s22], s20  }
0x9f: {  	s4 =	ssub.s32 $0x0, s20;
	[sflag:s22] =	ssyncset.done $0x0  }
0xa0: {  	[sflag:s22] =	ssyncadd.s32 s4;
	_ =	sdelay $0x1  }
0xa1: {  	s23 =	simm.s32 $0x1B8B  }
0xa2: {  	_ =	swait.ge [sflag:s23], $0x1  }
0xa3: {  	[sflag:s23] =	ssyncset.done $0x0  }
0xa4: {  	s25 =	simm.s32 $0x1B8E;
	s24 =	sld [smem:$0x3FFE];
	[sflag:s23] =	ssyncadd.s32 $0xFFFFFFFF  }
0xa5: {  	s26 =	simm.s32 $execute0_lowered;
	[smem:$0x3FD2] =	sst s25  }
0xa6: {  	s5 =	sshll.u32 s26, $0x1;
	_ =	strace $0x80000046;
	[dreg:$0x1] =	wrdreg $0xFFFFFFFF  }
0xa7: {  	s28 =	simm.s32 $_size_execute0_lowered;
	s3 =	sadd.s32 s3, s5;
	[dreg:$0x0] =	wrdreg $0x0  }
0xa8: {  	s5 =	sshll.u32 s28, $0x1;
	[dreg:$0x2] =	wrdreg s3  }
0xa9: {  	[dreg:$0x3] =	wrdreg s5  }
0xaa: {  	[dreg:$0x4] =	wrdreg $0xC0  }
0xab: {  	_ =	task [dreg:s7], $0x5FFFF  }
0xac: {  	[dreg:$0x1] =	wrdreg $0xFFFFFFFF  }
0xad: {  	[dreg:$0x0] =	wrdreg $0x60  }
0xae: {  	[dreg:$0x2] =	wrdreg s24  }
0xaf: {  	[dreg:$0x3] =	wrdreg s2  }
0xb0: {  	[dreg:$0x4] =	wrdreg $0x9  }
0xb1: {  	_ =	task.clear_ibuf [dreg:s7], $0x5FFFF;
	_ =	strace $0x90000046  }
0xb2: {  	s29 =	simm.s32 $0x9;
	_ =	strace $0x80000048  }
0xb3: {  	_ =	swait.ge [sflag:s29], $0x1  }
0xb4: {  	[sflag:s29] =	ssyncadd.s32 $0xFFFFFFFF  }
0xb5: {  	_ =	strace $0x90000048  }
0xb6: {  	_ =	sfence  }
0xb7: {  	s30 =	sld [smem:$0x0];
	_ =	sdelay $0x2  }
0xb8: {  	s31 =	sshll.u32 s1, $0xD;
	s1 =	sshrl.u32 s1, $0x2  }
0xb9: {  	s3 =	sand.u32 $0x4000, s31;
	s1 =	sadd.s32 s1, s30  }
0xba: {  	s0 =	sor.u32 s3, s0;
	s1 =	sshll.u32 s1, $0x11  }
0xbb: {  	s0 =	sor.u32 s1, s0  }
0xbc: {  	s0 =	sadd.s32 $0x8F2B, s0  }
0xbd: {  	[sflag:s0] =	ssyncadd.remote.s32 $0x1  }
0xbe: {  	_ =	sfence.sel $0xFFFF  }
0xbf: {  	[dreg:$0x0] =	wrdreg $0xFFFFFFFF;
	(pc) =	sbr.abs _section_cstart, $3  }
0xc0: {  	[dreg:$0x1] =	wrdreg $0xFFFFFFFF  }
0xc1: {  	_ =	task.clear_ibuf [dreg:s7], $0x2FFFF;
	_ =	strace $0x9FFFFFFF  }
0xc2: {  	(tm) =	ssettm $0x7FFFFFFF  }
0xc3: {  	_ =	shalt  }
tec
execute0_lowered:
.L_overlay_start_1:
0x0: {  	(tag) =	ssettag $0x1  }
0x1: {  	s0 =	rddreg [dreg:$0x0]  }
0x2: {  	s3 =	rddreg [dreg:$0x1];
	s1 =	simm.s32 $0x0  }
0x3: {  	s4 =	srdreg.scid;
	s23 =	stileid.u32;
	s28 =	simm.s32 $0xA340  }
0x4: {  	s29 =	simm.s32 $0xA3C0;
	[smem:$0x7FF] =	sst s1;
	s2 =	sadd.s32 $0x5A00, s0  }
0x5: {  	s22 =	sadd.s32 $0x5600, s0;
	_ =	strace $0x80000047;
	[dreg:$0x3] =	wrdreg s2  }
0x6: {  	s5 =	sadd.s32 $0x5200, s0;
	s4 =	sand.u32 $0x1, s4;
	[dreg:$0x4] =	wrdreg s22  }
0x7: {  	s6 =	sshll.u32 s23, $0x1;
	s24 =	sadd.s32 $0x4E00, s0;
	[dreg:$0x5] =	wrdreg s5  }
0x8: {  	s25 =	sadd.s32 $0x4A00, s0;
	s6 =	sor.u32 s4, s6;
	[dreg:$0x6] =	wrdreg s24  }
0x9: {  	s26 =	sadd.s32 $0x4600, s0;
	[dreg:$0x7] =	wrdreg s25;
	s7 =	sshll.u32 s6, $0x3  }
0xa: {  	[dreg:$0x8] =	wrdreg s26;
	s8 =	sadd.s32 s7, s0;
	s3 =	sadd.s32 s3, s7  }
0xb: {  	s30 =	simm.s32 $0xA4C0;
	s2 =	sadd.s32 $0x6800, s8;
	[dreg:$0x12] =	wrdreg s3  }
0xc: {  	s9 =	sshll.u32 s6, $0x4;
	s10 =	sadd.s32 $0x6600, s8;
	[dreg:$0x9] =	wrdreg s2  }
0xd: {  	s9 =	sadd.s32 s9, s0;
	s11 =	sadd.s32 $0x6400, s8;
	[dreg:$0xa] =	wrdreg s10  }
0xe: {  	s31 =	simm.s32 $0xA5C0;
	s12 =	sadd.s32 $0x6200, s9;
	[dreg:$0xb] =	wrdreg s11  }
0xf: {  	s6 =	sshll.u32 s6, $0x5;
	s13 =	sadd.s32 $0x6000, s9;
	[dreg:$0xc] =	wrdreg s12  }
0x10: {  	s0 =	sadd.s32 s6, s0;
	s14 =	sadd.s32 $0x5E00, s9;
	[dreg:$0xd] =	wrdreg s13  }
0x11: {  	s4 =	ssub.s32 $0x2, s4;
	s15 =	sadd.s32 $0x4200, s0;
	[dreg:$0xe] =	wrdreg s14  }
0x12: {  	s24 =	sshrl.u32 s4, $0x1;
	s16 =	sadd.s32 $0x3E00, s0;
	[dreg:$0xf] =	wrdreg s15  }
0x13: {  	s5 =	ssub.s32 s4, s24;
	s17 =	sadd.s32 $0x3A00, s0;
	[dreg:$0x10] =	wrdreg s16  }
0x14: {  	s6 =	simm.s32 $0x1;
	s18 =	sadd.s32 $0x6E00, s8;
	[dreg:$0x11] =	wrdreg s17  }
0x15: {  	s7 =	simm.s32 $0x1400;
	s19 =	sadd.s32 $0x6C00, s8;
	[dreg:$0x13] =	wrdreg s18  }
0x16: {  	s24 =	simm.s32 $0xA200;
	s20 =	sadd.s32 $0x6A00, s8;
	[dreg:$0x14] =	wrdreg s19  }
0x17: {  	s21 =	sadd.s32 $0x8000, s9;
	s22 =	sadd.s32 $0x8200, s9;
	[dreg:$0x15] =	wrdreg s20  }
0x18: {  	s23 =	sadd.s32 $0x8400, s9;
	s25 =	sadd.s32 $0x7000, s0;
	[dreg:$0x16] =	wrdreg s21  }
0x19: {  	s26 =	sadd.s32 $0x7400, s0;
	s3 =	sadd.s32 $0x7800, s0;
	[dreg:$0x17] =	wrdreg s22  }
0x1a: {  	s4 =	sadd.s32 $0x7C00, s0;
	s5 =	smax.u32 s5, $0x1;
	[dreg:$0x18] =	wrdreg s23  }
0x1b: {  	v0 =	vlaneseq.u32;
	s8 =	simm.s32 $0x2800;
	s9 =	simm.s32 $0x3C00;
	[dreg:$0x19] =	wrdreg s25  }
0x1c: {  	v0 =	vshrl.u32 v0, $0x2;
	s0 =	simm.s32 $0xA6C0;
	[dreg:$0x1a] =	wrdreg s26;
	s10 =	simm.s32 $0x5C00  }
0x1d: {  	v1 =	vor.u32 $0x4, v0;
	v2 =	vor.u32 $0x8, v0;
	v3 =	vor.u32 $0xC, v0;
	s11 =	simm.s32 $0x7C00;
	s12 =	simm.s32 $0x9C00;
	s13 =	simm.s32 $0x9C40  }
0x1e: {  	v4 =	vor.u32 $0x10, v0;
	v5 =	vor.u32 $0x14, v0;
	v6 =	vor.u32 $0x18, v0;
	s14 =	simm.s32 $0x9C80;
	s15 =	simm.s32 $0x9CC0;
	s16 =	simm.s32 $0x9D40  }
0x1f: {  	v7 =	vor.u32 $0x1C, v0;
	v8 =	vor.u32 $0x20, v0;
	v9 =	vor.u32 $0x24, v0;
	s17 =	simm.s32 $0x9DC0;
	s18 =	simm.s32 $0x9E40;
	s19 =	simm.s32 $0x9F40  }
0x20: {  	v10 =	vor.u32 $0x28, v0;
	v11 =	vor.u32 $0x2C, v0;
	v12 =	vor.u32 $0x30, v0;
	s20 =	simm.s32 $0xA040;
	s21 =	simm.s32 $0xA140;
	s22 =	simm.s32 $0xA180  }
0x21: {  	v13 =	vor.u32 $0x34, v0;
	v14 =	vor.u32 $0x38, v0;
	v15 =	vor.u32 $0x3C, v0;
	s23 =	simm.s32 $0xA1C0;
	s25 =	simm.s32 $0xA240;
	s26 =	simm.s32 $0xA2C0  }
.LBB2_1:
0x22: {  	s2 =	rddreg [dreg:$0x3]  }
0x23: {  	[tilespmem:s1], [sflag:$0x1] =	stream.linear.gather [hbm4b:s2+s1], $0x1400, $0x38;
	[tilespmem:$0xA7C0] =	vst v63  }
0x24: {  	_ =	swait.ge [sflag:s6], $0x1400  }
0x25: {  	[sflag:s6] =	ssyncset.done $0x0  }
0x26: {  	s2 =	rddreg [dreg:$0x4];
	[sflag:s6] =	ssyncadd.s32 $0xFFFFEC00  }
0x27: {  	[tilespmem:s7], [sflag:$0x1] =	stream.linear.gather [hbm4b:s2+s1], $0x1400, $0x38;
	[tilespmem:$0xA7C0] =	vst v63  }
0x28: {  	_ =	swait.ge [sflag:s6], $0x1400  }
0x29: {  	[sflag:s6] =	ssyncset.done $0x0  }
0x2a: {  	s2 =	rddreg [dreg:$0x5];
	[sflag:s6] =	ssyncadd.s32 $0xFFFFEC00  }
0x2b: {  	[tilespmem:s8], [sflag:$0x1] =	stream.linear.gather [hbm4b:s2+s1], $0x1400, $0x38;
	[tilespmem:$0xA7C0] =	vst v63  }
0x2c: {  	_ =	swait.ge [sflag:s6], $0x1400  }
0x2d: {  	[sflag:s6] =	ssyncset.done $0x0  }
0x2e: {  	s2 =	rddreg [dreg:$0x6];
	[sflag:s6] =	ssyncadd.s32 $0xFFFFEC00  }
0x2f: {  	[tilespmem:s9], [sflag:$0x1] =	stream.linear.gather [hbm4b:s2+s1], $0x2000, $0x38;
	[tilespmem:$0xA7C0] =	vst v63  }
0x30: {  	_ =	swait.ge [sflag:s6], $0x2000  }
0x31: {  	[sflag:s6] =	ssyncset.done $0x0  }
0x32: {  	s2 =	rddreg [dreg:$0x7];
	[sflag:s6] =	ssyncadd.s32 $0xFFFFE000  }
0x33: {  	[tilespmem:s10], [sflag:$0x1] =	stream.linear.gather [hbm4b:s2+s1], $0x2000, $0x38;
	[tilespmem:$0xA7C0] =	vst v63  }
0x34: {  	_ =	swait.ge [sflag:s6], $0x2000  }
0x35: {  	[sflag:s6] =	ssyncset.done $0x0  }
0x36: {  	s2 =	rddreg [dreg:$0x8];
	[sflag:s6] =	ssyncadd.s32 $0xFFFFE000  }
0x37: {  	[tilespmem:s11], [sflag:$0x1] =	stream.linear.gather [hbm4b:s2+s1], $0x2000, $0x38;
	[tilespmem:$0xA7C0] =	vst v63  }
0x38: {  	_ =	swait.ge [sflag:s6], $0x2000  }
0x39: {  	[sflag:s6] =	ssyncset.done $0x0  }
0x3a: {  	s2 =	rddreg [dreg:$0x9];
	[sflag:s6] =	ssyncadd.s32 $0xFFFFE000  }
0x3b: {  	[tilespmem:s12], [sflag:$0x1] =	stream.linear.gather [hbm4b:s2+s1], $0x40, $0x38;
	[tilespmem:$0xA7C0] =	vst v63  }
0x3c: {  	_ =	swait.ge [sflag:s6], $0x40  }
0x3d: {  	[sflag:s6] =	ssyncset.done $0x0  }
0x3e: {  	s2 =	rddreg [dreg:$0xa];
	[sflag:s6] =	ssyncadd.s32 $0xFFFFFFC0  }
0x3f: {  	[tilespmem:s13], [sflag:$0x1] =	stream.linear.gather [hbm4b:s2+s1], $0x40, $0x38;
	[tilespmem:$0xA7C0] =	vst v63  }
0x40: {  	_ =	swait.ge [sflag:s6], $0x40  }
0x41: {  	[sflag:s6] =	ssyncset.done $0x0  }
0x42: {  	s2 =	rddreg [dreg:$0xb];
	[sflag:s6] =	ssyncadd.s32 $0xFFFFFFC0  }
0x43: {  	[tilespmem:s14], [sflag:$0x1] =	stream.linear.gather [hbm4b:s2+s1], $0x40, $0x38;
	[tilespmem:$0xA7C0] =	vst v63  }
0x44: {  	_ =	swait.ge [sflag:s6], $0x40  }
0x45: {  	[sflag:s6] =	ssyncset.done $0x0  }
0x46: {  	s2 =	rddreg [dreg:$0xc];
	[sflag:s6] =	ssyncadd.s32 $0xFFFFFFC0  }
0x47: {  	[tilespmem:s15], [sflag:$0x1] =	stream.linear.gather [hbm4b:s2+s1], $0x80, $0x38;
	[tilespmem:$0xA7C0] =	vst v63  }
0x48: {  	_ =	swait.ge [sflag:s6], $0x80  }
0x49: {  	[sflag:s6] =	ssyncset.done $0x0  }
0x4a: {  	s2 =	rddreg [dreg:$0xd];
	[sflag:s6] =	ssyncadd.s32 $0xFFFFFF80  }
0x4b: {  	[tilespmem:s16], [sflag:$0x1] =	stream.linear.gather [hbm4b:s2+s1], $0x80, $0x38;
	[tilespmem:$0xA7C0] =	vst v63  }
0x4c: {  	_ =	swait.ge [sflag:s6], $0x80  }
0x4d: {  	[sflag:s6] =	ssyncset.done $0x0  }
0x4e: {  	s2 =	rddreg [dreg:$0xe];
	[sflag:s6] =	ssyncadd.s32 $0xFFFFFF80  }
0x4f: {  	[tilespmem:s17], [sflag:$0x1] =	stream.linear.gather [hbm4b:s2+s1], $0x80, $0x38;
	[tilespmem:$0xA7C0] =	vst v63  }
0x50: {  	_ =	swait.ge [sflag:s6], $0x80  }
0x51: {  	[sflag:s6] =	ssyncset.done $0x0  }
0x52: {  	s2 =	rddreg [dreg:$0xf];
	[sflag:s6] =	ssyncadd.s32 $0xFFFFFF80  }
0x53: {  	[tilespmem:s18], [sflag:$0x1] =	stream.linear.gather [hbm4b:s2+s1], $0x100, $0x38;
	[tilespmem:$0xA7C0] =	vst v63  }
0x54: {  	_ =	swait.ge [sflag:s6], $0x100  }
0x55: {  	[sflag:s6] =	ssyncset.done $0x0  }
0x56: {  	s2 =	rddreg [dreg:$0x10];
	[sflag:s6] =	ssyncadd.s32 $0xFFFFFF00  }
0x57: {  	[tilespmem:s19], [sflag:$0x1] =	stream.linear.gather [hbm4b:s2+s1], $0x100, $0x38;
	[tilespmem:$0xA7C0] =	vst v63  }
0x58: {  	_ =	swait.ge [sflag:s6], $0x100  }
0x59: {  	[sflag:s6] =	ssyncset.done $0x0  }
0x5a: {  	s2 =	rddreg [dreg:$0x11];
	[sflag:s6] =	ssyncadd.s32 $0xFFFFFF00  }
0x5b: {  	[tilespmem:s20], [sflag:$0x1] =	stream.linear.gather [hbm4b:s2+s1], $0x100, $0x38;
	[tilespmem:$0xA7C0] =	vst v63  }
0x5c: {  	_ =	swait.ge [sflag:s6], $0x100  }
0x5d: {  	[sflag:s6] =	ssyncset.done $0x0  }
0x5e: {  	s2 =	rddreg [dreg:$0x12];
	[sflag:s6] =	ssyncadd.s32 $0xFFFFFF00  }
0x5f: {  	[tilespmem:s21], [sflag:$0x1] =	stream.linear.gather [hbm4b:s2+s1], $0x40, $0x38;
	[tilespmem:$0xA7C0] =	vst v63  }
0x60: {  	_ =	swait.ge [sflag:s6], $0x40  }
0x61: {  	[sflag:s6] =	ssyncset.done $0x0  }
0x62: {  	[sflag:s6] =	ssyncadd.s32 $0xFFFFFFC0  }
0x63: {  	v16 =	vld [tilespmem:$0x9C00]  }
0x64: {  	v17 =	vld [tilespmem:$0x9C40]  }
0x65: {  	v18 =	vld [tilespmem:$0x9C80];
	_ =	sdelay $0x5  }
0x66: {  	v19 =	vld.idx.msk [tilespmem:v16+s1+$0x0], $0xffff  }
0x67: {  	v20 =	vld.idx.msk [tilespmem:v17+s1+$0x0], $0xffff  }
0x68: {  	v21 =	vld.idx.msk [tilespmem:v18+s1+$0x0], $0xffff  }
0x69: {  	v22 =	vld.idx.msk [tilespmem:v16+s7+$0x0], $0xffff  }
0x6a: {  	v23 =	vld.idx.msk [tilespmem:v17+s7+$0x0], $0xffff  }
0x6b: {  	v16 =	vld.idx.msk [tilespmem:v16+s8+$0x0], $0xffff  }
0x6c: {  	v17 =	vld.idx.msk [tilespmem:v17+s8+$0x0], $0xffff  }
0x6d: {  	v24 =	vld.idx.msk [tilespmem:v18+s7+$0x0], $0xffff  }
0x6e: {  	v18 =	vld.idx.msk [tilespmem:v18+s8+$0x0], $0xffff  }
0x6f: {  	v19 =	vadd.f32 v20, v19  }
0x70: {  	v45 =	vld [tilespmem:$0x9C10];
	v44 =	vadd.f32 v23, v22  }
0x71: {  	v46 =	vld [tilespmem:$0x9C90];
	v16 =	vadd.f32 v17, v16;
	v19 =	vadd.f32 v21, v19  }
0x72: {  	v20 =	vadd.f32 v24, v44  }
0x73: {  	v16 =	vadd.f32 v18, v16;
	v19 =	vmul.f32 $3.333333430e-01, v19  }
0x74: {  	v17 =	vld [tilespmem:$0x9C50];
	v47 =	vmul.f32 $3.333333430e-01, v20  }
0x75: {  	v16 =	vmul.f32 $3.333333430e-01, v16;
	[tilespmem:$0xA180] =	vst v19  }
0x76: {  	[tilespmem:$0xA1C0] =	vst v47  }
0x77: {  	[tilespmem:$0xA200] =	vst v16  }
0x78: {  	v16 =	vld.idx.msk [tilespmem:v45+s1+$0x0], $0xffff  }
0x79: {  	v19 =	vld.idx.msk [tilespmem:v46+s1+$0x0], $0xffff  }
0x7a: {  	v48 =	vld.idx.msk [tilespmem:v45+s7+$0x0], $0xffff  }
0x7b: {  	v22 =	vld.idx.msk [tilespmem:v45+s8+$0x0], $0xffff  }
0x7c: {  	v18 =	vld.idx.msk [tilespmem:v17+s1+$0x0], $0xffff  }
0x7d: {  	v49 =	vld.idx.msk [tilespmem:v17+s7+$0x0], $0xffff  }
0x7e: {  	v17 =	vld.idx.msk [tilespmem:v17+s8+$0x0], $0xffff  }
0x7f: {  	v50 =	vld.idx.msk [tilespmem:v46+s7+$0x0], $0xffff  }
0x80: {  	v21 =	vld.idx.msk [tilespmem:v46+s8+$0x0], $0xffff  }
0x81: {  	v16 =	vadd.f32 v18, v16  }
0x82: {  	v52 =	vld [tilespmem:$0x9C20];
	v51 =	vadd.f32 v49, v48  }
0x83: {  	v53 =	vld [tilespmem:$0x9C60];
	v17 =	vadd.f32 v17, v22;
	v16 =	vadd.f32 v19, v16  }
0x84: {  	v54 =	vld [tilespmem:$0x9CA0];
	v18 =	vadd.f32 v50, v51  }
0x85: {  	v17 =	vadd.f32 v21, v17;
	v16 =	vmul.f32 $3.333333430e-01, v16  }
0x86: {  	v18 =	vmul.f32 $3.333333430e-01, v18  }
0x87: {  	v17 =	vmul.f32 $3.333333430e-01, v17;
	[tilespmem:$0xA190] =	vst v16  }
0x88: {  	[tilespmem:$0xA1D0] =	vst v18  }
0x89: {  	[tilespmem:$0xA210] =	vst v17  }
0x8a: {  	v16 =	vld.idx.msk [tilespmem:v52+s1+$0x0], $0xffff  }
0x8b: {  	v17 =	vld.idx.msk [tilespmem:v53+s1+$0x0], $0xffff  }
0x8c: {  	v18 =	vld.idx.msk [tilespmem:v54+s1+$0x0], $0xffff  }
0x8d: {  	v55 =	vld.idx.msk [tilespmem:v52+s7+$0x0], $0xffff  }
0x8e: {  	v56 =	vld.idx.msk [tilespmem:v53+s7+$0x0], $0xffff  }
0x8f: {  	v57 =	vld.idx.msk [tilespmem:v54+s7+$0x0], $0xffff  }
0x90: {  	v20 =	vld.idx.msk [tilespmem:v52+s8+$0x0], $0xffff  }
0x91: {  	v19 =	vld.idx.msk [tilespmem:v53+s8+$0x0], $0xffff;
	_ =	sdelay $0x1  }
0x92: {  	v22 =	vld.idx.msk [tilespmem:v54+s8+$0x0], $0xffff  }
0x93: {  	v16 =	vadd.f32 v17, v16  }
0x94: {  	v58 =	vld [tilespmem:$0x9C30];
	v17 =	vadd.f32 v56, v55  }
0x95: {  	v60 =	vld [tilespmem:$0x9C70];
	v59 =	vadd.f32 v19, v20;
	v16 =	vadd.f32 v18, v16  }
0x96: {  	v61 =	vld [tilespmem:$0x9CB0];
	v17 =	vadd.f32 v57, v17  }
0x97: {  	v18 =	vadd.f32 v22, v59;
	v16 =	vmul.f32 $3.333333430e-01, v16  }
0x98: {  	v17 =	vmul.f32 $3.333333430e-01, v17  }
0x99: {  	v18 =	vmul.f32 $3.333333430e-01, v18;
	[tilespmem:$0xA1A0] =	vst v16  }
0x9a: {  	[tilespmem:$0xA1E0] =	vst v17  }
0x9b: {  	[tilespmem:$0xA220] =	vst v18  }
0x9c: {  	v16 =	vld.idx.msk [tilespmem:v58+s1+$0x0], $0xffff  }
0x9d: {  	v17 =	vld.idx.msk [tilespmem:v60+s1+$0x0], $0xffff  }
0x9e: {  	v18 =	vld.idx.msk [tilespmem:v61+s1+$0x0], $0xffff  }
0x9f: {  	v62 =	vld.idx.msk [tilespmem:v58+s7+$0x0], $0xffff  }
0xa0: {  	v63 =	vld.idx.msk [tilespmem:v60+s7+$0x0], $0xffff  }
0xa1: {  	v21 =	vld.idx.msk [tilespmem:v58+s8+$0x0], $0xffff  }
0xa2: {  	v19 =	vld.idx.msk [tilespmem:v60+s8+$0x0], $0xffff  }
0xa3: {  	v28 =	vld.idx.msk [tilespmem:v61+s7+$0x0], $0xffff  }
0xa4: {  	v20 =	vld.idx.msk [tilespmem:v61+s8+$0x0], $0xffff  }
0xa5: {  	v16 =	vadd.f32 v17, v16  }
0xa6: {  	v29 =	vld [tilespmem:$0x9CC0];
	v17 =	vadd.f32 v63, v62  }
0xa7: {  	v31 =	vld [tilespmem:$0x9D40];
	v30 =	vadd.f32 v19, v21;
	v16 =	vadd.f32 v18, v16  }
0xa8: {  	v32 =	vld [tilespmem:$0x9DC0];
	v17 =	vadd.f32 v28, v17  }
0xa9: {  	v18 =	vadd.f32 v20, v30;
	v16 =	vmul.f32 $3.333333430e-01, v16  }
0xaa: {  	v17 =	vmul.f32 $3.333333430e-01, v17  }
0xab: {  	v18 =	vmul.f32 $3.333333430e-01, v18;
	[tilespmem:$0xA1B0] =	vst v16  }
0xac: {  	[tilespmem:$0xA1F0] =	vst v17  }
0xad: {  	[tilespmem:$0xA230] =	vst v18  }
0xae: {  	v16 =	vld.idx.msk [tilespmem:v29+s9+$0x0], $0xffff  }
0xaf: {  	v17 =	vld.idx.msk [tilespmem:v31+s9+$0x0], $0xffff  }
0xb0: {  	v18 =	vld.idx.msk [tilespmem:v32+s9+$0x0], $0xffff  }
0xb1: {  	v33 =	vld.idx.msk [tilespmem:v29+s10+$0x0], $0xffff  }
0xb2: {  	v34 =	vld.idx.msk [tilespmem:v31+s10+$0x0], $0xffff  }
0xb3: {  	v22 =	vld.idx.msk [tilespmem:v29+s11+$0x0], $0xffff  }
0xb4: {  	v19 =	vld.idx.msk [tilespmem:v31+s11+$0x0], $0xffff  }
0xb5: {  	v35 =	vld.idx.msk [tilespmem:v32+s10+$0x0], $0xffff  }
0xb6: {  	v21 =	vld.idx.msk [tilespmem:v32+s11+$0x0], $0xffff  }
0xb7: {  	v16 =	vadd.f32 v17, v16  }
0xb8: {  	v36 =	vld [tilespmem:$0x9CD0];
	v17 =	vadd.f32 v34, v33  }
0xb9: {  	v38 =	vld [tilespmem:$0x9D50];
	v37 =	vadd.f32 v19, v22;
	v16 =	vadd.f32 v18, v16  }
0xba: {  	v39 =	vld [tilespmem:$0x9DD0];
	v17 =	vadd.f32 v35, v17  }
0xbb: {  	v18 =	vadd.f32 v21, v37;
	v16 =	vmul.f32 $3.333333430e-01, v16  }
0xbc: {  	v17 =	vmul.f32 $3.333333430e-01, v17  }
0xbd: {  	v18 =	vmul.f32 $3.333333430e-01, v18;
	[tilespmem:$0xA240] =	vst v16  }
0xbe: {  	[tilespmem:$0xA2C0] =	vst v17  }
0xbf: {  	[tilespmem:$0xA340] =	vst v18  }
0xc0: {  	v16 =	vld.idx.msk [tilespmem:v36+s9+$0x0], $0xffff  }
0xc1: {  	v17 =	vld.idx.msk [tilespmem:v38+s9+$0x0], $0xffff  }
0xc2: {  	v18 =	vld.idx.msk [tilespmem:v39+s9+$0x0], $0xffff  }
0xc3: {  	v40 =	vld.idx.msk [tilespmem:v36+s10+$0x0], $0xffff  }
0xc4: {  	v41 =	vld.idx.msk [tilespmem:v38+s10+$0x0], $0xffff  }
0xc5: {  	v20 =	vld.idx.msk [tilespmem:v36+s11+$0x0], $0xffff  }
0xc6: {  	v19 =	vld.idx.msk [tilespmem:v38+s11+$0x0], $0xffff  }
0xc7: {  	v42 =	vld.idx.msk [tilespmem:v39+s10+$0x0], $0xffff  }
0xc8: {  	v22 =	vld.idx.msk [tilespmem:v39+s11+$0x0], $0xffff  }
0xc9: {  	v16 =	vadd.f32 v17, v16  }
0xca: {  	v43 =	vld [tilespmem:$0x9CE0];
	v17 =	vadd.f32 v41, v40  }
0xcb: {  	v45 =	vld [tilespmem:$0x9D60];
	v44 =	vadd.f32 v19, v20;
	v16 =	vadd.f32 v18, v16  }
0xcc: {  	v46 =	vld [tilespmem:$0x9DE0];
	v17 =	vadd.f32 v42, v17  }
0xcd: {  	v18 =	vadd.f32 v22, v44;
	v16 =	vmul.f32 $3.333333430e-01, v16  }
0xce: {  	v17 =	vmul.f32 $3.333333430e-01, v17  }
0xcf: {  	v18 =	vmul.f32 $3.333333430e-01, v18;
	[tilespmem:$0xA250] =	vst v16  }
0xd0: {  	[tilespmem:$0xA2D0] =	vst v17  }
0xd1: {  	[tilespmem:$0xA350] =	vst v18  }
0xd2: {  	v16 =	vld.idx.msk [tilespmem:v43+s9+$0x0], $0xffff  }
0xd3: {  	v17 =	vld.idx.msk [tilespmem:v45+s9+$0x0], $0xffff  }
0xd4: {  	v18 =	vld.idx.msk [tilespmem:v46+s9+$0x0], $0xffff  }
0xd5: {  	v47 =	vld.idx.msk [tilespmem:v43+s10+$0x0], $0xffff  }
0xd6: {  	v48 =	vld.idx.msk [tilespmem:v45+s10+$0x0], $0xffff  }
0xd7: {  	v21 =	vld.idx.msk [tilespmem:v43+s11+$0x0], $0xffff  }
0xd8: {  	v19 =	vld.idx.msk [tilespmem:v45+s11+$0x0], $0xffff  }
0xd9: {  	v49 =	vld.idx.msk [tilespmem:v46+s10+$0x0], $0xffff  }
0xda: {  	v20 =	vld.idx.msk [tilespmem:v46+s11+$0x0], $0xffff  }
0xdb: {  	v16 =	vadd.f32 v17, v16  }
0xdc: {  	v50 =	vld [tilespmem:$0x9CF0];
	v17 =	vadd.f32 v48, v47  }
0xdd: {  	v52 =	vld [tilespmem:$0x9D70];
	v51 =	vadd.f32 v19, v21;
	v16 =	vadd.f32 v18, v16  }
0xde: {  	v53 =	vld [tilespmem:$0x9DF0];
	v17 =	vadd.f32 v49, v17  }
0xdf: {  	v18 =	vadd.f32 v20, v51;
	v16 =	vmul.f32 $3.333333430e-01, v16  }
0xe0: {  	v17 =	vmul.f32 $3.333333430e-01, v17  }
0xe1: {  	v18 =	vmul.f32 $3.333333430e-01, v18;
	[tilespmem:$0xA260] =	vst v16  }
0xe2: {  	[tilespmem:$0xA2E0] =	vst v17  }
0xe3: {  	[tilespmem:$0xA360] =	vst v18  }
0xe4: {  	v16 =	vld.idx.msk [tilespmem:v50+s9+$0x0], $0xffff  }
0xe5: {  	v17 =	vld.idx.msk [tilespmem:v52+s9+$0x0], $0xffff  }
0xe6: {  	v18 =	vld.idx.msk [tilespmem:v53+s9+$0x0], $0xffff  }
0xe7: {  	v54 =	vld.idx.msk [tilespmem:v50+s10+$0x0], $0xffff  }
0xe8: {  	v55 =	vld.idx.msk [tilespmem:v52+s10+$0x0], $0xffff  }
0xe9: {  	v22 =	vld.idx.msk [tilespmem:v50+s11+$0x0], $0xffff  }
0xea: {  	v19 =	vld.idx.msk [tilespmem:v52+s11+$0x0], $0xffff  }
0xeb: {  	v56 =	vld.idx.msk [tilespmem:v53+s10+$0x0], $0xffff  }
0xec: {  	v21 =	vld.idx.msk [tilespmem:v53+s11+$0x0], $0xffff  }
0xed: {  	v16 =	vadd.f32 v17, v16  }
0xee: {  	v57 =	vld [tilespmem:$0x9D00];
	v17 =	vadd.f32 v55, v54  }
0xef: {  	v59 =	vld [tilespmem:$0x9D80];
	v58 =	vadd.f32 v19, v22;
	v16 =	vadd.f32 v18, v16  }
0xf0: {  	v60 =	vld [tilespmem:$0x9E00];
	v17 =	vadd.f32 v56, v17  }
0xf1: {  	v18 =	vadd.f32 v21, v58;
	v16 =	vmul.f32 $3.333333430e-01, v16  }
0xf2: {  	v17 =	vmul.f32 $3.333333430e-01, v17  }
0xf3: {  	v18 =	vmul.f32 $3.333333430e-01, v18;
	[tilespmem:$0xA270] =	vst v16  }
0xf4: {  	[tilespmem:$0xA2F0] =	vst v17  }
0xf5: {  	[tilespmem:$0xA370] =	vst v18  }
0xf6: {  	v16 =	vld.idx.msk [tilespmem:v57+s9+$0x0], $0xffff  }
0xf7: {  	v17 =	vld.idx.msk [tilespmem:v59+s9+$0x0], $0xffff  }
0xf8: {  	v18 =	vld.idx.msk [tilespmem:v60+s9+$0x0], $0xffff  }
0xf9: {  	v61 =	vld.idx.msk [tilespmem:v57+s10+$0x0], $0xffff  }
0xfa: {  	v62 =	vld.idx.msk [tilespmem:v59+s10+$0x0], $0xffff  }
0xfb: {  	v20 =	vld.idx.msk [tilespmem:v57+s11+$0x0], $0xffff  }
0xfc: {  	v19 =	vld.idx.msk [tilespmem:v59+s11+$0x0], $0xffff  }
0xfd: {  	v63 =	vld.idx.msk [tilespmem:v60+s10+$0x0], $0xffff  }
0xfe: {  	v22 =	vld.idx.msk [tilespmem:v60+s11+$0x0], $0xffff  }
0xff: {  	v16 =	vadd.f32 v17, v16  }
0x100: {  	v26 =	vld [tilespmem:$0x9D10];
	v17 =	vadd.f32 v62, v61  }
0x101: {  	v28 =	vld [tilespmem:$0x9D90];
	v27 =	vadd.f32 v19, v20;
	v16 =	vadd.f32 v18, v16  }
0x102: {  	v29 =	vld [tilespmem:$0x9E10];
	v17 =	vadd.f32 v63, v17  }
0x103: {  	v18 =	vadd.f32 v22, v27;
	v16 =	vmul.f32 $3.333333430e-01, v16  }
0x104: {  	v17 =	vmul.f32 $3.333333430e-01, v17  }
0x105: {  	v18 =	vmul.f32 $3.333333430e-01, v18;
	[tilespmem:$0xA280] =	vst v16  }
0x106: {  	[tilespmem:$0xA300] =	vst v17  }
0x107: {  	[tilespmem:$0xA380] =	vst v18  }
0x108: {  	v16 =	vld.idx.msk [tilespmem:v26+s9+$0x0], $0xffff  }
0x109: {  	v17 =	vld.idx.msk [tilespmem:v28+s9+$0x0], $0xffff  }
0x10a: {  	v18 =	vld.idx.msk [tilespmem:v29+s9+$0x0], $0xffff  }
0x10b: {  	v30 =	vld.idx.msk [tilespmem:v26+s10+$0x0], $0xffff  }
0x10c: {  	v31 =	vld.idx.msk [tilespmem:v28+s10+$0x0], $0xffff  }
0x10d: {  	v21 =	vld.idx.msk [tilespmem:v26+s11+$0x0], $0xffff  }
0x10e: {  	v19 =	vld.idx.msk [tilespmem:v28+s11+$0x0], $0xffff  }
0x10f: {  	v32 =	vld.idx.msk [tilespmem:v29+s10+$0x0], $0xffff  }
0x110: {  	v20 =	vld.idx.msk [tilespmem:v29+s11+$0x0], $0xffff  }
0x111: {  	v16 =	vadd.f32 v17, v16  }
0x112: {  	v33 =	vld [tilespmem:$0x9D20];
	v17 =	vadd.f32 v31, v30  }
0x113: {  	v35 =	vld [tilespmem:$0x9DA0];
	v34 =	vadd.f32 v19, v21;
	v16 =	vadd.f32 v18, v16  }
0x114: {  	v36 =	vld [tilespmem:$0x9E20];
	v17 =	vadd.f32 v32, v17  }
0x115: {  	v18 =	vadd.f32 v20, v34;
	v16 =	vmul.f32 $3.333333430e-01, v16  }
0x116: {  	v17 =	vmul.f32 $3.333333430e-01, v17  }
0x117: {  	v18 =	vmul.f32 $3.333333430e-01, v18;
	[tilespmem:$0xA290] =	vst v16  }
0x118: {  	[tilespmem:$0xA310] =	vst v17  }
0x119: {  	[tilespmem:$0xA390] =	vst v18  }
0x11a: {  	v16 =	vld.idx.msk [tilespmem:v33+s9+$0x0], $0xffff  }
0x11b: {  	v17 =	vld.idx.msk [tilespmem:v35+s9+$0x0], $0xffff  }
0x11c: {  	v18 =	vld.idx.msk [tilespmem:v36+s9+$0x0], $0xffff  }
0x11d: {  	v37 =	vld.idx.msk [tilespmem:v33+s10+$0x0], $0xffff  }
0x11e: {  	v38 =	vld.idx.msk [tilespmem:v35+s10+$0x0], $0xffff  }
0x11f: {  	v22 =	vld.idx.msk [tilespmem:v33+s11+$0x0], $0xffff  }
0x120: {  	v19 =	vld.idx.msk [tilespmem:v35+s11+$0x0], $0xffff  }
0x121: {  	v39 =	vld.idx.msk [tilespmem:v36+s10+$0x0], $0xffff  }
0x122: {  	v21 =	vld.idx.msk [tilespmem:v36+s11+$0x0], $0xffff  }
0x123: {  	v16 =	vadd.f32 v17, v16  }
0x124: {  	v40 =	vld [tilespmem:$0x9D30];
	v17 =	vadd.f32 v38, v37  }
0x125: {  	v42 =	vld [tilespmem:$0x9DB0];
	v41 =	vadd.f32 v19, v22;
	v16 =	vadd.f32 v18, v16  }
0x126: {  	v43 =	vld [tilespmem:$0x9E30];
	v17 =	vadd.f32 v39, v17  }
0x127: {  	v18 =	vadd.f32 v21, v41;
	v16 =	vmul.f32 $3.333333430e-01, v16  }
0x128: {  	v17 =	vmul.f32 $3.333333430e-01, v17  }
0x129: {  	v18 =	vmul.f32 $3.333333430e-01, v18;
	[tilespmem:$0xA2A0] =	vst v16  }
0x12a: {  	[tilespmem:$0xA320] =	vst v17  }
0x12b: {  	[tilespmem:$0xA3A0] =	vst v18  }
0x12c: {  	v16 =	vld.idx.msk [tilespmem:v40+s9+$0x0], $0xffff  }
0x12d: {  	v17 =	vld.idx.msk [tilespmem:v42+s9+$0x0], $0xffff  }
0x12e: {  	v18 =	vld.idx.msk [tilespmem:v43+s9+$0x0], $0xffff  }
0x12f: {  	v44 =	vld.idx.msk [tilespmem:v40+s10+$0x0], $0xffff  }
0x130: {  	v45 =	vld.idx.msk [tilespmem:v42+s10+$0x0], $0xffff  }
0x131: {  	v20 =	vld.idx.msk [tilespmem:v40+s11+$0x0], $0xffff  }
0x132: {  	v19 =	vld.idx.msk [tilespmem:v42+s11+$0x0], $0xffff  }
0x133: {  	v46 =	vld.idx.msk [tilespmem:v43+s10+$0x0], $0xffff  }
0x134: {  	v22 =	vld.idx.msk [tilespmem:v43+s11+$0x0], $0xffff  }
0x135: {  	v16 =	vadd.f32 v17, v16  }
0x136: {  	v17 =	vadd.f32 v45, v44  }
0x137: {  	v47 =	vadd.f32 v19, v20;
	v16 =	vadd.f32 v18, v16  }
0x138: {  	v17 =	vadd.f32 v46, v17  }
0x139: {  	v18 =	vadd.f32 v22, v47;
	v16 =	vmul.f32 $3.333333430e-01, v16  }
0x13a: {  	v17 =	vmul.f32 $3.333333430e-01, v17  }
0x13b: {  	v18 =	vmul.f32 $3.333333430e-01, v18;
	[tilespmem:$0xA2B0] =	vst v16  }
0x13c: {  	[tilespmem:$0xA330] =	vst v17  }
0x13d: {  	[tilespmem:$0xA3B0] =	vst v18  }
0x13e: {  	v16 =	vld.idx.msk [tilespmem:v0+s12+$0x0], $0xffff  }
0x13f: {  	v17 =	vld.idx.msk [tilespmem:v0+s13+$0x0], $0xffff;
	_ =	sdelay $0x1  }
0x140: {  	v18 =	vld.idx.msk [tilespmem:v0+s14+$0x0], $0xffff;
	_ =	sdelay $0x2  }
0x141: {  	v48 =	vld [tilespmem:$0x9E40]  }
0x142: {  	v49 =	vld [tilespmem:$0x9F40]  }
0x143: {  	v50 =	vld.idx.msk [tilespmem:v16+s1+$0x0], $0xffff  }
0x144: {  	v51 =	vld.idx.msk [tilespmem:v17+s1+$0x0], $0xffff  }
0x145: {  	v52 =	vld [tilespmem:$0xA040]  }
0x146: {  	v53 =	vld.idx.msk [tilespmem:v18+s1+$0x0], $0xffff;
	_ =	sdelay $0x2  }
0x147: {  	v21 =	vmul.f32 v50, v48;
	v22 =	vmul.f32 v51, v49;
	_ =	sdelay $0x1  }
0x148: {  	v54 =	vmul.f32 v53, v52;
	v21 =	vadd.f32 v22, v21;
	_ =	sdelay $0x1  }
0x149: {  	v21 =	vadd.f32 v54, v21;
	_ =	sdelay $0x1  }
0x14a: {  	[tilespmem:$0xA3C0] =	vst v21  }
0x14b: {  	v21 =	vld.idx.msk [tilespmem:v16+s7+$0x0], $0xffff  }
0x14c: {  	v55 =	vld.idx.msk [tilespmem:v17+s7+$0x0], $0xffff;
	_ =	sdelay $0x1  }
0x14d: {  	v56 =	vld.idx.msk [tilespmem:v18+s7+$0x0], $0xffff;
	_ =	sdelay $0x2  }
0x14e: {  	v21 =	vmul.f32 v21, v48;
	v22 =	vmul.f32 v55, v49;
	_ =	sdelay $0x1  }
0x14f: {  	v57 =	vmul.f32 v56, v52;
	v21 =	vadd.f32 v22, v21;
	_ =	sdelay $0x1  }
0x150: {  	v21 =	vadd.f32 v57, v21;
	_ =	sdelay $0x1  }
0x151: {  	[tilespmem:$0xA4C0] =	vst v21  }
0x152: {  	v16 =	vld.idx.msk [tilespmem:v16+s8+$0x0], $0xffff  }
0x153: {  	v17 =	vld.idx.msk [tilespmem:v17+s8+$0x0], $0xffff;
	_ =	sdelay $0x1  }
0x154: {  	v18 =	vld.idx.msk [tilespmem:v18+s8+$0x0], $0xffff;
	_ =	sdelay $0x2  }
0x155: {  	v16 =	vmul.f32 v16, v48;
	v17 =	vmul.f32 v17, v49;
	_ =	sdelay $0x1  }
0x156: {  	v16 =	vadd.f32 v17, v16;
	v17 =	vmul.f32 v18, v52;
	_ =	sdelay $0x1  }
0x157: {  	v16 =	vadd.f32 v17, v16;
	_ =	sdelay $0x1  }
0x158: {  	[tilespmem:$0xA5C0] =	vst v16  }
0x159: {  	v16 =	vld.idx.msk [tilespmem:v0+s21+$0x0], $0xffff;
	_ =	sdelay $0x4  }
0x15a: {  	[tilespmem:$0xA6C0] =	vst v16  }
0x15b: {  	v16 =	vld.idx.msk [tilespmem:v1+s12+$0x0], $0xffff  }
0x15c: {  	v17 =	vld.idx.msk [tilespmem:v1+s13+$0x0], $0xffff;
	_ =	sdelay $0x1  }
0x15d: {  	v58 =	vld.idx.msk [tilespmem:v1+s14+$0x0], $0xffff;
	_ =	sdelay $0x2  }
0x15e: {  	v59 =	vld [tilespmem:$0x9E50]  }
0x15f: {  	v60 =	vld [tilespmem:$0x9F50]  }
0x160: {  	v21 =	vld.idx.msk [tilespmem:v16+s1+$0x0], $0xffff  }
0x161: {  	v61 =	vld.idx.msk [tilespmem:v17+s1+$0x0], $0xffff  }
0x162: {  	v62 =	vld [tilespmem:$0xA050]  }
0x163: {  	v63 =	vld.idx.msk [tilespmem:v58+s1+$0x0], $0xffff;
	_ =	sdelay $0x2  }
0x164: {  	v21 =	vmul.f32 v21, v59;
	v22 =	vmul.f32 v61, v60;
	_ =	sdelay $0x1  }
0x165: {  	v28 =	vmul.f32 v63, v62;
	v21 =	vadd.f32 v22, v21;
	_ =	sdelay $0x1  }
0x166: {  	v21 =	vadd.f32 v28, v21;
	_ =	sdelay $0x1  }
0x167: {  	[tilespmem:$0xA3D0] =	vst v21  }
0x168: {  	v21 =	vld.idx.msk [tilespmem:v16+s7+$0x0], $0xffff  }
0x169: {  	v29 =	vld.idx.msk [tilespmem:v17+s7+$0x0], $0xffff;
	_ =	sdelay $0x1  }
0x16a: {  	v30 =	vld.idx.msk [tilespmem:v58+s7+$0x0], $0xffff;
	_ =	sdelay $0x2  }
0x16b: {  	v21 =	vmul.f32 v21, v59;
	v22 =	vmul.f32 v29, v60;
	_ =	sdelay $0x1  }
0x16c: {  	v31 =	vmul.f32 v30, v62;
	v21 =	vadd.f32 v22, v21;
	_ =	sdelay $0x1  }
0x16d: {  	v21 =	vadd.f32 v31, v21;
	_ =	sdelay $0x1  }
0x16e: {  	[tilespmem:$0xA4D0] =	vst v21  }
0x16f: {  	v16 =	vld.idx.msk [tilespmem:v16+s8+$0x0], $0xffff  }
0x170: {  	v17 =	vld.idx.msk [tilespmem:v17+s8+$0x0], $0xffff;
	_ =	sdelay $0x1  }
0x171: {  	v18 =	vld.idx.msk [tilespmem:v58+s8+$0x0], $0xffff;
	_ =	sdelay $0x2  }
0x172: {  	v16 =	vmul.f32 v16, v59;
	v17 =	vmul.f32 v17, v60;
	_ =	sdelay $0x1  }
0x173: {  	v16 =	vadd.f32 v17, v16;
	v17 =	vmul.f32 v18, v62;
	_ =	sdelay $0x1  }
0x174: {  	v16 =	vadd.f32 v17, v16;
	_ =	sdelay $0x1  }
0x175: {  	[tilespmem:$0xA5D0] =	vst v16  }
0x176: {  	v16 =	vld.idx.msk [tilespmem:v1+s21+$0x0], $0xffff;
	_ =	sdelay $0x4  }
0x177: {  	[tilespmem:$0xA6D0] =	vst v16  }
0x178: {  	v16 =	vld.idx.msk [tilespmem:v2+s12+$0x0], $0xffff  }
0x179: {  	v17 =	vld.idx.msk [tilespmem:v2+s13+$0x0], $0xffff;
	_ =	sdelay $0x1  }
0x17a: {  	v32 =	vld.idx.msk [tilespmem:v2+s14+$0x0], $0xffff;
	_ =	sdelay $0x2  }
0x17b: {  	v34 =	vld [tilespmem:$0x9F60]  }
0x17c: {  	v33 =	vld [tilespmem:$0x9E60]  }
0x17d: {  	v21 =	vld.idx.msk [tilespmem:v16+s1+$0x0], $0xffff  }
0x17e: {  	v35 =	vld.idx.msk [tilespmem:v17+s1+$0x0], $0xffff  }
0x17f: {  	v36 =	vld [tilespmem:$0xA060]  }
0x180: {  	v37 =	vld.idx.msk [tilespmem:v32+s1+$0x0], $0xffff;
	_ =	sdelay $0x2  }
0x181: {  	v21 =	vmul.f32 v21, v33;
	v22 =	vmul.f32 v35, v34;
	_ =	sdelay $0x1  }
0x182: {  	v38 =	vmul.f32 v37, v36;
	v21 =	vadd.f32 v22, v21;
	_ =	sdelay $0x1  }
0x183: {  	v21 =	vadd.f32 v38, v21;
	_ =	sdelay $0x1  }
0x184: {  	[tilespmem:$0xA3E0] =	vst v21  }
0x185: {  	v21 =	vld.idx.msk [tilespmem:v16+s7+$0x0], $0xffff  }
0x186: {  	v39 =	vld.idx.msk [tilespmem:v17+s7+$0x0], $0xffff;
	_ =	sdelay $0x1  }
0x187: {  	v40 =	vld.idx.msk [tilespmem:v32+s7+$0x0], $0xffff;
	_ =	sdelay $0x2  }
0x188: {  	v21 =	vmul.f32 v21, v33;
	v22 =	vmul.f32 v39, v34;
	_ =	sdelay $0x1  }
0x189: {  	v41 =	vmul.f32 v40, v36;
	v21 =	vadd.f32 v22, v21;
	_ =	sdelay $0x1  }
0x18a: {  	v21 =	vadd.f32 v41, v21;
	_ =	sdelay $0x1  }
0x18b: {  	[tilespmem:$0xA4E0] =	vst v21  }
0x18c: {  	v16 =	vld.idx.msk [tilespmem:v16+s8+$0x0], $0xffff  }
0x18d: {  	v17 =	vld.idx.msk [tilespmem:v17+s8+$0x0], $0xffff;
	_ =	sdelay $0x1  }
0x18e: {  	v18 =	vld.idx.msk [tilespmem:v32+s8+$0x0], $0xffff;
	_ =	sdelay $0x2  }
0x18f: {  	v16 =	vmul.f32 v16, v33;
	v17 =	vmul.f32 v17, v34;
	_ =	sdelay $0x1  }
0x190: {  	v16 =	vadd.f32 v17, v16;
	v17 =	vmul.f32 v18, v36;
	_ =	sdelay $0x1  }
0x191: {  	v16 =	vadd.f32 v17, v16;
	_ =	sdelay $0x1  }
0x192: {  	[tilespmem:$0xA5E0] =	vst v16  }
0x193: {  	v16 =	vld.idx.msk [tilespmem:v2+s21+$0x0], $0xffff;
	_ =	sdelay $0x4  }
0x194: {  	[tilespmem:$0xA6E0] =	vst v16  }
0x195: {  	v16 =	vld.idx.msk [tilespmem:v3+s12+$0x0], $0xffff  }
0x196: {  	v17 =	vld.idx.msk [tilespmem:v3+s13+$0x0], $0xffff;
	_ =	sdelay $0x1  }
0x197: {  	v42 =	vld.idx.msk [tilespmem:v3+s14+$0x0], $0xffff;
	_ =	sdelay $0x2  }
0x198: {  	v43 =	vld [tilespmem:$0x9E70]  }
0x199: {  	v44 =	vld [tilespmem:$0x9F70]  }
0x19a: {  	v21 =	vld.idx.msk [tilespmem:v16+s1+$0x0], $0xffff  }
0x19b: {  	v45 =	vld.idx.msk [tilespmem:v17+s1+$0x0], $0xffff  }
0x19c: {  	v46 =	vld [tilespmem:$0xA070]  }
0x19d: {  	v47 =	vld.idx.msk [tilespmem:v42+s1+$0x0], $0xffff;
	_ =	sdelay $0x2  }
0x19e: {  	v21 =	vmul.f32 v21, v43;
	v22 =	vmul.f32 v45, v44;
	_ =	sdelay $0x1  }
0x19f: {  	v48 =	vmul.f32 v47, v46;
	v21 =	vadd.f32 v22, v21;
	_ =	sdelay $0x1  }
0x1a0: {  	v21 =	vadd.f32 v48, v21;
	_ =	sdelay $0x1  }
0x1a1: {  	[tilespmem:$0xA3F0] =	vst v21  }
0x1a2: {  	v21 =	vld.idx.msk [tilespmem:v16+s7+$0x0], $0xffff  }
0x1a3: {  	v49 =	vld.idx.msk [tilespmem:v17+s7+$0x0], $0xffff;
	_ =	sdelay $0x1  }
0x1a4: {  	v50 =	vld.idx.msk [tilespmem:v42+s7+$0x0], $0xffff;
	_ =	sdelay $0x2  }
0x1a5: {  	v21 =	vmul.f32 v21, v43;
	v22 =	vmul.f32 v49, v44;
	_ =	sdelay $0x1  }
0x1a6: {  	v51 =	vmul.f32 v50, v46;
	v21 =	vadd.f32 v22, v21;
	_ =	sdelay $0x1  }
0x1a7: {  	v21 =	vadd.f32 v51, v21;
	_ =	sdelay $0x1  }
0x1a8: {  	[tilespmem:$0xA4F0] =	vst v21  }
0x1a9: {  	v16 =	vld.idx.msk [tilespmem:v16+s8+$0x0], $0xffff  }
0x1aa: {  	v17 =	vld.idx.msk [tilespmem:v17+s8+$0x0], $0xffff;
	_ =	sdelay $0x1  }
0x1ab: {  	v18 =	vld.idx.msk [tilespmem:v42+s8+$0x0], $0xffff;
	_ =	sdelay $0x2  }
0x1ac: {  	v16 =	vmul.f32 v16, v43;
	v17 =	vmul.f32 v17, v44;
	_ =	sdelay $0x1  }
0x1ad: {  	v16 =	vadd.f32 v17, v16;
	v17 =	vmul.f32 v18, v46;
	_ =	sdelay $0x1  }
0x1ae: {  	v16 =	vadd.f32 v17, v16;
	_ =	sdelay $0x1  }
0x1af: {  	[tilespmem:$0xA5F0] =	vst v16  }
0x1b0: {  	v16 =	vld.idx.msk [tilespmem:v3+s21+$0x0], $0xffff;
	_ =	sdelay $0x4  }
0x1b1: {  	[tilespmem:$0xA6F0] =	vst v16  }
0x1b2: {  	v16 =	vld.idx.msk [tilespmem:v4+s12+$0x0], $0xffff  }
0x1b3: {  	v17 =	vld.idx.msk [tilespmem:v4+s13+$0x0], $0xffff;
	_ =	sdelay $0x1  }
0x1b4: {  	v52 =	vld.idx.msk [tilespmem:v4+s14+$0x0], $0xffff;
	_ =	sdelay $0x2  }
0x1b5: {  	v53 =	vld [tilespmem:$0x9E80]  }
0x1b6: {  	v54 =	vld [tilespmem:$0x9F80]  }
0x1b7: {  	v21 =	vld.idx.msk [tilespmem:v16+s1+$0x0], $0xffff  }
0x1b8: {  	v55 =	vld.idx.msk [tilespmem:v17+s1+$0x0], $0xffff  }
0x1b9: {  	v56 =	vld [tilespmem:$0xA080]  }
0x1ba: {  	v57 =	vld.idx.msk [tilespmem:v52+s1+$0x0], $0xffff;
	_ =	sdelay $0x2  }
0x1bb: {  	v21 =	vmul.f32 v21, v53;
	v22 =	vmul.f32 v55, v54;
	_ =	sdelay $0x1  }
0x1bc: {  	v58 =	vmul.f32 v57, v56;
	v21 =	vadd.f32 v22, v21;
	_ =	sdelay $0x1  }
0x1bd: {  	v21 =	vadd.f32 v58, v21;
	_ =	sdelay $0x1  }
0x1be: {  	[tilespmem:$0xA400] =	vst v21  }
0x1bf: {  	v21 =	vld.idx.msk [tilespmem:v16+s7+$0x0], $0xffff  }
0x1c0: {  	v59 =	vld.idx.msk [tilespmem:v17+s7+$0x0], $0xffff;
	_ =	sdelay $0x1  }
0x1c1: {  	v60 =	vld.idx.msk [tilespmem:v52+s7+$0x0], $0xffff;
	_ =	sdelay $0x2  }
0x1c2: {  	v21 =	vmul.f32 v21, v53;
	v22 =	vmul.f32 v59, v54;
	_ =	sdelay $0x1  }
0x1c3: {  	v61 =	vmul.f32 v60, v56;
	v21 =	vadd.f32 v22, v21;
	_ =	sdelay $0x1  }
0x1c4: {  	v21 =	vadd.f32 v61, v21;
	_ =	sdelay $0x1  }
0x1c5: {  	[tilespmem:$0xA500] =	vst v21  }
0x1c6: {  	v16 =	vld.idx.msk [tilespmem:v16+s8+$0x0], $0xffff  }
0x1c7: {  	v17 =	vld.idx.msk [tilespmem:v17+s8+$0x0], $0xffff;
	_ =	sdelay $0x1  }
0x1c8: {  	v18 =	vld.idx.msk [tilespmem:v52+s8+$0x0], $0xffff;
	_ =	sdelay $0x2  }
0x1c9: {  	v16 =	vmul.f32 v16, v53;
	v17 =	vmul.f32 v17, v54;
	_ =	sdelay $0x1  }
0x1ca: {  	v16 =	vadd.f32 v17, v16;
	v17 =	vmul.f32 v18, v56;
	_ =	sdelay $0x1  }
0x1cb: {  	v16 =	vadd.f32 v17, v16;
	_ =	sdelay $0x1  }
0x1cc: {  	[tilespmem:$0xA600] =	vst v16  }
0x1cd: {  	v16 =	vld.idx.msk [tilespmem:v4+s21+$0x0], $0xffff;
	_ =	sdelay $0x4  }
0x1ce: {  	[tilespmem:$0xA700] =	vst v16  }
0x1cf: {  	v16 =	vld.idx.msk [tilespmem:v5+s12+$0x0], $0xffff  }
0x1d0: {  	v17 =	vld.idx.msk [tilespmem:v5+s13+$0x0], $0xffff;
	_ =	sdelay $0x1  }
0x1d1: {  	v62 =	vld.idx.msk [tilespmem:v5+s14+$0x0], $0xffff;
	_ =	sdelay $0x2  }
0x1d2: {  	v63 =	vld [tilespmem:$0x9E90]  }
0x1d3: {  	v28 =	vld [tilespmem:$0x9F90]  }
0x1d4: {  	v21 =	vld.idx.msk [tilespmem:v16+s1+$0x0], $0xffff  }
0x1d5: {  	v29 =	vld.idx.msk [tilespmem:v17+s1+$0x0], $0xffff  }
0x1d6: {  	v30 =	vld [tilespmem:$0xA090]  }
0x1d7: {  	v31 =	vld.idx.msk [tilespmem:v62+s1+$0x0], $0xffff;
	_ =	sdelay $0x2  }
0x1d8: {  	v21 =	vmul.f32 v21, v63;
	v22 =	vmul.f32 v29, v28;
	_ =	sdelay $0x1  }
0x1d9: {  	v32 =	vmul.f32 v31, v30;
	v21 =	vadd.f32 v22, v21;
	_ =	sdelay $0x1  }
0x1da: {  	v21 =	vadd.f32 v32, v21;
	_ =	sdelay $0x1  }
0x1db: {  	[tilespmem:$0xA410] =	vst v21  }
0x1dc: {  	v21 =	vld.idx.msk [tilespmem:v16+s7+$0x0], $0xffff  }
0x1dd: {  	v33 =	vld.idx.msk [tilespmem:v17+s7+$0x0], $0xffff;
	_ =	sdelay $0x1  }
0x1de: {  	v34 =	vld.idx.msk [tilespmem:v62+s7+$0x0], $0xffff;
	_ =	sdelay $0x2  }
0x1df: {  	v21 =	vmul.f32 v21, v63;
	v22 =	vmul.f32 v33, v28;
	_ =	sdelay $0x1  }
0x1e0: {  	v35 =	vmul.f32 v34, v30;
	v21 =	vadd.f32 v22, v21;
	_ =	sdelay $0x1  }
0x1e1: {  	v21 =	vadd.f32 v35, v21;
	_ =	sdelay $0x1  }
0x1e2: {  	[tilespmem:$0xA510] =	vst v21  }
0x1e3: {  	v16 =	vld.idx.msk [tilespmem:v16+s8+$0x0], $0xffff  }
0x1e4: {  	v17 =	vld.idx.msk [tilespmem:v17+s8+$0x0], $0xffff;
	_ =	sdelay $0x1  }
0x1e5: {  	v18 =	vld.idx.msk [tilespmem:v62+s8+$0x0], $0xffff;
	_ =	sdelay $0x2  }
0x1e6: {  	v16 =	vmul.f32 v16, v63;
	v17 =	vmul.f32 v17, v28;
	_ =	sdelay $0x1  }
0x1e7: {  	v16 =	vadd.f32 v17, v16;
	v17 =	vmul.f32 v18, v30;
	_ =	sdelay $0x1  }
0x1e8: {  	v16 =	vadd.f32 v17, v16;
	_ =	sdelay $0x1  }
0x1e9: {  	[tilespmem:$0xA610] =	vst v16  }
0x1ea: {  	v16 =	vld.idx.msk [tilespmem:v5+s21+$0x0], $0xffff;
	_ =	sdelay $0x4  }
0x1eb: {  	[tilespmem:$0xA710] =	vst v16  }
0x1ec: {  	v16 =	vld.idx.msk [tilespmem:v6+s12+$0x0], $0xffff  }
0x1ed: {  	v17 =	vld.idx.msk [tilespmem:v6+s13+$0x0], $0xffff;
	_ =	sdelay $0x1  }
0x1ee: {  	v36 =	vld.idx.msk [tilespmem:v6+s14+$0x0], $0xffff;
	_ =	sdelay $0x2  }
0x1ef: {  	v37 =	vld [tilespmem:$0x9EA0]  }
0x1f0: {  	v38 =	vld [tilespmem:$0x9FA0]  }
0x1f1: {  	v21 =	vld.idx.msk [tilespmem:v16+s1+$0x0], $0xffff  }
0x1f2: {  	v39 =	vld.idx.msk [tilespmem:v17+s1+$0x0], $0xffff  }
0x1f3: {  	v40 =	vld [tilespmem:$0xA0A0]  }
0x1f4: {  	v41 =	vld.idx.msk [tilespmem:v36+s1+$0x0], $0xffff;
	_ =	sdelay $0x2  }
0x1f5: {  	v21 =	vmul.f32 v21, v37;
	v22 =	vmul.f32 v39, v38;
	_ =	sdelay $0x1  }
0x1f6: {  	v42 =	vmul.f32 v41, v40;
	v21 =	vadd.f32 v22, v21;
	_ =	sdelay $0x1  }
0x1f7: {  	v21 =	vadd.f32 v42, v21;
	_ =	sdelay $0x1  }
0x1f8: {  	[tilespmem:$0xA420] =	vst v21  }
0x1f9: {  	v21 =	vld.idx.msk [tilespmem:v16+s7+$0x0], $0xffff  }
0x1fa: {  	v43 =	vld.idx.msk [tilespmem:v17+s7+$0x0], $0xffff;
	_ =	sdelay $0x1  }
0x1fb: {  	v44 =	vld.idx.msk [tilespmem:v36+s7+$0x0], $0xffff;
	_ =	sdelay $0x2  }
0x1fc: {  	v21 =	vmul.f32 v21, v37;
	v22 =	vmul.f32 v43, v38;
	_ =	sdelay $0x1  }
0x1fd: {  	v45 =	vmul.f32 v44, v40;
	v21 =	vadd.f32 v22, v21;
	_ =	sdelay $0x1  }
0x1fe: {  	v21 =	vadd.f32 v45, v21;
	_ =	sdelay $0x1  }
0x1ff: {  	[tilespmem:$0xA520] =	vst v21  }
0x200: {  	v16 =	vld.idx.msk [tilespmem:v16+s8+$0x0], $0xffff  }
0x201: {  	v17 =	vld.idx.msk [tilespmem:v17+s8+$0x0], $0xffff;
	_ =	sdelay $0x1  }
0x202: {  	v18 =	vld.idx.msk [tilespmem:v36+s8+$0x0], $0xffff;
	_ =	sdelay $0x2  }
0x203: {  	v16 =	vmul.f32 v16, v37;
	v17 =	vmul.f32 v17, v38;
	_ =	sdelay $0x1  }
0x204: {  	v16 =	vadd.f32 v17, v16;
	v17 =	vmul.f32 v18, v40;
	_ =	sdelay $0x1  }
0x205: {  	v16 =	vadd.f32 v17, v16;
	_ =	sdelay $0x1  }
0x206: {  	[tilespmem:$0xA620] =	vst v16  }
0x207: {  	v16 =	vld.idx.msk [tilespmem:v6+s21+$0x0], $0xffff;
	_ =	sdelay $0x4  }
0x208: {  	[tilespmem:$0xA720] =	vst v16  }
0x209: {  	v16 =	vld.idx.msk [tilespmem:v7+s12+$0x0], $0xffff  }
0x20a: {  	v17 =	vld.idx.msk [tilespmem:v7+s13+$0x0], $0xffff;
	_ =	sdelay $0x1  }
0x20b: {  	v46 =	vld.idx.msk [tilespmem:v7+s14+$0x0], $0xffff;
	_ =	sdelay $0x2  }
0x20c: {  	v47 =	vld [tilespmem:$0x9EB0]  }
0x20d: {  	v48 =	vld [tilespmem:$0x9FB0]  }
0x20e: {  	v21 =	vld.idx.msk [tilespmem:v16+s1+$0x0], $0xffff  }
0x20f: {  	v49 =	vld.idx.msk [tilespmem:v17+s1+$0x0], $0xffff  }
0x210: {  	v50 =	vld [tilespmem:$0xA0B0]  }
0x211: {  	v51 =	vld.idx.msk [tilespmem:v46+s1+$0x0], $0xffff;
	_ =	sdelay $0x2  }
0x212: {  	v21 =	vmul.f32 v21, v47;
	v22 =	vmul.f32 v49, v48;
	_ =	sdelay $0x1  }
0x213: {  	v52 =	vmul.f32 v51, v50;
	v21 =	vadd.f32 v22, v21;
	_ =	sdelay $0x1  }
0x214: {  	v21 =	vadd.f32 v52, v21;
	_ =	sdelay $0x1  }
0x215: {  	[tilespmem:$0xA430] =	vst v21  }
0x216: {  	v21 =	vld.idx.msk [tilespmem:v16+s7+$0x0], $0xffff  }
0x217: {  	v53 =	vld.idx.msk [tilespmem:v17+s7+$0x0], $0xffff;
	_ =	sdelay $0x1  }
0x218: {  	v54 =	vld.idx.msk [tilespmem:v46+s7+$0x0], $0xffff;
	_ =	sdelay $0x2  }
0x219: {  	v21 =	vmul.f32 v21, v47;
	v22 =	vmul.f32 v53, v48;
	_ =	sdelay $0x1  }
0x21a: {  	v55 =	vmul.f32 v54, v50;
	v21 =	vadd.f32 v22, v21;
	_ =	sdelay $0x1  }
0x21b: {  	v21 =	vadd.f32 v55, v21;
	_ =	sdelay $0x1  }
0x21c: {  	[tilespmem:$0xA530] =	vst v21  }
0x21d: {  	v16 =	vld.idx.msk [tilespmem:v16+s8+$0x0], $0xffff  }
0x21e: {  	v17 =	vld.idx.msk [tilespmem:v17+s8+$0x0], $0xffff;
	_ =	sdelay $0x1  }
0x21f: {  	v18 =	vld.idx.msk [tilespmem:v46+s8+$0x0], $0xffff;
	_ =	sdelay $0x2  }
0x220: {  	v16 =	vmul.f32 v16, v47;
	v17 =	vmul.f32 v17, v48;
	_ =	sdelay $0x1  }
0x221: {  	v16 =	vadd.f32 v17, v16;
	v17 =	vmul.f32 v18, v50;
	_ =	sdelay $0x1  }
0x222: {  	v16 =	vadd.f32 v17, v16;
	_ =	sdelay $0x1  }
0x223: {  	[tilespmem:$0xA630] =	vst v16  }
0x224: {  	v16 =	vld.idx.msk [tilespmem:v7+s21+$0x0], $0xffff;
	_ =	sdelay $0x4  }
0x225: {  	[tilespmem:$0xA730] =	vst v16  }
0x226: {  	v16 =	vld.idx.msk [tilespmem:v8+s12+$0x0], $0xffff  }
0x227: {  	v17 =	vld.idx.msk [tilespmem:v8+s13+$0x0], $0xffff;
	_ =	sdelay $0x1  }
0x228: {  	v56 =	vld.idx.msk [tilespmem:v8+s14+$0x0], $0xffff;
	_ =	sdelay $0x2  }
0x229: {  	v57 =	vld [tilespmem:$0x9EC0]  }
0x22a: {  	v58 =	vld [tilespmem:$0x9FC0]  }
0x22b: {  	v21 =	vld.idx.msk [tilespmem:v16+s1+$0x0], $0xffff  }
0x22c: {  	v59 =	vld.idx.msk [tilespmem:v17+s1+$0x0], $0xffff  }
0x22d: {  	v60 =	vld [tilespmem:$0xA0C0]  }
0x22e: {  	v61 =	vld.idx.msk [tilespmem:v56+s1+$0x0], $0xffff;
	_ =	sdelay $0x2  }
0x22f: {  	v21 =	vmul.f32 v21, v57;
	v22 =	vmul.f32 v59, v58;
	_ =	sdelay $0x1  }
0x230: {  	v62 =	vmul.f32 v61, v60;
	v21 =	vadd.f32 v22, v21;
	_ =	sdelay $0x1  }
0x231: {  	v21 =	vadd.f32 v62, v21;
	_ =	sdelay $0x1  }
0x232: {  	[tilespmem:$0xA440] =	vst v21  }
0x233: {  	v21 =	vld.idx.msk [tilespmem:v16+s7+$0x0], $0xffff  }
0x234: {  	v63 =	vld.idx.msk [tilespmem:v17+s7+$0x0], $0xffff;
	_ =	sdelay $0x1  }
0x235: {  	v28 =	vld.idx.msk [tilespmem:v56+s7+$0x0], $0xffff;
	_ =	sdelay $0x2  }
0x236: {  	v21 =	vmul.f32 v21, v57;
	v22 =	vmul.f32 v63, v58;
	_ =	sdelay $0x1  }
0x237: {  	v29 =	vmul.f32 v28, v60;
	v21 =	vadd.f32 v22, v21;
	_ =	sdelay $0x1  }
0x238: {  	v21 =	vadd.f32 v29, v21;
	_ =	sdelay $0x1  }
0x239: {  	[tilespmem:$0xA540] =	vst v21  }
0x23a: {  	v16 =	vld.idx.msk [tilespmem:v16+s8+$0x0], $0xffff  }
0x23b: {  	v17 =	vld.idx.msk [tilespmem:v17+s8+$0x0], $0xffff;
	_ =	sdelay $0x1  }
0x23c: {  	v18 =	vld.idx.msk [tilespmem:v56+s8+$0x0], $0xffff;
	_ =	sdelay $0x2  }
0x23d: {  	v16 =	vmul.f32 v16, v57;
	v17 =	vmul.f32 v17, v58;
	_ =	sdelay $0x1  }
0x23e: {  	v16 =	vadd.f32 v17, v16;
	v17 =	vmul.f32 v18, v60;
	_ =	sdelay $0x1  }
0x23f: {  	v16 =	vadd.f32 v17, v16;
	_ =	sdelay $0x1  }
0x240: {  	[tilespmem:$0xA640] =	vst v16  }
0x241: {  	v16 =	vld.idx.msk [tilespmem:v8+s21+$0x0], $0xffff;
	_ =	sdelay $0x4  }
0x242: {  	[tilespmem:$0xA740] =	vst v16  }
0x243: {  	v16 =	vld.idx.msk [tilespmem:v9+s12+$0x0], $0xffff  }
0x244: {  	v17 =	vld.idx.msk [tilespmem:v9+s13+$0x0], $0xffff;
	_ =	sdelay $0x1  }
0x245: {  	v30 =	vld.idx.msk [tilespmem:v9+s14+$0x0], $0xffff;
	_ =	sdelay $0x2  }
0x246: {  	v31 =	vld [tilespmem:$0x9ED0]  }
0x247: {  	v32 =	vld [tilespmem:$0x9FD0]  }
0x248: {  	v21 =	vld.idx.msk [tilespmem:v16+s1+$0x0], $0xffff  }
0x249: {  	v33 =	vld.idx.msk [tilespmem:v17+s1+$0x0], $0xffff  }
0x24a: {  	v34 =	vld [tilespmem:$0xA0D0]  }
0x24b: {  	v35 =	vld.idx.msk [tilespmem:v30+s1+$0x0], $0xffff;
	_ =	sdelay $0x2  }
0x24c: {  	v21 =	vmul.f32 v21, v31;
	v22 =	vmul.f32 v33, v32;
	_ =	sdelay $0x1  }
0x24d: {  	v36 =	vmul.f32 v35, v34;
	v21 =	vadd.f32 v22, v21;
	_ =	sdelay $0x1  }
0x24e: {  	v21 =	vadd.f32 v36, v21;
	_ =	sdelay $0x1  }
0x24f: {  	[tilespmem:$0xA450] =	vst v21  }
0x250: {  	v21 =	vld.idx.msk [tilespmem:v16+s7+$0x0], $0xffff  }
0x251: {  	v37 =	vld.idx.msk [tilespmem:v17+s7+$0x0], $0xffff;
	_ =	sdelay $0x1  }
0x252: {  	v38 =	vld.idx.msk [tilespmem:v30+s7+$0x0], $0xffff;
	_ =	sdelay $0x2  }
0x253: {  	v21 =	vmul.f32 v21, v31;
	v22 =	vmul.f32 v37, v32;
	_ =	sdelay $0x1  }
0x254: {  	v39 =	vmul.f32 v38, v34;
	v21 =	vadd.f32 v22, v21;
	_ =	sdelay $0x1  }
0x255: {  	v21 =	vadd.f32 v39, v21;
	_ =	sdelay $0x1  }
0x256: {  	[tilespmem:$0xA550] =	vst v21  }
0x257: {  	v16 =	vld.idx.msk [tilespmem:v16+s8+$0x0], $0xffff  }
0x258: {  	v17 =	vld.idx.msk [tilespmem:v17+s8+$0x0], $0xffff;
	_ =	sdelay $0x1  }
0x259: {  	v18 =	vld.idx.msk [tilespmem:v30+s8+$0x0], $0xffff;
	_ =	sdelay $0x2  }
0x25a: {  	v16 =	vmul.f32 v16, v31;
	v17 =	vmul.f32 v17, v32;
	_ =	sdelay $0x1  }
0x25b: {  	v16 =	vadd.f32 v17, v16;
	v17 =	vmul.f32 v18, v34;
	_ =	sdelay $0x1  }
0x25c: {  	v16 =	vadd.f32 v17, v16;
	_ =	sdelay $0x1  }
0x25d: {  	[tilespmem:$0xA650] =	vst v16  }
0x25e: {  	v16 =	vld.idx.msk [tilespmem:v9+s21+$0x0], $0xffff;
	_ =	sdelay $0x4  }
0x25f: {  	[tilespmem:$0xA750] =	vst v16  }
0x260: {  	v16 =	vld.idx.msk [tilespmem:v10+s12+$0x0], $0xffff  }
0x261: {  	v17 =	vld.idx.msk [tilespmem:v10+s13+$0x0], $0xffff;
	_ =	sdelay $0x1  }
0x262: {  	v40 =	vld.idx.msk [tilespmem:v10+s14+$0x0], $0xffff;
	_ =	sdelay $0x2  }
0x263: {  	v41 =	vld [tilespmem:$0x9EE0]  }
0x264: {  	v42 =	vld [tilespmem:$0x9FE0]  }
0x265: {  	v21 =	vld.idx.msk [tilespmem:v16+s1+$0x0], $0xffff  }
0x266: {  	v43 =	vld.idx.msk [tilespmem:v17+s1+$0x0], $0xffff  }
0x267: {  	v44 =	vld [tilespmem:$0xA0E0]  }
0x268: {  	v45 =	vld.idx.msk [tilespmem:v40+s1+$0x0], $0xffff;
	_ =	sdelay $0x2  }
0x269: {  	v21 =	vmul.f32 v21, v41;
	v22 =	vmul.f32 v43, v42;
	_ =	sdelay $0x1  }
0x26a: {  	v46 =	vmul.f32 v45, v44;
	v21 =	vadd.f32 v22, v21;
	_ =	sdelay $0x1  }
0x26b: {  	v21 =	vadd.f32 v46, v21;
	_ =	sdelay $0x1  }
0x26c: {  	[tilespmem:$0xA460] =	vst v21  }
0x26d: {  	v21 =	vld.idx.msk [tilespmem:v16+s7+$0x0], $0xffff  }
0x26e: {  	v47 =	vld.idx.msk [tilespmem:v17+s7+$0x0], $0xffff;
	_ =	sdelay $0x1  }
0x26f: {  	v48 =	vld.idx.msk [tilespmem:v40+s7+$0x0], $0xffff;
	_ =	sdelay $0x2  }
0x270: {  	v21 =	vmul.f32 v21, v41;
	v22 =	vmul.f32 v47, v42;
	_ =	sdelay $0x1  }
0x271: {  	v49 =	vmul.f32 v48, v44;
	v21 =	vadd.f32 v22, v21;
	_ =	sdelay $0x1  }
0x272: {  	v21 =	vadd.f32 v49, v21;
	_ =	sdelay $0x1  }
0x273: {  	[tilespmem:$0xA560] =	vst v21  }
0x274: {  	v16 =	vld.idx.msk [tilespmem:v16+s8+$0x0], $0xffff  }
0x275: {  	v17 =	vld.idx.msk [tilespmem:v17+s8+$0x0], $0xffff;
	_ =	sdelay $0x1  }
0x276: {  	v18 =	vld.idx.msk [tilespmem:v40+s8+$0x0], $0xffff;
	_ =	sdelay $0x2  }
0x277: {  	v16 =	vmul.f32 v16, v41;
	v17 =	vmul.f32 v17, v42;
	_ =	sdelay $0x1  }
0x278: {  	v16 =	vadd.f32 v17, v16;
	v17 =	vmul.f32 v18, v44;
	_ =	sdelay $0x1  }
0x279: {  	v16 =	vadd.f32 v17, v16;
	_ =	sdelay $0x1  }
0x27a: {  	[tilespmem:$0xA660] =	vst v16  }
0x27b: {  	v16 =	vld.idx.msk [tilespmem:v10+s21+$0x0], $0xffff;
	_ =	sdelay $0x4  }
0x27c: {  	[tilespmem:$0xA760] =	vst v16  }
0x27d: {  	v16 =	vld.idx.msk [tilespmem:v11+s12+$0x0], $0xffff  }
0x27e: {  	v17 =	vld.idx.msk [tilespmem:v11+s13+$0x0], $0xffff;
	_ =	sdelay $0x1  }
0x27f: {  	v50 =	vld.idx.msk [tilespmem:v11+s14+$0x0], $0xffff;
	_ =	sdelay $0x2  }
0x280: {  	v51 =	vld [tilespmem:$0x9EF0]  }
0x281: {  	v52 =	vld [tilespmem:$0x9FF0]  }
0x282: {  	v21 =	vld.idx.msk [tilespmem:v16+s1+$0x0], $0xffff  }
0x283: {  	v53 =	vld.idx.msk [tilespmem:v17+s1+$0x0], $0xffff  }
0x284: {  	v54 =	vld [tilespmem:$0xA0F0]  }
0x285: {  	v55 =	vld.idx.msk [tilespmem:v50+s1+$0x0], $0xffff;
	_ =	sdelay $0x2  }
0x286: {  	v21 =	vmul.f32 v21, v51;
	v22 =	vmul.f32 v53, v52;
	_ =	sdelay $0x1  }
0x287: {  	v56 =	vmul.f32 v55, v54;
	v21 =	vadd.f32 v22, v21;
	_ =	sdelay $0x1  }
0x288: {  	v21 =	vadd.f32 v56, v21;
	_ =	sdelay $0x1  }
0x289: {  	[tilespmem:$0xA470] =	vst v21  }
0x28a: {  	v21 =	vld.idx.msk [tilespmem:v16+s7+$0x0], $0xffff  }
0x28b: {  	v57 =	vld.idx.msk [tilespmem:v17+s7+$0x0], $0xffff;
	_ =	sdelay $0x1  }
0x28c: {  	v58 =	vld.idx.msk [tilespmem:v50+s7+$0x0], $0xffff;
	_ =	sdelay $0x2  }
0x28d: {  	v21 =	vmul.f32 v21, v51;
	v22 =	vmul.f32 v57, v52;
	_ =	sdelay $0x1  }
0x28e: {  	v59 =	vmul.f32 v58, v54;
	v21 =	vadd.f32 v22, v21;
	_ =	sdelay $0x1  }
0x28f: {  	v21 =	vadd.f32 v59, v21;
	_ =	sdelay $0x1  }
0x290: {  	[tilespmem:$0xA570] =	vst v21  }
0x291: {  	v16 =	vld.idx.msk [tilespmem:v16+s8+$0x0], $0xffff  }
0x292: {  	v17 =	vld.idx.msk [tilespmem:v17+s8+$0x0], $0xffff;
	_ =	sdelay $0x1  }
0x293: {  	v18 =	vld.idx.msk [tilespmem:v50+s8+$0x0], $0xffff;
	_ =	sdelay $0x2  }
0x294: {  	v16 =	vmul.f32 v16, v51;
	v17 =	vmul.f32 v17, v52;
	_ =	sdelay $0x1  }
0x295: {  	v16 =	vadd.f32 v17, v16;
	v17 =	vmul.f32 v18, v54;
	_ =	sdelay $0x1  }
0x296: {  	v16 =	vadd.f32 v17, v16;
	_ =	sdelay $0x1  }
0x297: {  	[tilespmem:$0xA670] =	vst v16  }
0x298: {  	v16 =	vld.idx.msk [tilespmem:v11+s21+$0x0], $0xffff;
	_ =	sdelay $0x4  }
0x299: {  	[tilespmem:$0xA770] =	vst v16  }
0x29a: {  	v16 =	vld.idx.msk [tilespmem:v12+s12+$0x0], $0xffff  }
0x29b: {  	v17 =	vld.idx.msk [tilespmem:v12+s13+$0x0], $0xffff;
	_ =	sdelay $0x1  }
0x29c: {  	v60 =	vld.idx.msk [tilespmem:v12+s14+$0x0], $0xffff;
	_ =	sdelay $0x2  }
0x29d: {  	v61 =	vld [tilespmem:$0x9F00]  }
0x29e: {  	v62 =	vld [tilespmem:$0xA000]  }
0x29f: {  	v21 =	vld.idx.msk [tilespmem:v16+s1+$0x0], $0xffff  }
0x2a0: {  	v63 =	vld.idx.msk [tilespmem:v17+s1+$0x0], $0xffff  }
0x2a1: {  	v28 =	vld [tilespmem:$0xA100]  }
0x2a2: {  	v29 =	vld.idx.msk [tilespmem:v60+s1+$0x0], $0xffff;
	_ =	sdelay $0x2  }
0x2a3: {  	v21 =	vmul.f32 v21, v61;
	v22 =	vmul.f32 v63, v62;
	_ =	sdelay $0x1  }
0x2a4: {  	v30 =	vmul.f32 v29, v28;
	v21 =	vadd.f32 v22, v21;
	_ =	sdelay $0x1  }
0x2a5: {  	v21 =	vadd.f32 v30, v21;
	_ =	sdelay $0x1  }
0x2a6: {  	[tilespmem:$0xA480] =	vst v21  }
0x2a7: {  	v21 =	vld.idx.msk [tilespmem:v16+s7+$0x0], $0xffff  }
0x2a8: {  	v31 =	vld.idx.msk [tilespmem:v17+s7+$0x0], $0xffff;
	_ =	sdelay $0x1  }
0x2a9: {  	v32 =	vld.idx.msk [tilespmem:v60+s7+$0x0], $0xffff;
	_ =	sdelay $0x2  }
0x2aa: {  	v21 =	vmul.f32 v21, v61;
	v22 =	vmul.f32 v31, v62;
	_ =	sdelay $0x1  }
0x2ab: {  	v33 =	vmul.f32 v32, v28;
	v21 =	vadd.f32 v22, v21;
	_ =	sdelay $0x1  }
0x2ac: {  	v21 =	vadd.f32 v33, v21;
	_ =	sdelay $0x1  }
0x2ad: {  	[tilespmem:$0xA580] =	vst v21  }
0x2ae: {  	v16 =	vld.idx.msk [tilespmem:v16+s8+$0x0], $0xffff  }
0x2af: {  	v17 =	vld.idx.msk [tilespmem:v17+s8+$0x0], $0xffff;
	_ =	sdelay $0x1  }
0x2b0: {  	v18 =	vld.idx.msk [tilespmem:v60+s8+$0x0], $0xffff;
	_ =	sdelay $0x2  }
0x2b1: {  	v16 =	vmul.f32 v16, v61;
	v17 =	vmul.f32 v17, v62;
	_ =	sdelay $0x1  }
0x2b2: {  	v16 =	vadd.f32 v17, v16;
	v17 =	vmul.f32 v18, v28;
	_ =	sdelay $0x1  }
0x2b3: {  	v16 =	vadd.f32 v17, v16;
	_ =	sdelay $0x1  }
0x2b4: {  	[tilespmem:$0xA680] =	vst v16  }
0x2b5: {  	v16 =	vld.idx.msk [tilespmem:v12+s21+$0x0], $0xffff;
	_ =	sdelay $0x4  }
0x2b6: {  	[tilespmem:$0xA780] =	vst v16  }
0x2b7: {  	v16 =	vld.idx.msk [tilespmem:v13+s12+$0x0], $0xffff  }
0x2b8: {  	v17 =	vld.idx.msk [tilespmem:v13+s13+$0x0], $0xffff;
	_ =	sdelay $0x1  }
0x2b9: {  	v34 =	vld.idx.msk [tilespmem:v13+s14+$0x0], $0xffff;
	_ =	sdelay $0x2  }
0x2ba: {  	v35 =	vld [tilespmem:$0x9F10]  }
0x2bb: {  	v36 =	vld [tilespmem:$0xA010]  }
0x2bc: {  	v21 =	vld.idx.msk [tilespmem:v16+s1+$0x0], $0xffff  }
0x2bd: {  	v37 =	vld.idx.msk [tilespmem:v17+s1+$0x0], $0xffff  }
0x2be: {  	v38 =	vld [tilespmem:$0xA110]  }
0x2bf: {  	v39 =	vld.idx.msk [tilespmem:v34+s1+$0x0], $0xffff;
	_ =	sdelay $0x2  }
0x2c0: {  	v21 =	vmul.f32 v21, v35;
	v22 =	vmul.f32 v37, v36;
	_ =	sdelay $0x1  }
0x2c1: {  	v40 =	vmul.f32 v39, v38;
	v21 =	vadd.f32 v22, v21;
	_ =	sdelay $0x1  }
0x2c2: {  	v21 =	vadd.f32 v40, v21;
	_ =	sdelay $0x1  }
0x2c3: {  	[tilespmem:$0xA490] =	vst v21  }
0x2c4: {  	v21 =	vld.idx.msk [tilespmem:v16+s7+$0x0], $0xffff  }
0x2c5: {  	v41 =	vld.idx.msk [tilespmem:v17+s7+$0x0], $0xffff;
	_ =	sdelay $0x1  }
0x2c6: {  	v42 =	vld.idx.msk [tilespmem:v34+s7+$0x0], $0xffff;
	_ =	sdelay $0x2  }
0x2c7: {  	v21 =	vmul.f32 v21, v35;
	v22 =	vmul.f32 v41, v36;
	_ =	sdelay $0x1  }
0x2c8: {  	v43 =	vmul.f32 v42, v38;
	v21 =	vadd.f32 v22, v21;
	_ =	sdelay $0x1  }
0x2c9: {  	v21 =	vadd.f32 v43, v21;
	_ =	sdelay $0x1  }
0x2ca: {  	[tilespmem:$0xA590] =	vst v21  }
0x2cb: {  	v16 =	vld.idx.msk [tilespmem:v16+s8+$0x0], $0xffff  }
0x2cc: {  	v17 =	vld.idx.msk [tilespmem:v17+s8+$0x0], $0xffff;
	_ =	sdelay $0x1  }
0x2cd: {  	v18 =	vld.idx.msk [tilespmem:v34+s8+$0x0], $0xffff;
	_ =	sdelay $0x2  }
0x2ce: {  	v16 =	vmul.f32 v16, v35;
	v17 =	vmul.f32 v17, v36;
	_ =	sdelay $0x1  }
0x2cf: {  	v16 =	vadd.f32 v17, v16;
	v17 =	vmul.f32 v18, v38;
	_ =	sdelay $0x1  }
0x2d0: {  	v16 =	vadd.f32 v17, v16;
	_ =	sdelay $0x1  }
0x2d1: {  	[tilespmem:$0xA690] =	vst v16  }
0x2d2: {  	v16 =	vld.idx.msk [tilespmem:v13+s21+$0x0], $0xffff;
	_ =	sdelay $0x4  }
0x2d3: {  	[tilespmem:$0xA790] =	vst v16  }
0x2d4: {  	v16 =	vld.idx.msk [tilespmem:v14+s12+$0x0], $0xffff  }
0x2d5: {  	v17 =	vld.idx.msk [tilespmem:v14+s13+$0x0], $0xffff;
	_ =	sdelay $0x1  }
0x2d6: {  	v44 =	vld.idx.msk [tilespmem:v14+s14+$0x0], $0xffff;
	_ =	sdelay $0x2  }
0x2d7: {  	v45 =	vld [tilespmem:$0x9F20]  }
0x2d8: {  	v46 =	vld [tilespmem:$0xA020]  }
0x2d9: {  	v21 =	vld.idx.msk [tilespmem:v16+s1+$0x0], $0xffff  }
0x2da: {  	v47 =	vld.idx.msk [tilespmem:v17+s1+$0x0], $0xffff  }
0x2db: {  	v48 =	vld [tilespmem:$0xA120]  }
0x2dc: {  	v49 =	vld.idx.msk [tilespmem:v44+s1+$0x0], $0xffff;
	_ =	sdelay $0x2  }
0x2dd: {  	v21 =	vmul.f32 v21, v45;
	v22 =	vmul.f32 v47, v46;
	_ =	sdelay $0x1  }
0x2de: {  	v50 =	vmul.f32 v49, v48;
	v21 =	vadd.f32 v22, v21;
	_ =	sdelay $0x1  }
0x2df: {  	v21 =	vadd.f32 v50, v21;
	_ =	sdelay $0x1  }
0x2e0: {  	[tilespmem:$0xA4A0] =	vst v21  }
0x2e1: {  	v21 =	vld.idx.msk [tilespmem:v16+s7+$0x0], $0xffff  }
0x2e2: {  	v51 =	vld.idx.msk [tilespmem:v17+s7+$0x0], $0xffff;
	_ =	sdelay $0x1  }
0x2e3: {  	v52 =	vld.idx.msk [tilespmem:v44+s7+$0x0], $0xffff;
	_ =	sdelay $0x2  }
0x2e4: {  	v21 =	vmul.f32 v21, v45;
	v22 =	vmul.f32 v51, v46;
	_ =	sdelay $0x1  }
0x2e5: {  	v53 =	vmul.f32 v52, v48;
	v21 =	vadd.f32 v22, v21;
	_ =	sdelay $0x1  }
0x2e6: {  	v21 =	vadd.f32 v53, v21;
	_ =	sdelay $0x1  }
0x2e7: {  	[tilespmem:$0xA5A0] =	vst v21  }
0x2e8: {  	v16 =	vld.idx.msk [tilespmem:v16+s8+$0x0], $0xffff  }
0x2e9: {  	v17 =	vld.idx.msk [tilespmem:v17+s8+$0x0], $0xffff;
	_ =	sdelay $0x1  }
0x2ea: {  	v18 =	vld.idx.msk [tilespmem:v44+s8+$0x0], $0xffff;
	_ =	sdelay $0x2  }
0x2eb: {  	v16 =	vmul.f32 v16, v45;
	v17 =	vmul.f32 v17, v46;
	_ =	sdelay $0x1  }
0x2ec: {  	v16 =	vadd.f32 v17, v16;
	v17 =	vmul.f32 v18, v48;
	_ =	sdelay $0x1  }
0x2ed: {  	v16 =	vadd.f32 v17, v16;
	_ =	sdelay $0x1  }
0x2ee: {  	[tilespmem:$0xA6A0] =	vst v16  }
0x2ef: {  	v16 =	vld.idx.msk [tilespmem:v14+s21+$0x0], $0xffff;
	_ =	sdelay $0x4  }
0x2f0: {  	[tilespmem:$0xA7A0] =	vst v16  }
0x2f1: {  	v16 =	vld.idx.msk [tilespmem:v15+s12+$0x0], $0xffff  }
0x2f2: {  	v17 =	vld.idx.msk [tilespmem:v15+s13+$0x0], $0xffff;
	_ =	sdelay $0x1  }
0x2f3: {  	v54 =	vld.idx.msk [tilespmem:v15+s14+$0x0], $0xffff;
	_ =	sdelay $0x2  }
0x2f4: {  	v55 =	vld [tilespmem:$0x9F30]  }
0x2f5: {  	v56 =	vld [tilespmem:$0xA030]  }
0x2f6: {  	v21 =	vld.idx.msk [tilespmem:v16+s1+$0x0], $0xffff  }
0x2f7: {  	v57 =	vld.idx.msk [tilespmem:v17+s1+$0x0], $0xffff  }
0x2f8: {  	v58 =	vld [tilespmem:$0xA130]  }
0x2f9: {  	v59 =	vld.idx.msk [tilespmem:v54+s1+$0x0], $0xffff;
	_ =	sdelay $0x2  }
0x2fa: {  	v21 =	vmul.f32 v21, v55;
	v22 =	vmul.f32 v57, v56;
	_ =	sdelay $0x1  }
0x2fb: {  	v60 =	vmul.f32 v59, v58;
	v21 =	vadd.f32 v22, v21;
	_ =	sdelay $0x1  }
0x2fc: {  	v21 =	vadd.f32 v60, v21;
	_ =	sdelay $0x1  }
0x2fd: {  	[tilespmem:$0xA4B0] =	vst v21  }
0x2fe: {  	v21 =	vld.idx.msk [tilespmem:v16+s7+$0x0], $0xffff  }
0x2ff: {  	v61 =	vld.idx.msk [tilespmem:v17+s7+$0x0], $0xffff;
	_ =	sdelay $0x1  }
0x300: {  	v62 =	vld.idx.msk [tilespmem:v54+s7+$0x0], $0xffff;
	_ =	sdelay $0x2  }
0x301: {  	v21 =	vmul.f32 v21, v55;
	v22 =	vmul.f32 v61, v56;
	_ =	sdelay $0x1  }
0x302: {  	v63 =	vmul.f32 v62, v58;
	v21 =	vadd.f32 v22, v21;
	_ =	sdelay $0x1  }
0x303: {  	v21 =	vadd.f32 v63, v21;
	_ =	sdelay $0x1  }
0x304: {  	[tilespmem:$0xA5B0] =	vst v21  }
0x305: {  	v16 =	vld.idx.msk [tilespmem:v16+s8+$0x0], $0xffff  }
0x306: {  	v17 =	vld.idx.msk [tilespmem:v17+s8+$0x0], $0xffff;
	_ =	sdelay $0x1  }
0x307: {  	v18 =	vld.idx.msk [tilespmem:v54+s8+$0x0], $0xffff;
	_ =	sdelay $0x2  }
0x308: {  	v16 =	vmul.f32 v16, v55;
	v17 =	vmul.f32 v17, v56;
	_ =	sdelay $0x1  }
0x309: {  	v16 =	vadd.f32 v17, v16;
	v17 =	vmul.f32 v18, v58;
	_ =	sdelay $0x1  }
0x30a: {  	v16 =	vadd.f32 v17, v16;
	_ =	sdelay $0x1  }
0x30b: {  	[tilespmem:$0xA6B0] =	vst v16  }
0x30c: {  	v16 =	vld.idx.msk [tilespmem:v15+s21+$0x0], $0xffff;
	_ =	sdelay $0x4  }
0x30d: {  	s2 =	rddreg [dreg:$0x13];
	[tilespmem:$0xA7B0] =	vst v16  }
0x30e: {  	[hbm4b:s2+s1] =	stream.linear.scatter [tilespmem:s22], [sflag:$0x1], $0x40, $0x38;
	[tilespmem:$0xA7C0] =	vst v63  }
0x30f: {  	_ =	swait.ge [sflag:s6], $0x40  }
0x310: {  	[sflag:s6] =	ssyncset.done $0x0  }
0x311: {  	s2 =	rddreg [dreg:$0x14];
	[sflag:s6] =	ssyncadd.s32 $0xFFFFFFC0  }
0x312: {  	[hbm4b:s2+s1] =	stream.linear.scatter [tilespmem:s23], [sflag:$0x1], $0x40, $0x38;
	[tilespmem:$0xA7C0] =	vst v63  }
0x313: {  	_ =	swait.ge [sflag:s6], $0x40  }
0x314: {  	[sflag:s6] =	ssyncset.done $0x0  }
0x315: {  	s2 =	rddreg [dreg:$0x15];
	[sflag:s6] =	ssyncadd.s32 $0xFFFFFFC0  }
0x316: {  	[hbm4b:s2+s1] =	stream.linear.scatter [tilespmem:s24], [sflag:$0x1], $0x40, $0x38;
	[tilespmem:$0xA7C0] =	vst v63  }
0x317: {  	_ =	swait.ge [sflag:s6], $0x40  }
0x318: {  	[sflag:s6] =	ssyncset.done $0x0  }
0x319: {  	s2 =	rddreg [dreg:$0x16];
	[sflag:s6] =	ssyncadd.s32 $0xFFFFFFC0  }
0x31a: {  	[hbm4b:s2+s1] =	stream.linear.scatter [tilespmem:s25], [sflag:$0x1], $0x80, $0x38;
	[tilespmem:$0xA7C0] =	vst v63  }
0x31b: {  	_ =	swait.ge [sflag:s6], $0x80  }
0x31c: {  	[sflag:s6] =	ssyncset.done $0x0  }
0x31d: {  	s2 =	rddreg [dreg:$0x17];
	[sflag:s6] =	ssyncadd.s32 $0xFFFFFF80  }
0x31e: {  	[hbm4b:s2+s1] =	stream.linear.scatter [tilespmem:s26], [sflag:$0x1], $0x80, $0x38;
	[tilespmem:$0xA7C0] =	vst v63  }
0x31f: {  	_ =	swait.ge [sflag:s6], $0x80  }
0x320: {  	[sflag:s6] =	ssyncset.done $0x0  }
0x321: {  	s2 =	rddreg [dreg:$0x18];
	[sflag:s6] =	ssyncadd.s32 $0xFFFFFF80  }
0x322: {  	[hbm4b:s2+s1] =	stream.linear.scatter [tilespmem:s28], [sflag:$0x1], $0x80, $0x38;
	[tilespmem:$0xA7C0] =	vst v63  }
0x323: {  	_ =	swait.ge [sflag:s6], $0x80  }
0x324: {  	[sflag:s6] =	ssyncset.done $0x0  }
0x325: {  	s2 =	rddreg [dreg:$0x19];
	[sflag:s6] =	ssyncadd.s32 $0xFFFFFF80  }
0x326: {  	[hbm4b:s2+s1] =	stream.linear.scatter [tilespmem:s29], [sflag:$0x1], $0x100, $0x38;
	[tilespmem:$0xA7C0] =	vst v63  }
0x327: {  	_ =	swait.ge [sflag:s6], $0x100  }
0x328: {  	[sflag:s6] =	ssyncset.done $0x0  }
0x329: {  	s2 =	rddreg [dreg:$0x1a];
	[sflag:s6] =	ssyncadd.s32 $0xFFFFFF00  }
0x32a: {  	[hbm4b:s2+s1] =	stream.linear.scatter [tilespmem:s30], [sflag:$0x1], $0x100, $0x38;
	[tilespmem:$0xA7C0] =	vst v63  }
0x32b: {  	_ =	swait.ge [sflag:s6], $0x100  }
0x32c: {  	[sflag:s6] =	ssyncset.done $0x0  }
0x32d: {  	[sflag:s6] =	ssyncadd.s32 $0xFFFFFF00  }
0x32e: {  	[hbm4b:s3+s1] =	stream.linear.scatter [tilespmem:s31], [sflag:$0x1], $0x100, $0x38;
	[tilespmem:$0xA7C0] =	vst v63  }
0x32f: {  	_ =	swait.ge [sflag:s6], $0x100  }
0x330: {  	p0 =	sne.s32 s5, $0x1;
	[sflag:s6] =	ssyncset.done $0x0  }
.Ltmp0:
0x331: {  	[sflag:s6] =	ssyncadd.s32 $0xFFFFFF00;
	(pc) =	sbr.rel @p0 .LBB2_1-.Ltmp0, $4  }
0x332: {  	[hbm4b:s4+s1] =	stream.linear.scatter [tilespmem:s0], [sflag:$0x1], $0x100, $0x38;
	[tilespmem:$0xA7C0] =	vst v63  }
0x333: {  	_ =	swait.ge [sflag:s6], $0x100  }
0x334: {  	[sflag:s6] =	ssyncset.done $0x0  }
0x335: {  	s5 =	sadd.s32 $0xFFFFFFFF, s5;
	[sflag:s6] =	ssyncadd.s32 $0xFFFFFF00  }
0x336: {  	_ =	sfence.sel $0x180000  }
0x337: {  	[bflag:$0x0] =	sbarrier.arrive $0xFFFF  }
0x338: {  	_ =	strace $0x90000047  }
0x339: {  	s0 =	stileid.u32;
	[bflag:$0x2] =	sbarrier.arrive $0xFFFF  }
0x33a: {  	p0 =	sne.s32 s0, $0x0;
	s0 =	rddreg [dreg:$0x2]  }
0x33b: {  	s0 =	sadd.s32 @!p0 $0x100000, s0  }
0x33c: {  	[sflag:s0] =	ssyncadd.tile.s32 @!p0 $0x1;
	_ =	shalt  }
.Lfunc_end2:
_tile_overlayer_lowered:
.L_overlay_start_2:
0x33d: {  	(tag) =	ssettag $0x2  }
0x33e: {  	s0 =	rddreg [dreg:$0x0];
	s2 =	stileid.u32  }
0x33f: {  	s1 =	rddreg [dreg:$0x1];
	p0 =	sne.s32 s2, $0x0  }
0x340: {  	s3 =	rddreg [dreg:$0x2];
	[bflag:$0x3] =	sbarrier.arrive $0xFFFF;
	s2 =	simm.s32 @!p0 $0x1C01  }
0x341: {  	[timem:s3], [sflag:s2] =	dma.local @!p0 [hbm:s0], s1  }
0x342: {  	s0 =	simm.s32 @!p0 $0x1  }
0x343: {  	_ =	swait.ge @!p0 [sflag:s0], s1  }
0x344: {  	s1 =	ssub.s32 @!p0 $0x0, s1;
	[sflag:s0] =	ssyncset.done @!p0 $0x0  }
0x345: {  	[sflag:s0] =	ssyncadd.s32 @!p0 s1  }
0x346: {  	[bflag:$0x3] =	sbarrier.arrive $0xFFFF  }
0x347: {  	_ =	shalt  }

</sc_bundles>
